<compile_context>
chip_gen: v7x
topology: tpu7x:2x2x1
jax: 0.10.2.dev20260603
libtpu: 0.0.44.dev20260713+nightly
codegen_flags: <defaults>
</compile_context>

<pallas_src>
import functools

import jax
import jax.numpy as jnp
from jax import lax
from jax.experimental import pallas as pl
from jax.experimental.pallas import tpu as pltpu
from jax.experimental.pallas import tpu_sc as plsc

_VOCAB = 1000000
_EMBED = 64
_HIDDEN = 100
_OUT_PAD = 16
_BATCH = 4096
_SEQ = 200

_TB = 16384
_TS = _TB // 8
_NBLK = -(-_VOCAB // _TB)

_NC = 2
_NS = 16
_NW = _NC * _NS
_B_PER_W = _BATCH // _NW
_CHUNK = 100
_CHUNKS_PER_BATCH = _SEQ // _CHUNK


def _mlp_body(tabt_ref, w1t_ref, b1_ref, w2t_ref, b2_ref, w3_ref, b3_ref, g_ref):
    bf = jnp.bfloat16
    xT = tabt_ref[...].astype(bf)
    hT = jnp.tanh(
        jnp.dot(w1t_ref[...], xT, preferred_element_type=jnp.float32)
        + b1_ref[...]
    )
    hT = jnp.tanh(
        jnp.dot(w2t_ref[...], hT.astype(bf), preferred_element_type=jnp.float32)
        + b2_ref[...]
    )
    hTb = hT.astype(bf)
    for j in range(8):
        slab = hTb[:, j * _TS : (j + 1) * _TS]
        tile = lax.dot_general(
            slab,
            w3_ref[...],
            (((0,), (0,)), ((), ())),
            preferred_element_type=jnp.float32,
        )
        g_ref[:, j * _OUT_PAD : (j + 1) * _OUT_PAD] = tile + b3_ref[...]


def _compute_g(tabT, W1T, b1c, W2T, b2c, W3Tp, b3c):
    full = lambda shape: pl.BlockSpec(shape, lambda i: (0, 0))
    return pl.pallas_call(
        _mlp_body,
        grid=(_NBLK,),
        in_specs=[
            pl.BlockSpec((_EMBED, _TB), lambda i: (0, i)),
            full((_HIDDEN, _EMBED)),
            full((_HIDDEN, 1)),
            full((_HIDDEN, _HIDDEN)),
            full((_HIDDEN, 1)),
            full((_HIDDEN, _OUT_PAD)),
            full((1, _OUT_PAD)),
        ],
        out_specs=pl.BlockSpec((_TS, 8 * _OUT_PAD), lambda i: (i, 0)),
        out_shape=jax.ShapeDtypeStruct((_NBLK * _TS, 8 * _OUT_PAD), jnp.float32),
        compiler_params=pltpu.CompilerParams(fuse_transposed_lhs_in_matmul=True),
    )(tabT, W1T, b1c, W2T, b2c, W3Tp, b3c)


def _sc_body(
    g_hbm, idx_hbm, out_hbm, idx_v, rows0, rows1, rows2, rows3, acc_v,
    sem0, sem1, sem2, sem3,
):
    wid = lax.axis_index("s") * _NC + lax.axis_index("c")
    nchunks = _B_PER_W * _CHUNKS_PER_BATCH
    pltpu.sync_copy(idx_hbm.at[pl.ds(wid * nchunks, nchunks)], idx_v)

    zero = jnp.zeros((_OUT_PAD,), jnp.float32)
    bufs = (rows0, rows1, rows2, rows3)
    sems = (sem0, sem1, sem2, sem3)
    ndeep = len(bufs)

    def gather(row, t):
        return pltpu.make_async_copy(g_hbm.at[idx_v.at[row]], bufs[t], sems[t])

    def sum_rows(buf, acc):
        lanes = [acc] + [zero] * 7
        for base in range(0, _CHUNK, 8):
            for k in range(8):
                if base + k < _CHUNK:
                    lanes[k] = lanes[k] + buf[base + k]
        return (
            (lanes[0] + lanes[1]) + (lanes[2] + lanes[3])
        ) + ((lanes[4] + lanes[5]) + (lanes[6] + lanes[7]))

    for t in range(ndeep):
        gather(t, t).start()

    def pair_body(i, carry):
        base = i * ndeep
        s = []
        for t in range(ndeep):
            gather(base + t, t).wait()
            s.append(sum_rows(bufs[t], zero))

            @pl.when(base + t + ndeep < nchunks)
            def _(t=t):
                gather(base + t + ndeep, t).start()

        acc_v[2 * i] = s[0] + s[1]
        acc_v[2 * i + 1] = s[2] + s[3]
        return carry

    lax.fori_loop(0, _B_PER_W // 2, pair_body, 0)
    pltpu.sync_copy(acc_v, out_hbm.at[pl.ds(wid * _B_PER_W, _B_PER_W)])


def _bag_sum(g, idx_rows):
    mesh = plsc.VectorSubcoreMesh(core_axis_name="c", subcore_axis_name="s")
    run = pl.kernel(
        _sc_body,
        out_type=jax.ShapeDtypeStruct((_BATCH, _OUT_PAD), jnp.float32),
        mesh=mesh,
        scratch_types=[
            pltpu.VMEM((_B_PER_W * _CHUNKS_PER_BATCH, _CHUNK), jnp.int32),
            pltpu.VMEM((_CHUNK, _OUT_PAD), jnp.float32),
            pltpu.VMEM((_CHUNK, _OUT_PAD), jnp.float32),
            pltpu.VMEM((_CHUNK, _OUT_PAD), jnp.float32),
            pltpu.VMEM((_CHUNK, _OUT_PAD), jnp.float32),
            pltpu.VMEM((_B_PER_W, _OUT_PAD), jnp.float32),
            pltpu.SemaphoreType.DMA,
            pltpu.SemaphoreType.DMA,
            pltpu.SemaphoreType.DMA,
            pltpu.SemaphoreType.DMA,
        ],
        compiler_params=pltpu.CompilerParams(use_tc_tiling_on_sc=False),
    )
    return run(g, idx_rows)


def kernel(inputs, table, W1, b1, W2, b2, W3, b3):
    out_dim = W3.shape[1]
    W3p = jnp.zeros((_HIDDEN, _OUT_PAD), jnp.float32).at[:, :out_dim].set(W3)
    b3p = jnp.zeros((_OUT_PAD,), jnp.float32).at[:out_dim].set(b3)

    g128 = _compute_g(
        table.T,
        W1.T.astype(jnp.bfloat16),
        b1.reshape(_HIDDEN, 1),
        W2.T.astype(jnp.bfloat16),
        b2.reshape(_HIDDEN, 1),
        W3p.astype(jnp.bfloat16),
        b3p.reshape(1, _OUT_PAD),
    )

    g = jnp.reshape(g128, (_NBLK * _TB, _OUT_PAD))
    idx = inputs.astype(jnp.int32)
    idx = (idx // _TB) * _TB + (idx % _TS) * 8 + (idx % _TB) // _TS
    idx_rows = idx.reshape(_BATCH * _CHUNKS_PER_BATCH, _CHUNK)
    out = _bag_sum(g, idx_rows)
    return out[:, :out_dim]

# --- scband reference (transcript-rebuilt; emitter-appended) ---
"""Pipeline reference for scband-deep-cbow-62380105007200 (READ-ONLY COPY).

The authoritative reference and input builder live on the scoring server;
editing this copy changes nothing except your own understanding.
"""

import jax, jax.numpy as jnp
import numpy as np

VOCAB = 1000000
EMBED_DIM = 64
HIDDEN_DIM = 100
OUTPUT_DIM = 5
BATCH = 4096
SEQ = 200


def setup_inputs(seed: int = 0) -> dict:
    key = jax.random.key(seed)
    k_idx, k_tab, k_w1, k_b1, k_w2, k_b2, k_w3, k_b3 = jax.random.split(key, 8)
    inputs = jax.random.randint(k_idx, (BATCH, SEQ), 0, VOCAB, dtype=jnp.int64 if jax.config.jax_enable_x64 else jnp.int32)
    table = jax.random.normal(k_tab, (VOCAB, EMBED_DIM), dtype=jnp.float32)
    W1 = jax.random.normal(k_w1, (EMBED_DIM, HIDDEN_DIM), dtype=jnp.float32) * (1.0 / np.sqrt(EMBED_DIM))
    b1 = jax.random.normal(k_b1, (HIDDEN_DIM,), dtype=jnp.float32) * 0.01
    W2 = jax.random.normal(k_w2, (HIDDEN_DIM, HIDDEN_DIM), dtype=jnp.float32) * (1.0 / np.sqrt(HIDDEN_DIM))
    b2 = jax.random.normal(k_b2, (HIDDEN_DIM,), dtype=jnp.float32) * 0.01
    W3 = jax.random.normal(k_w3, (HIDDEN_DIM, OUTPUT_DIM), dtype=jnp.float32) * (1.0 / np.sqrt(HIDDEN_DIM))
    b3 = jax.random.normal(k_b3, (OUTPUT_DIM,), dtype=jnp.float32) * 0.01
    return {"inputs": inputs, "table": table, "W1": W1, "b1": b1, "W2": W2, "b2": b2, "W3": W3, "b3": b3}


def reference(inputs, table, W1, b1, W2, b2, W3, b3):
    # nn.Embedding lookup: gather rows of the table
    embeds = jnp.take(table, inputs, axis=0)  # [B, L, D]
    # Sequential MLP applied per-token (matches torch Linear: x @ W + b with W stored as [in, out])
    h = jnp.tanh(embeds @ W1 + b1)
    h = jnp.tanh(h @ W2 + b2)
    out = h @ W3 + b3  # [B, L, output_dim]
    # sum over sequence dim (dim=1)
    out = out.sum(axis=1)  # [B, output_dim]
    return out

if __name__ == "__main__":
    import jax
    _d = setup_inputs()
    print(jax.jit(kernel)(*tuple(_d.values())))

</pallas_src>

<mosaic_0001>
#map = affine_map<(d0, d1) -> (0, 0)>
module attributes {stable_mosaic.version = 14 : i64} {
  func.func @_sc_body(%arg0: i32, %arg1: i32, %arg2: memref<1015808x16xf32, #tpu.memory_space<hbm>>, %arg3: memref<8192x100xi32, #tpu.memory_space<hbm>>, %arg4: memref<4096x16xf32, #tpu.memory_space<hbm>>, %arg5: memref<256x100xi32, #tpu.memory_space<vmem>>, %arg6: memref<100x16xf32, #tpu.memory_space<vmem>>, %arg7: memref<100x16xf32, #tpu.memory_space<vmem>>, %arg8: memref<100x16xf32, #tpu.memory_space<vmem>>, %arg9: memref<100x16xf32, #tpu.memory_space<vmem>>, %arg10: memref<128x16xf32, #tpu.memory_space<vmem>>, %arg11: memref<!tpu.dma_semaphore, #tpu.memory_space<semaphore_mem>>, %arg12: memref<!tpu.dma_semaphore, #tpu.memory_space<semaphore_mem>>, %arg13: memref<!tpu.dma_semaphore, #tpu.memory_space<semaphore_mem>>, %arg14: memref<!tpu.dma_semaphore, #tpu.memory_space<semaphore_mem>>) attributes {dimension_semantics = [#tpu.dimension_semantics<core_parallel>, #tpu.dimension_semantics<subcore_parallel>], iteration_bounds = array<i64: 2, 16>, scalar_prefetch = 0 : i64, scratch_operands = 10 : i64, tpu.core_type = #tpu.core_type<sc_vector_subcore>, window_params = [{transform_indices = #map}, {transform_indices = #map}, {transform_indices = #map}]} {
    %mul3A = arith.constant 2 : i32
    %mul3A_0 = arith.muli %arg1, %mul3A : i32
    %add3A = arith.addi %mul3A_0, %arg0 : i32
    %mul3A_1 = arith.constant 256 : i32
    %mul3A_2 = arith.muli %add3A, %mul3A_1 : i32
    "tpu.region"() ({
      %run_scoped3A = tpu.sem_alloc : memref<!tpu.dma_semaphore, #tpu.memory_space<semaphore_mem>>
      %dma_start3A_38 = arith.constant 0 : i32
      %dma_start3A_39 = tpu.memref_slice %arg3[%mul3A_2, %dma_start3A_38] : memref<8192x100xi32, #tpu.memory_space<hbm>> -> memref<256x100xi32, #tpu.memory_space<hbm>>
      %dma_start3A_40 = arith.constant 0 : i32
      %dma_start3A_41 = tpu.memref_slice %arg3[%mul3A_2, %dma_start3A_40] : memref<8192x100xi32, #tpu.memory_space<hbm>> -> memref<256x100xi32, #tpu.memory_space<hbm>>
      tpu.enqueue_dma source(%dma_start3A_41 : memref<256x100xi32, #tpu.memory_space<hbm>>) target(%arg5 : memref<256x100xi32, #tpu.memory_space<vmem>>) target_semaphore(%run_scoped3A : memref<!tpu.dma_semaphore, #tpu.memory_space<semaphore_mem>>)
      %dma_wait3A = arith.constant 0 : i32
      %dma_wait3A_42 = tpu.memref_slice %arg3[%mul3A_2, %dma_wait3A] : memref<8192x100xi32, #tpu.memory_space<hbm>> -> memref<256x100xi32, #tpu.memory_space<hbm>>
      %dma_wait3A_43 = arith.constant 0 : i32
      %dma_wait3A_44 = tpu.memref_slice %arg3[%mul3A_2, %dma_wait3A_43] : memref<8192x100xi32, #tpu.memory_space<hbm>> -> memref<256x100xi32, #tpu.memory_space<hbm>>
      tpu.wait_dma2 semaphore(%run_scoped3A : memref<!tpu.dma_semaphore, #tpu.memory_space<semaphore_mem>>) src(%dma_wait3A_44 : memref<256x100xi32, #tpu.memory_space<hbm>>) dst(%arg5 : memref<256x100xi32, #tpu.memory_space<vmem>>)
      tpu.yield
    }) : () -> ()
    %broadcast_in_dim3A = arith.constant 0.000000e+00 : f32
    %broadcast_in_dim3A_3 = vector.broadcast %broadcast_in_dim3A : f32 to vector<16xf32>
    %dma_start3A = arith.constant 0 : i32
    %dma_start3A_4 = arith.constant 0 : i32
    %dma_start3A_5 = tpu.memref_slice %arg5[%dma_start3A, %dma_start3A_4] : memref<256x100xi32, #tpu.memory_space<vmem>> -> memref<1x100xi32, #tpu.memory_space<vmem>>
    %dma_start3A_6 = tpu.memref_squeeze %dma_start3A_5 : memref<1x100xi32, #tpu.memory_space<vmem>> -> memref<100xi32, #tpu.memory_space<vmem>>
    %dma_start3A_7 = arith.constant 0 : i32
    %dma_start3A_8 = arith.constant 0 : i32
    %dma_start3A_9 = tpu.memref_slice %arg2[%dma_start3A_7, %dma_start3A_8] : memref<1015808x16xf32, #tpu.memory_space<hbm>> -> memref<1015808x16xf32, #tpu.memory_space<hbm>>
    tpu.enqueue_indirect_dma source(%dma_start3A_9 : memref<1015808x16xf32, #tpu.memory_space<hbm>>) target(%arg6 : memref<100x16xf32, #tpu.memory_space<vmem>>) offsets(%dma_start3A_6 : memref<100xi32, #tpu.memory_space<vmem>>) semaphore(%arg11 : memref<!tpu.dma_semaphore, #tpu.memory_space<semaphore_mem>>)
    %dma_start3A_10 = arith.constant 1 : i32
    %dma_start3A_11 = arith.constant 0 : i32
    %dma_start3A_12 = tpu.memref_slice %arg5[%dma_start3A_10, %dma_start3A_11] : memref<256x100xi32, #tpu.memory_space<vmem>> -> memref<1x100xi32, #tpu.memory_space<vmem>>
    %dma_start3A_13 = tpu.memref_squeeze %dma_start3A_12 : memref<1x100xi32, #tpu.memory_space<vmem>> -> memref<100xi32, #tpu.memory_space<vmem>>
    %dma_start3A_14 = arith.constant 0 : i32
    %dma_start3A_15 = arith.constant 0 : i32
    %dma_start3A_16 = tpu.memref_slice %arg2[%dma_start3A_14, %dma_start3A_15] : memref<1015808x16xf32, #tpu.memory_space<hbm>> -> memref<1015808x16xf32, #tpu.memory_space<hbm>>
    tpu.enqueue_indirect_dma source(%dma_start3A_16 : memref<1015808x16xf32, #tpu.memory_space<hbm>>) target(%arg7 : memref<100x16xf32, #tpu.memory_space<vmem>>) offsets(%dma_start3A_13 : memref<100xi32, #tpu.memory_space<vmem>>) semaphore(%arg12 : memref<!tpu.dma_semaphore, #tpu.memory_space<semaphore_mem>>)
    %dma_start3A_17 = arith.constant 2 : i32
    %dma_start3A_18 = arith.constant 0 : i32
    %dma_start3A_19 = tpu.memref_slice %arg5[%dma_start3A_17, %dma_start3A_18] : memref<256x100xi32, #tpu.memory_space<vmem>> -> memref<1x100xi32, #tpu.memory_space<vmem>>
    %dma_start3A_20 = tpu.memref_squeeze %dma_start3A_19 : memref<1x100xi32, #tpu.memory_space<vmem>> -> memref<100xi32, #tpu.memory_space<vmem>>
    %dma_start3A_21 = arith.constant 0 : i32
    %dma_start3A_22 = arith.constant 0 : i32
    %dma_start3A_23 = tpu.memref_slice %arg2[%dma_start3A_21, %dma_start3A_22] : memref<1015808x16xf32, #tpu.memory_space<hbm>> -> memref<1015808x16xf32, #tpu.memory_space<hbm>>
    tpu.enqueue_indirect_dma source(%dma_start3A_23 : memref<1015808x16xf32, #tpu.memory_space<hbm>>) target(%arg8 : memref<100x16xf32, #tpu.memory_space<vmem>>) offsets(%dma_start3A_20 : memref<100xi32, #tpu.memory_space<vmem>>) semaphore(%arg13 : memref<!tpu.dma_semaphore, #tpu.memory_space<semaphore_mem>>)
    %dma_start3A_24 = arith.constant 3 : i32
    %dma_start3A_25 = arith.constant 0 : i32
    %dma_start3A_26 = tpu.memref_slice %arg5[%dma_start3A_24, %dma_start3A_25] : memref<256x100xi32, #tpu.memory_space<vmem>> -> memref<1x100xi32, #tpu.memory_space<vmem>>
    %dma_start3A_27 = tpu.memref_squeeze %dma_start3A_26 : memref<1x100xi32, #tpu.memory_space<vmem>> -> memref<100xi32, #tpu.memory_space<vmem>>
    %dma_start3A_28 = arith.constant 0 : i32
    %dma_start3A_29 = arith.constant 0 : i32
    %dma_start3A_30 = tpu.memref_slice %arg2[%dma_start3A_28, %dma_start3A_29] : memref<1015808x16xf32, #tpu.memory_space<hbm>> -> memref<1015808x16xf32, #tpu.memory_space<hbm>>
    tpu.enqueue_indirect_dma source(%dma_start3A_30 : memref<1015808x16xf32, #tpu.memory_space<hbm>>) target(%arg9 : memref<100x16xf32, #tpu.memory_space<vmem>>) offsets(%dma_start3A_27 : memref<100xi32, #tpu.memory_space<vmem>>) semaphore(%arg14 : memref<!tpu.dma_semaphore, #tpu.memory_space<semaphore_mem>>)
    %scan3A = arith.constant 0 : i32
    %scan3A_31 = arith.constant 0 : i32
    %scan3A_32 = arith.constant 64 : i32
    %scan3A_33 = arith.addi %scan3A_31, %scan3A_32 : i32
    %scan3A_34 = arith.constant 1 : i32
    scf.for %scan3A_38 = %scan3A_31 to %scan3A_33 step %scan3A_34  : i32 {
      %mul3A_39 = arith.constant 4 : i32
      %mul3A_40 = arith.muli %scan3A_38, %mul3A_39 : i32
      %add3A_41 = arith.constant 0 : i32
      %add3A_42 = arith.addi %mul3A_40, %add3A_41 : i32
      %dma_wait3A = arith.constant 0 : i32
      %dma_wait3A_43 = tpu.memref_slice %arg5[%add3A_42, %dma_wait3A] : memref<256x100xi32, #tpu.memory_space<vmem>> -> memref<1x100xi32, #tpu.memory_space<vmem>>
      %dma_wait3A_44 = tpu.memref_squeeze %dma_wait3A_43 : memref<1x100xi32, #tpu.memory_space<vmem>> -> memref<100xi32, #tpu.memory_space<vmem>>
      %dma_wait3A_45 = arith.constant 0 : i32
      %dma_wait3A_46 = arith.constant 0 : i32
      %dma_wait3A_47 = tpu.memref_slice %arg2[%dma_wait3A_45, %dma_wait3A_46] : memref<1015808x16xf32, #tpu.memory_space<hbm>> -> memref<1015808x16xf32, #tpu.memory_space<hbm>>
      tpu.wait_indirect_dma semaphore(%arg11 : memref<!tpu.dma_semaphore, #tpu.memory_space<semaphore_mem>>) src(%dma_wait3A_47 : memref<1015808x16xf32, #tpu.memory_space<hbm>>) dst(%arg6 : memref<100x16xf32, #tpu.memory_space<vmem>>)
      %get3A = arith.constant 0 : i32
      %get3A_48 = arith.index_cast %get3A : i32 to index
      %get3A_49 = arith.constant 0 : index
      %get3A_50 = tpu.vector_load %arg6[%get3A_48, %get3A_49] {strides = array<i32>} : memref<100x16xf32, #tpu.memory_space<vmem>>, vector<1x16xf32>,
      %get3A_51 = vector.shape_cast %get3A_50 : vector<1x16xf32> to vector<16xf32>
      %add3A_52 = arith.addf %broadcast_in_dim3A_3, %get3A_51 : vector<16xf32>
      %get3A_53 = arith.constant 1 : i32
      %get3A_54 = arith.index_cast %get3A_53 : i32 to index
      %get3A_55 = arith.constant 0 : index
      %get3A_56 = tpu.vector_load %arg6[%get3A_54, %get3A_55] {strides = array<i32>} : memref<100x16xf32, #tpu.memory_space<vmem>>, vector<1x16xf32>,
      %get3A_57 = vector.shape_cast %get3A_56 : vector<1x16xf32> to vector<16xf32>
      %add3A_58 = arith.addf %broadcast_in_dim3A_3, %get3A_57 : vector<16xf32>
      %get3A_59 = arith.constant 2 : i32
      %get3A_60 = arith.index_cast %get3A_59 : i32 to index
      %get3A_61 = arith.constant 0 : index
      %get3A_62 = tpu.vector_load %arg6[%get3A_60, %get3A_61] {strides = array<i32>} : memref<100x16xf32, #tpu.memory_space<vmem>>, vector<1x16xf32>,
      %get3A_63 = vector.shape_cast %get3A_62 : vector<1x16xf32> to vector<16xf32>
      %add3A_64 = arith.addf %broadcast_in_dim3A_3, %get3A_63 : vector<16xf32>
      %get3A_65 = arith.constant 3 : i32
      %get3A_66 = arith.index_cast %get3A_65 : i32 to index
      %get3A_67 = arith.constant 0 : index
      %get3A_68 = tpu.vector_load %arg6[%get3A_66, %get3A_67] {strides = array<i32>} : memref<100x16xf32, #tpu.memory_space<vmem>>, vector<1x16xf32>,
      %get3A_69 = vector.shape_cast %get3A_68 : vector<1x16xf32> to vector<16xf32>
      %add3A_70 = arith.addf %broadcast_in_dim3A_3, %get3A_69 : vector<16xf32>
      %get3A_71 = arith.constant 4 : i32
      %get3A_72 = arith.index_cast %get3A_71 : i32 to index
      %get3A_73 = arith.constant 0 : index
      %get3A_74 = tpu.vector_load %arg6[%get3A_72, %get3A_73] {strides = array<i32>} : memref<100x16xf32, #tpu.memory_space<vmem>>, vector<1x16xf32>,
      %get3A_75 = vector.shape_cast %get3A_74 : vector<1x16xf32> to vector<16xf32>
      %add3A_76 = arith.addf %broadcast_in_dim3A_3, %get3A_75 : vector<16xf32>
      %get3A_77 = arith.constant 5 : i32
      %get3A_78 = arith.index_cast %get3A_77 : i32 to index
      %get3A_79 = arith.constant 0 : index
      %get3A_80 = tpu.vector_load %arg6[%get3A_78, %get3A_79] {strides = array<i32>} : memref<100x16xf32, #tpu.memory_space<vmem>>, vector<1x16xf32>,
      %get3A_81 = vector.shape_cast %get3A_80 : vector<1x16xf32> to vector<16xf32>
      %add3A_82 = arith.addf %broadcast_in_dim3A_3, %get3A_81 : vector<16xf32>
      %get3A_83 = arith.constant 6 : i32
      %get3A_84 = arith.index_cast %get3A_83 : i32 to index
      %get3A_85 = arith.constant 0 : index
      %get3A_86 = tpu.vector_load %arg6[%get3A_84, %get3A_85] {strides = array<i32>} : memref<100x16xf32, #tpu.memory_space<vmem>>, vector<1x16xf32>,
      %get3A_87 = vector.shape_cast %get3A_86 : vector<1x16xf32> to vector<16xf32>
      %add3A_88 = arith.addf %broadcast_in_dim3A_3, %get3A_87 : vector<16xf32>
      %get3A_89 = arith.constant 7 : i32
      %get3A_90 = arith.index_cast %get3A_89 : i32 to index
      %get3A_91 = arith.constant 0 : index
      %get3A_92 = tpu.vector_load %arg6[%get3A_90, %get3A_91] {strides = array<i32>} : memref<100x16xf32, #tpu.memory_space<vmem>>, vector<1x16xf32>,
      %get3A_93 = vector.shape_cast %get3A_92 : vector<1x16xf32> to vector<16xf32>
      %add3A_94 = arith.addf %broadcast_in_dim3A_3, %get3A_93 : vector<16xf32>
      %get3A_95 = arith.constant 8 : i32
      %get3A_96 = arith.index_cast %get3A_95 : i32 to index
      %get3A_97 = arith.constant 0 : index
      %get3A_98 = tpu.vector_load %arg6[%get3A_96, %get3A_97] {strides = array<i32>} : memref<100x16xf32, #tpu.memory_space<vmem>>, vector<1x16xf32>,
      %get3A_99 = vector.shape_cast %get3A_98 : vector<1x16xf32> to vector<16xf32>
      %add3A_100 = arith.addf %add3A_52, %get3A_99 : vector<16xf32>
      %get3A_101 = arith.constant 9 : i32
      %get3A_102 = arith.index_cast %get3A_101 : i32 to index
      %get3A_103 = arith.constant 0 : index
      %get3A_104 = tpu.vector_load %arg6[%get3A_102, %get3A_103] {strides = array<i32>} : memref<100x16xf32, #tpu.memory_space<vmem>>, vector<1x16xf32>,
      %get3A_105 = vector.shape_cast %get3A_104 : vector<1x16xf32> to vector<16xf32>
      %add3A_106 = arith.addf %add3A_58, %get3A_105 : vector<16xf32>
      %get3A_107 = arith.constant 10 : i32
      %get3A_108 = arith.index_cast %get3A_107 : i32 to index
      %get3A_109 = arith.constant 0 : index
      %get3A_110 = tpu.vector_load %arg6[%get3A_108, %get3A_109] {strides = array<i32>} : memref<100x16xf32, #tpu.memory_space<vmem>>, vector<1x16xf32>,
      %get3A_111 = vector.shape_cast %get3A_110 : vector<1x16xf32> to vector<16xf32>
      %add3A_112 = arith.addf %add3A_64, %get3A_111 : vector<16xf32>
      %get3A_113 = arith.constant 11 : i32
      %get3A_114 = arith.index_cast %get3A_113 : i32 to index
      %get3A_115 = arith.constant 0 : index
      %get3A_116 = tpu.vector_load %arg6[%get3A_114, %get3A_115] {strides = array<i32>} : memref<100x16xf32, #tpu.memory_space<vmem>>, vector<1x16xf32>,
      %get3A_117 = vector.shape_cast %get3A_116 : vector<1x16xf32> to vector<16xf32>
      %add3A_118 = arith.addf %add3A_70, %get3A_117 : vector<16xf32>
      %get3A_119 = arith.constant 12 : i32
      %get3A_120 = arith.index_cast %get3A_119 : i32 to index
      %get3A_121 = arith.constant 0 : index
      %get3A_122 = tpu.vector_load %arg6[%get3A_120, %get3A_121] {strides = array<i32>} : memref<100x16xf32, #tpu.memory_space<vmem>>, vector<1x16xf32>,
      %get3A_123 = vector.shape_cast %get3A_122 : vector<1x16xf32> to vector<16xf32>
      %add3A_124 = arith.addf %add3A_76, %get3A_123 : vector<16xf32>
      %get3A_125 = arith.constant 13 : i32
      %get3A_126 = arith.index_cast %get3A_125 : i32 to index
      %get3A_127 = arith.constant 0 : index
      %get3A_128 = tpu.vector_load %arg6[%get3A_126, %get3A_127] {strides = array<i32>} : memref<100x16xf32, #tpu.memory_space<vmem>>, vector<1x16xf32>,
      %get3A_129 = vector.shape_cast %get3A_128 : vector<1x16xf32> to vector<16xf32>
      %add3A_130 = arith.addf %add3A_82, %get3A_129 : vector<16xf32>
      %get3A_131 = arith.constant 14 : i32
      %get3A_132 = arith.index_cast %get3A_131 : i32 to index
      %get3A_133 = arith.constant 0 : index
      %get3A_134 = tpu.vector_load %arg6[%get3A_132, %get3A_133] {strides = array<i32>} : memref<100x16xf32, #tpu.memory_space<vmem>>, vector<1x16xf32>,
      %get3A_135 = vector.shape_cast %get3A_134 : vector<1x16xf32> to vector<16xf32>
      %add3A_136 = arith.addf %add3A_88, %get3A_135 : vector<16xf32>
      %get3A_137 = arith.constant 15 : i32
      %get3A_138 = arith.index_cast %get3A_137 : i32 to index
      %get3A_139 = arith.constant 0 : index
      %get3A_140 = tpu.vector_load %arg6[%get3A_138, %get3A_139] {strides = array<i32>} : memref<100x16xf32, #tpu.memory_space<vmem>>, vector<1x16xf32>,
      %get3A_141 = vector.shape_cast %get3A_140 : vector<1x16xf32> to vector<16xf32>
      %add3A_142 = arith.addf %add3A_94, %get3A_141 : vector<16xf32>
      %get3A_143 = arith.constant 16 : i32
      %get3A_144 = arith.index_cast %get3A_143 : i32 to index
      %get3A_145 = arith.constant 0 : index
      %get3A_146 = tpu.vector_load %arg6[%get3A_144, %get3A_145] {strides = array<i32>} : memref<100x16xf32, #tpu.memory_space<vmem>>, vector<1x16xf32>,
      %get3A_147 = vector.shape_cast %get3A_146 : vector<1x16xf32> to vector<16xf32>
      %add3A_148 = arith.addf %add3A_100, %get3A_147 : vector<16xf32>
      %get3A_149 = arith.constant 17 : i32
      %get3A_150 = arith.index_cast %get3A_149 : i32 to index
      %get3A_151 = arith.constant 0 : index
      %get3A_152 = tpu.vector_load %arg6[%get3A_150, %get3A_151] {strides = array<i32>} : memref<100x16xf32, #tpu.memory_space<vmem>>, vector<1x16xf32>,
      %get3A_153 = vector.shape_cast %get3A_152 : vector<1x16xf32> to vector<16xf32>
      %add3A_154 = arith.addf %add3A_106, %get3A_153 : vector<16xf32>
      %get3A_155 = arith.constant 18 : i32
      %get3A_156 = arith.index_cast %get3A_155 : i32 to index
      %get3A_157 = arith.constant 0 : index
      %get3A_158 = tpu.vector_load %arg6[%get3A_156, %get3A_157] {strides = array<i32>} : memref<100x16xf32, #tpu.memory_space<vmem>>, vector<1x16xf32>,
      %get3A_159 = vector.shape_cast %get3A_158 : vector<1x16xf32> to vector<16xf32>
      %add3A_160 = arith.addf %add3A_112, %get3A_159 : vector<16xf32>
      %get3A_161 = arith.constant 19 : i32
      %get3A_162 = arith.index_cast %get3A_161 : i32 to index
      %get3A_163 = arith.constant 0 : index
      %get3A_164 = tpu.vector_load %arg6[%get3A_162, %get3A_163] {strides = array<i32>} : memref<100x16xf32, #tpu.memory_space<vmem>>, vector<1x16xf32>,
      %get3A_165 = vector.shape_cast %get3A_164 : vector<1x16xf32> to vector<16xf32>
      %add3A_166 = arith.addf %add3A_118, %get3A_165 : vector<16xf32>
      %get3A_167 = arith.constant 20 : i32
      %get3A_168 = arith.index_cast %get3A_167 : i32 to index
      %get3A_169 = arith.constant 0 : index
      %get3A_170 = tpu.vector_load %arg6[%get3A_168, %get3A_169] {strides = array<i32>} : memref<100x16xf32, #tpu.memory_space<vmem>>, vector<1x16xf32>,
      %get3A_171 = vector.shape_cast %get3A_170 : vector<1x16xf32> to vector<16xf32>
      %add3A_172 = arith.addf %add3A_124, %get3A_171 : vector<16xf32>
      %get3A_173 = arith.constant 21 : i32
      %get3A_174 = arith.index_cast %get3A_173 : i32 to index
      %get3A_175 = arith.constant 0 : index
      %get3A_176 = tpu.vector_load %arg6[%get3A_174, %get3A_175] {strides = array<i32>} : memref<100x16xf32, #tpu.memory_space<vmem>>, vector<1x16xf32>,
      %get3A_177 = vector.shape_cast %get3A_176 : vector<1x16xf32> to vector<16xf32>
      %add3A_178 = arith.addf %add3A_130, %get3A_177 : vector<16xf32>
      %get3A_179 = arith.constant 22 : i32
      %get3A_180 = arith.index_cast %get3A_179 : i32 to index
      %get3A_181 = arith.constant 0 : index
      %get3A_182 = tpu.vector_load %arg6[%get3A_180, %get3A_181] {strides = array<i32>} : memref<100x16xf32, #tpu.memory_space<vmem>>, vector<1x16xf32>,
      %get3A_183 = vector.shape_cast %get3A_182 : vector<1x16xf32> to vector<16xf32>
      %add3A_184 = arith.addf %add3A_136, %get3A_183 : vector<16xf32>
      %get3A_185 = arith.constant 23 : i32
      %get3A_186 = arith.index_cast %get3A_185 : i32 to index
      %get3A_187 = arith.constant 0 : index
      %get3A_188 = tpu.vector_load %arg6[%get3A_186, %get3A_187] {strides = array<i32>} : memref<100x16xf32, #tpu.memory_space<vmem>>, vector<1x16xf32>,
      %get3A_189 = vector.shape_cast %get3A_188 : vector<1x16xf32> to vector<16xf32>
      %add3A_190 = arith.addf %add3A_142, %get3A_189 : vector<16xf32>
      %get3A_191 = arith.constant 24 : i32
      %get3A_192 = arith.index_cast %get3A_191 : i32 to index
      %get3A_193 = arith.constant 0 : index
      %get3A_194 = tpu.vector_load %arg6[%get3A_192, %get3A_193] {strides = array<i32>} : memref<100x16xf32, #tpu.memory_space<vmem>>, vector<1x16xf32>,
      %get3A_195 = vector.shape_cast %get3A_194 : vector<1x16xf32> to vector<16xf32>
      %add3A_196 = arith.addf %add3A_148, %get3A_195 : vector<16xf32>
      %get3A_197 = arith.constant 25 : i32
      %get3A_198 = arith.index_cast %get3A_197 : i32 to index
      %get3A_199 = arith.constant 0 : index
      %get3A_200 = tpu.vector_load %arg6[%get3A_198, %get3A_199] {strides = array<i32>} : memref<100x16xf32, #tpu.memory_space<vmem>>, vector<1x16xf32>,
      %get3A_201 = vector.shape_cast %get3A_200 : vector<1x16xf32> to vector<16xf32>
      %add3A_202 = arith.addf %add3A_154, %get3A_201 : vector<16xf32>
      %get3A_203 = arith.constant 26 : i32
      %get3A_204 = arith.index_cast %get3A_203 : i32 to index
      %get3A_205 = arith.constant 0 : index
      %get3A_206 = tpu.vector_load %arg6[%get3A_204, %get3A_205] {strides = array<i32>} : memref<100x16xf32, #tpu.memory_space<vmem>>, vector<1x16xf32>,
      %get3A_207 = vector.shape_cast %get3A_206 : vector<1x16xf32> to vector<16xf32>
      %add3A_208 = arith.addf %add3A_160, %get3A_207 : vector<16xf32>
      %get3A_209 = arith.constant 27 : i32
      %get3A_210 = arith.index_cast %get3A_209 : i32 to index
      %get3A_211 = arith.constant 0 : index
      %get3A_212 = tpu.vector_load %arg6[%get3A_210, %get3A_211] {strides = array<i32>} : memref<100x16xf32, #tpu.memory_space<vmem>>, vector<1x16xf32>,
      %get3A_213 = vector.shape_cast %get3A_212 : vector<1x16xf32> to vector<16xf32>
      %add3A_214 = arith.addf %add3A_166, %get3A_213 : vector<16xf32>
      %get3A_215 = arith.constant 28 : i32
      %get3A_216 = arith.index_cast %get3A_215 : i32 to index
      %get3A_217 = arith.constant 0 : index
      %get3A_218 = tpu.vector_load %arg6[%get3A_216, %get3A_217] {strides = array<i32>} : memref<100x16xf32, #tpu.memory_space<vmem>>, vector<1x16xf32>,
      %get3A_219 = vector.shape_cast %get3A_218 : vector<1x16xf32> to vector<16xf32>
      %add3A_220 = arith.addf %add3A_172, %get3A_219 : vector<16xf32>
      %get3A_221 = arith.constant 29 : i32
      %get3A_222 = arith.index_cast %get3A_221 : i32 to index
      %get3A_223 = arith.constant 0 : index
      %get3A_224 = tpu.vector_load %arg6[%get3A_222, %get3A_223] {strides = array<i32>} : memref<100x16xf32, #tpu.memory_space<vmem>>, vector<1x16xf32>,
      %get3A_225 = vector.shape_cast %get3A_224 : vector<1x16xf32> to vector<16xf32>
      %add3A_226 = arith.addf %add3A_178, %get3A_225 : vector<16xf32>
      %get3A_227 = arith.constant 30 : i32
      %get3A_228 = arith.index_cast %get3A_227 : i32 to index
      %get3A_229 = arith.constant 0 : index
      %get3A_230 = tpu.vector_load %arg6[%get3A_228, %get3A_229] {strides = array<i32>} : memref<100x16xf32, #tpu.memory_space<vmem>>, vector<1x16xf32>,
      %get3A_231 = vector.shape_cast %get3A_230 : vector<1x16xf32> to vector<16xf32>
      %add3A_232 = arith.addf %add3A_184, %get3A_231 : vector<16xf32>
      %get3A_233 = arith.constant 31 : i32
      %get3A_234 = arith.index_cast %get3A_233 : i32 to index
      %get3A_235 = arith.constant 0 : index
      %get3A_236 = tpu.vector_load %arg6[%get3A_234, %get3A_235] {strides = array<i32>} : memref<100x16xf32, #tpu.memory_space<vmem>>, vector<1x16xf32>,
      %get3A_237 = vector.shape_cast %get3A_236 : vector<1x16xf32> to vector<16xf32>
      %add3A_238 = arith.addf %add3A_190, %get3A_237 : vector<16xf32>
      %get3A_239 = arith.constant 32 : i32
      %get3A_240 = arith.index_cast %get3A_239 : i32 to index
      %get3A_241 = arith.constant 0 : index
      %get3A_242 = tpu.vector_load %arg6[%get3A_240, %get3A_241] {strides = array<i32>} : memref<100x16xf32, #tpu.memory_space<vmem>>, vector<1x16xf32>,
      %get3A_243 = vector.shape_cast %get3A_242 : vector<1x16xf32> to vector<16xf32>
      %add3A_244 = arith.addf %add3A_196, %get3A_243 : vector<16xf32>
      %get3A_245 = arith.constant 33 : i32
      %get3A_246 = arith.index_cast %get3A_245 : i32 to index
      %get3A_247 = arith.constant 0 : index
      %get3A_248 = tpu.vector_load %arg6[%get3A_246, %get3A_247] {strides = array<i32>} : memref<100x16xf32, #tpu.memory_space<vmem>>, vector<1x16xf32>,
      %get3A_249 = vector.shape_cast %get3A_248 : vector<1x16xf32> to vector<16xf32>
      %add3A_250 = arith.addf %add3A_202, %get3A_249 : vector<16xf32>
      %get3A_251 = arith.constant 34 : i32
      %get3A_252 = arith.index_cast %get3A_251 : i32 to index
      %get3A_253 = arith.constant 0 : index
      %get3A_254 = tpu.vector_load %arg6[%get3A_252, %get3A_253] {strides = array<i32>} : memref<100x16xf32, #tpu.memory_space<vmem>>, vector<1x16xf32>,
      %get3A_255 = vector.shape_cast %get3A_254 : vector<1x16xf32> to vector<16xf32>
      %add3A_256 = arith.addf %add3A_208, %get3A_255 : vector<16xf32>
      %get3A_257 = arith.constant 35 : i32
      %get3A_258 = arith.index_cast %get3A_257 : i32 to index
      %get3A_259 = arith.constant 0 : index
      %get3A_260 = tpu.vector_load %arg6[%get3A_258, %get3A_259] {strides = array<i32>} : memref<100x16xf32, #tpu.memory_space<vmem>>, vector<1x16xf32>,
      %get3A_261 = vector.shape_cast %get3A_260 : vector<1x16xf32> to vector<16xf32>
      %add3A_262 = arith.addf %add3A_214, %get3A_261 : vector<16xf32>
      %get3A_263 = arith.constant 36 : i32
      %get3A_264 = arith.index_cast %get3A_263 : i32 to index
      %get3A_265 = arith.constant 0 : index
      %get3A_266 = tpu.vector_load %arg6[%get3A_264, %get3A_265] {strides = array<i32>} : memref<100x16xf32, #tpu.memory_space<vmem>>, vector<1x16xf32>,
      %get3A_267 = vector.shape_cast %get3A_266 : vector<1x16xf32> to vector<16xf32>
      %add3A_268 = arith.addf %add3A_220, %get3A_267 : vector<16xf32>
      %get3A_269 = arith.constant 37 : i32
      %get3A_270 = arith.index_cast %get3A_269 : i32 to index
      %get3A_271 = arith.constant 0 : index
      %get3A_272 = tpu.vector_load %arg6[%get3A_270, %get3A_271] {strides = array<i32>} : memref<100x16xf32, #tpu.memory_space<vmem>>, vector<1x16xf32>,
      %get3A_273 = vector.shape_cast %get3A_272 : vector<1x16xf32> to vector<16xf32>
      %add3A_274 = arith.addf %add3A_226, %get3A_273 : vector<16xf32>
      %get3A_275 = arith.constant 38 : i32
      %get3A_276 = arith.index_cast %get3A_275 : i32 to index
      %get3A_277 = arith.constant 0 : index
      %get3A_278 = tpu.vector_load %arg6[%get3A_276, %get3A_277] {strides = array<i32>} : memref<100x16xf32, #tpu.memory_space<vmem>>, vector<1x16xf32>,
      %get3A_279 = vector.shape_cast %get3A_278 : vector<1x16xf32> to vector<16xf32>
      %add3A_280 = arith.addf %add3A_232, %get3A_279 : vector<16xf32>
      %get3A_281 = arith.constant 39 : i32
      %get3A_282 = arith.index_cast %get3A_281 : i32 to index
      %get3A_283 = arith.constant 0 : index
      %get3A_284 = tpu.vector_load %arg6[%get3A_282, %get3A_283] {strides = array<i32>} : memref<100x16xf32, #tpu.memory_space<vmem>>, vector<1x16xf32>,
      %get3A_285 = vector.shape_cast %get3A_284 : vector<1x16xf32> to vector<16xf32>
      %add3A_286 = arith.addf %add3A_238, %get3A_285 : vector<16xf32>
      %get3A_287 = arith.constant 40 : i32
      %get3A_288 = arith.index_cast %get3A_287 : i32 to index
      %get3A_289 = arith.constant 0 : index
      %get3A_290 = tpu.vector_load %arg6[%get3A_288, %get3A_289] {strides = array<i32>} : memref<100x16xf32, #tpu.memory_space<vmem>>, vector<1x16xf32>,
      %get3A_291 = vector.shape_cast %get3A_290 : vector<1x16xf32> to vector<16xf32>
      %add3A_292 = arith.addf %add3A_244, %get3A_291 : vector<16xf32>
      %get3A_293 = arith.constant 41 : i32
      %get3A_294 = arith.index_cast %get3A_293 : i32 to index
      %get3A_295 = arith.constant 0 : index
      %get3A_296 = tpu.vector_load %arg6[%get3A_294, %get3A_295] {strides = array<i32>} : memref<100x16xf32, #tpu.memory_space<vmem>>, vector<1x16xf32>,
      %get3A_297 = vector.shape_cast %get3A_296 : vector<1x16xf32> to vector<16xf32>
      %add3A_298 = arith.addf %add3A_250, %get3A_297 : vector<16xf32>
      %get3A_299 = arith.constant 42 : i32
      %get3A_300 = arith.index_cast %get3A_299 : i32 to index
      %get3A_301 = arith.constant 0 : index
      %get3A_302 = tpu.vector_load %arg6[%get3A_300, %get3A_301] {strides = array<i32>} : memref<100x16xf32, #tpu.memory_space<vmem>>, vector<1x16xf32>,
      %get3A_303 = vector.shape_cast %get3A_302 : vector<1x16xf32> to vector<16xf32>
      %add3A_304 = arith.addf %add3A_256, %get3A_303 : vector<16xf32>
      %get3A_305 = arith.constant 43 : i32
      %get3A_306 = arith.index_cast %get3A_305 : i32 to index
      %get3A_307 = arith.constant 0 : index
      %get3A_308 = tpu.vector_load %arg6[%get3A_306, %get3A_307] {strides = array<i32>} : memref<100x16xf32, #tpu.memory_space<vmem>>, vector<1x16xf32>,
      %get3A_309 = vector.shape_cast %get3A_308 : vector<1x16xf32> to vector<16xf32>
      %add3A_310 = arith.addf %add3A_262, %get3A_309 : vector<16xf32>
      %get3A_311 = arith.constant 44 : i32
      %get3A_312 = arith.index_cast %get3A_311 : i32 to index
      %get3A_313 = arith.constant 0 : index
      %get3A_314 = tpu.vector_load %arg6[%get3A_312, %get3A_313] {strides = array<i32>} : memref<100x16xf32, #tpu.memory_space<vmem>>, vector<1x16xf32>,
      %get3A_315 = vector.shape_cast %get3A_314 : vector<1x16xf32> to vector<16xf32>
      %add3A_316 = arith.addf %add3A_268, %get3A_315 : vector<16xf32>
      %get3A_317 = arith.constant 45 : i32
      %get3A_318 = arith.index_cast %get3A_317 : i32 to index
      %get3A_319 = arith.constant 0 : index
      %get3A_320 = tpu.vector_load %arg6[%get3A_318, %get3A_319] {strides = array<i32>} : memref<100x16xf32, #tpu.memory_space<vmem>>, vector<1x16xf32>,
      %get3A_321 = vector.shape_cast %get3A_320 : vector<1x16xf32> to vector<16xf32>
      %add3A_322 = arith.addf %add3A_274, %get3A_321 : vector<16xf32>
      %get3A_323 = arith.constant 46 : i32
      %get3A_324 = arith.index_cast %get3A_323 : i32 to index
      %get3A_325 = arith.constant 0 : index
      %get3A_326 = tpu.vector_load %arg6[%get3A_324, %get3A_325] {strides = array<i32>} : memref<100x16xf32, #tpu.memory_space<vmem>>, vector<1x16xf32>,
      %get3A_327 = vector.shape_cast %get3A_326 : vector<1x16xf32> to vector<16xf32>
      %add3A_328 = arith.addf %add3A_280, %get3A_327 : vector<16xf32>
      %get3A_329 = arith.constant 47 : i32
      %get3A_330 = arith.index_cast %get3A_329 : i32 to index
      %get3A_331 = arith.constant 0 : index
      %get3A_332 = tpu.vector_load %arg6[%get3A_330, %get3A_331] {strides = array<i32>} : memref<100x16xf32, #tpu.memory_space<vmem>>, vector<1x16xf32>,
      %get3A_333 = vector.shape_cast %get3A_332 : vector<1x16xf32> to vector<16xf32>
      %add3A_334 = arith.addf %add3A_286, %get3A_333 : vector<16xf32>
      %get3A_335 = arith.constant 48 : i32
      %get3A_336 = arith.index_cast %get3A_335 : i32 to index
      %get3A_337 = arith.constant 0 : index
      %get3A_338 = tpu.vector_load %arg6[%get3A_336, %get3A_337] {strides = array<i32>} : memref<100x16xf32, #tpu.memory_space<vmem>>, vector<1x16xf32>,
      %get3A_339 = vector.shape_cast %get3A_338 : vector<1x16xf32> to vector<16xf32>
      %add3A_340 = arith.addf %add3A_292, %get3A_339 : vector<16xf32>
      %get3A_341 = arith.constant 49 : i32
      %get3A_342 = arith.index_cast %get3A_341 : i32 to index
      %get3A_343 = arith.constant 0 : index
      %get3A_344 = tpu.vector_load %arg6[%get3A_342, %get3A_343] {strides = array<i32>} : memref<100x16xf32, #tpu.memory_space<vmem>>, vector<1x16xf32>,
      %get3A_345 = vector.shape_cast %get3A_344 : vector<1x16xf32> to vector<16xf32>
      %add3A_346 = arith.addf %add3A_298, %get3A_345 : vector<16xf32>
      %get3A_347 = arith.constant 50 : i32
      %get3A_348 = arith.index_cast %get3A_347 : i32 to index
      %get3A_349 = arith.constant 0 : index
      %get3A_350 = tpu.vector_load %arg6[%get3A_348, %get3A_349] {strides = array<i32>} : memref<100x16xf32, #tpu.memory_space<vmem>>, vector<1x16xf32>,
      %get3A_351 = vector.shape_cast %get3A_350 : vector<1x16xf32> to vector<16xf32>
      %add3A_352 = arith.addf %add3A_304, %get3A_351 : vector<16xf32>
      %get3A_353 = arith.constant 51 : i32
      %get3A_354 = arith.index_cast %get3A_353 : i32 to index
      %get3A_355 = arith.constant 0 : index
      %get3A_356 = tpu.vector_load %arg6[%get3A_354, %get3A_355] {strides = array<i32>} : memref<100x16xf32, #tpu.memory_space<vmem>>, vector<1x16xf32>,
      %get3A_357 = vector.shape_cast %get3A_356 : vector<1x16xf32> to vector<16xf32>
      %add3A_358 = arith.addf %add3A_310, %get3A_357 : vector<16xf32>
      %get3A_359 = arith.constant 52 : i32
      %get3A_360 = arith.index_cast %get3A_359 : i32 to index
      %get3A_361 = arith.constant 0 : index
      %get3A_362 = tpu.vector_load %arg6[%get3A_360, %get3A_361] {strides = array<i32>} : memref<100x16xf32, #tpu.memory_space<vmem>>, vector<1x16xf32>,
      %get3A_363 = vector.shape_cast %get3A_362 : vector<1x16xf32> to vector<16xf32>
      %add3A_364 = arith.addf %add3A_316, %get3A_363 : vector<16xf32>
      %get3A_365 = arith.constant 53 : i32
      %get3A_366 = arith.index_cast %get3A_365 : i32 to index
      %get3A_367 = arith.constant 0 : index
      %get3A_368 = tpu.vector_load %arg6[%get3A_366, %get3A_367] {strides = array<i32>} : memref<100x16xf32, #tpu.memory_space<vmem>>, vector<1x16xf32>,
      %get3A_369 = vector.shape_cast %get3A_368 : vector<1x16xf32> to vector<16xf32>
      %add3A_370 = arith.addf %add3A_322, %get3A_369 : vector<16xf32>
      %get3A_371 = arith.constant 54 : i32
      %get3A_372 = arith.index_cast %get3A_371 : i32 to index
      %get3A_373 = arith.constant 0 : index
      %get3A_374 = tpu.vector_load %arg6[%get3A_372, %get3A_373] {strides = array<i32>} : memref<100x16xf32, #tpu.memory_space<vmem>>, vector<1x16xf32>,
      %get3A_375 = vector.shape_cast %get3A_374 : vector<1x16xf32> to vector<16xf32>
      %add3A_376 = arith.addf %add3A_328, %get3A_375 : vector<16xf32>
      %get3A_377 = arith.constant 55 : i32
      %get3A_378 = arith.index_cast %get3A_377 : i32 to index
      %get3A_379 = arith.constant 0 : index
      %get3A_380 = tpu.vector_load %arg6[%get3A_378, %get3A_379] {strides = array<i32>} : memref<100x16xf32, #tpu.memory_space<vmem>>, vector<1x16xf32>,
      %get3A_381 = vector.shape_cast %get3A_380 : vector<1x16xf32> to vector<16xf32>
      %add3A_382 = arith.addf %add3A_334, %get3A_381 : vector<16xf32>
      %get3A_383 = arith.constant 56 : i32
      %get3A_384 = arith.index_cast %get3A_383 : i32 to index
      %get3A_385 = arith.constant 0 : index
      %get3A_386 = tpu.vector_load %arg6[%get3A_384, %get3A_385] {strides = array<i32>} : memref<100x16xf32, #tpu.memory_space<vmem>>, vector<1x16xf32>,
      %get3A_387 = vector.shape_cast %get3A_386 : vector<1x16xf32> to vector<16xf32>
      %add3A_388 = arith.addf %add3A_340, %get3A_387 : vector<16xf32>
      %get3A_389 = arith.constant 57 : i32
      %get3A_390 = arith.index_cast %get3A_389 : i32 to index
      %get3A_391 = arith.constant 0 : index
      %get3A_392 = tpu.vector_load %arg6[%get3A_390, %get3A_391] {strides = array<i32>} : memref<100x16xf32, #tpu.memory_space<vmem>>, vector<1x16xf32>,
      %get3A_393 = vector.shape_cast %get3A_392 : vector<1x16xf32> to vector<16xf32>
      %add3A_394 = arith.addf %add3A_346, %get3A_393 : vector<16xf32>
      %get3A_395 = arith.constant 58 : i32
      %get3A_396 = arith.index_cast %get3A_395 : i32 to index
      %get3A_397 = arith.constant 0 : index
      %get3A_398 = tpu.vector_load %arg6[%get3A_396, %get3A_397] {strides = array<i32>} : memref<100x16xf32, #tpu.memory_space<vmem>>, vector<1x16xf32>,
      %get3A_399 = vector.shape_cast %get3A_398 : vector<1x16xf32> to vector<16xf32>
      %add3A_400 = arith.addf %add3A_352, %get3A_399 : vector<16xf32>
      %get3A_401 = arith.constant 59 : i32
      %get3A_402 = arith.index_cast %get3A_401 : i32 to index
      %get3A_403 = arith.constant 0 : index
      %get3A_404 = tpu.vector_load %arg6[%get3A_402, %get3A_403] {strides = array<i32>} : memref<100x16xf32, #tpu.memory_space<vmem>>, vector<1x16xf32>,
      %get3A_405 = vector.shape_cast %get3A_404 : vector<1x16xf32> to vector<16xf32>
      %add3A_406 = arith.addf %add3A_358, %get3A_405 : vector<16xf32>
      %get3A_407 = arith.constant 60 : i32
      %get3A_408 = arith.index_cast %get3A_407 : i32 to index
      %get3A_409 = arith.constant 0 : index
      %get3A_410 = tpu.vector_load %arg6[%get3A_408, %get3A_409] {strides = array<i32>} : memref<100x16xf32, #tpu.memory_space<vmem>>, vector<1x16xf32>,
      %get3A_411 = vector.shape_cast %get3A_410 : vector<1x16xf32> to vector<16xf32>
      %add3A_412 = arith.addf %add3A_364, %get3A_411 : vector<16xf32>
      %get3A_413 = arith.constant 61 : i32
      %get3A_414 = arith.index_cast %get3A_413 : i32 to index
      %get3A_415 = arith.constant 0 : index
      %get3A_416 = tpu.vector_load %arg6[%get3A_414, %get3A_415] {strides = array<i32>} : memref<100x16xf32, #tpu.memory_space<vmem>>, vector<1x16xf32>,
      %get3A_417 = vector.shape_cast %get3A_416 : vector<1x16xf32> to vector<16xf32>
      %add3A_418 = arith.addf %add3A_370, %get3A_417 : vector<16xf32>
      %get3A_419 = arith.constant 62 : i32
      %get3A_420 = arith.index_cast %get3A_419 : i32 to index
      %get3A_421 = arith.constant 0 : index
      %get3A_422 = tpu.vector_load %arg6[%get3A_420, %get3A_421] {strides = array<i32>} : memref<100x16xf32, #tpu.memory_space<vmem>>, vector<1x16xf32>,
      %get3A_423 = vector.shape_cast %get3A_422 : vector<1x16xf32> to vector<16xf32>
      %add3A_424 = arith.addf %add3A_376, %get3A_423 : vector<16xf32>
      %get3A_425 = arith.constant 63 : i32
      %get3A_426 = arith.index_cast %get3A_425 : i32 to index
      %get3A_427 = arith.constant 0 : index
      %get3A_428 = tpu.vector_load %arg6[%get3A_426, %get3A_427] {strides = array<i32>} : memref<100x16xf32, #tpu.memory_space<vmem>>, vector<1x16xf32>,
      %get3A_429 = vector.shape_cast %get3A_428 : vector<1x16xf32> to vector<16xf32>
      %add3A_430 = arith.addf %add3A_382, %get3A_429 : vector<16xf32>
      %get3A_431 = arith.constant 64 : i32
      %get3A_432 = arith.index_cast %get3A_431 : i32 to index
      %get3A_433 = arith.constant 0 : index
      %get3A_434 = tpu.vector_load %arg6[%get3A_432, %get3A_433] {strides = array<i32>} : memref<100x16xf32, #tpu.memory_space<vmem>>, vector<1x16xf32>,
      %get3A_435 = vector.shape_cast %get3A_434 : vector<1x16xf32> to vector<16xf32>
      %add3A_436 = arith.addf %add3A_388, %get3A_435 : vector<16xf32>
      %get3A_437 = arith.constant 65 : i32
      %get3A_438 = arith.index_cast %get3A_437 : i32 to index
      %get3A_439 = arith.constant 0 : index
      %get3A_440 = tpu.vector_load %arg6[%get3A_438, %get3A_439] {strides = array<i32>} : memref<100x16xf32, #tpu.memory_space<vmem>>, vector<1x16xf32>,
      %get3A_441 = vector.shape_cast %get3A_440 : vector<1x16xf32> to vector<16xf32>
      %add3A_442 = arith.addf %add3A_394, %get3A_441 : vector<16xf32>
      %get3A_443 = arith.constant 66 : i32
      %get3A_444 = arith.index_cast %get3A_443 : i32 to index
      %get3A_445 = arith.constant 0 : index
      %get3A_446 = tpu.vector_load %arg6[%get3A_444, %get3A_445] {strides = array<i32>} : memref<100x16xf32, #tpu.memory_space<vmem>>, vector<1x16xf32>,
      %get3A_447 = vector.shape_cast %get3A_446 : vector<1x16xf32> to vector<16xf32>
      %add3A_448 = arith.addf %add3A_400, %get3A_447 : vector<16xf32>
      %get3A_449 = arith.constant 67 : i32
      %get3A_450 = arith.index_cast %get3A_449 : i32 to index
      %get3A_451 = arith.constant 0 : index
      %get3A_452 = tpu.vector_load %arg6[%get3A_450, %get3A_451] {strides = array<i32>} : memref<100x16xf32, #tpu.memory_space<vmem>>, vector<1x16xf32>,
      %get3A_453 = vector.shape_cast %get3A_452 : vector<1x16xf32> to vector<16xf32>
      %add3A_454 = arith.addf %add3A_406, %get3A_453 : vector<16xf32>
      %get3A_455 = arith.constant 68 : i32
      %get3A_456 = arith.index_cast %get3A_455 : i32 to index
      %get3A_457 = arith.constant 0 : index
      %get3A_458 = tpu.vector_load %arg6[%get3A_456, %get3A_457] {strides = array<i32>} : memref<100x16xf32, #tpu.memory_space<vmem>>, vector<1x16xf32>,
      %get3A_459 = vector.shape_cast %get3A_458 : vector<1x16xf32> to vector<16xf32>
      %add3A_460 = arith.addf %add3A_412, %get3A_459 : vector<16xf32>
      %get3A_461 = arith.constant 69 : i32
      %get3A_462 = arith.index_cast %get3A_461 : i32 to index
      %get3A_463 = arith.constant 0 : index
      %get3A_464 = tpu.vector_load %arg6[%get3A_462, %get3A_463] {strides = array<i32>} : memref<100x16xf32, #tpu.memory_space<vmem>>, vector<1x16xf32>,
      %get3A_465 = vector.shape_cast %get3A_464 : vector<1x16xf32> to vector<16xf32>
      %add3A_466 = arith.addf %add3A_418, %get3A_465 : vector<16xf32>
      %get3A_467 = arith.constant 70 : i32
      %get3A_468 = arith.index_cast %get3A_467 : i32 to index
      %get3A_469 = arith.constant 0 : index
      %get3A_470 = tpu.vector_load %arg6[%get3A_468, %get3A_469] {strides = array<i32>} : memref<100x16xf32, #tpu.memory_space<vmem>>, vector<1x16xf32>,
      %get3A_471 = vector.shape_cast %get3A_470 : vector<1x16xf32> to vector<16xf32>
      %add3A_472 = arith.addf %add3A_424, %get3A_471 : vector<16xf32>
      %get3A_473 = arith.constant 71 : i32
      %get3A_474 = arith.index_cast %get3A_473 : i32 to index
      %get3A_475 = arith.constant 0 : index
      %get3A_476 = tpu.vector_load %arg6[%get3A_474, %get3A_475] {strides = array<i32>} : memref<100x16xf32, #tpu.memory_space<vmem>>, vector<1x16xf32>,
      %get3A_477 = vector.shape_cast %get3A_476 : vector<1x16xf32> to vector<16xf32>
      %add3A_478 = arith.addf %add3A_430, %get3A_477 : vector<16xf32>
      %get3A_479 = arith.constant 72 : i32
      %get3A_480 = arith.index_cast %get3A_479 : i32 to index
      %get3A_481 = arith.constant 0 : index
      %get3A_482 = tpu.vector_load %arg6[%get3A_480, %get3A_481] {strides = array<i32>} : memref<100x16xf32, #tpu.memory_space<vmem>>, vector<1x16xf32>,
      %get3A_483 = vector.shape_cast %get3A_482 : vector<1x16xf32> to vector<16xf32>
      %add3A_484 = arith.addf %add3A_436, %get3A_483 : vector<16xf32>
      %get3A_485 = arith.constant 73 : i32
      %get3A_486 = arith.index_cast %get3A_485 : i32 to index
      %get3A_487 = arith.constant 0 : index
      %get3A_488 = tpu.vector_load %arg6[%get3A_486, %get3A_487] {strides = array<i32>} : memref<100x16xf32, #tpu.memory_space<vmem>>, vector<1x16xf32>,
      %get3A_489 = vector.shape_cast %get3A_488 : vector<1x16xf32> to vector<16xf32>
      %add3A_490 = arith.addf %add3A_442, %get3A_489 : vector<16xf32>
      %get3A_491 = arith.constant 74 : i32
      %get3A_492 = arith.index_cast %get3A_491 : i32 to index
      %get3A_493 = arith.constant 0 : index
      %get3A_494 = tpu.vector_load %arg6[%get3A_492, %get3A_493] {strides = array<i32>} : memref<100x16xf32, #tpu.memory_space<vmem>>, vector<1x16xf32>,
      %get3A_495 = vector.shape_cast %get3A_494 : vector<1x16xf32> to vector<16xf32>
      %add3A_496 = arith.addf %add3A_448, %get3A_495 : vector<16xf32>
      %get3A_497 = arith.constant 75 : i32
      %get3A_498 = arith.index_cast %get3A_497 : i32 to index
      %get3A_499 = arith.constant 0 : index
      %get3A_500 = tpu.vector_load %arg6[%get3A_498, %get3A_499] {strides = array<i32>} : memref<100x16xf32, #tpu.memory_space<vmem>>, vector<1x16xf32>,
      %get3A_501 = vector.shape_cast %get3A_500 : vector<1x16xf32> to vector<16xf32>
      %add3A_502 = arith.addf %add3A_454, %get3A_501 : vector<16xf32>
      %get3A_503 = arith.constant 76 : i32
      %get3A_504 = arith.index_cast %get3A_503 : i32 to index
      %get3A_505 = arith.constant 0 : index
      %get3A_506 = tpu.vector_load %arg6[%get3A_504, %get3A_505] {strides = array<i32>} : memref<100x16xf32, #tpu.memory_space<vmem>>, vector<1x16xf32>,
      %get3A_507 = vector.shape_cast %get3A_506 : vector<1x16xf32> to vector<16xf32>
      %add3A_508 = arith.addf %add3A_460, %get3A_507 : vector<16xf32>
      %get3A_509 = arith.constant 77 : i32
      %get3A_510 = arith.index_cast %get3A_509 : i32 to index
      %get3A_511 = arith.constant 0 : index
      %get3A_512 = tpu.vector_load %arg6[%get3A_510, %get3A_511] {strides = array<i32>} : memref<100x16xf32, #tpu.memory_space<vmem>>, vector<1x16xf32>,
      %get3A_513 = vector.shape_cast %get3A_512 : vector<1x16xf32> to vector<16xf32>
      %add3A_514 = arith.addf %add3A_466, %get3A_513 : vector<16xf32>
      %get3A_515 = arith.constant 78 : i32
      %get3A_516 = arith.index_cast %get3A_515 : i32 to index
      %get3A_517 = arith.constant 0 : index
      %get3A_518 = tpu.vector_load %arg6[%get3A_516, %get3A_517] {strides = array<i32>} : memref<100x16xf32, #tpu.memory_space<vmem>>, vector<1x16xf32>,
      %get3A_519 = vector.shape_cast %get3A_518 : vector<1x16xf32> to vector<16xf32>
      %add3A_520 = arith.addf %add3A_472, %get3A_519 : vector<16xf32>
      %get3A_521 = arith.constant 79 : i32
      %get3A_522 = arith.index_cast %get3A_521 : i32 to index
      %get3A_523 = arith.constant 0 : index
      %get3A_524 = tpu.vector_load %arg6[%get3A_522, %get3A_523] {strides = array<i32>} : memref<100x16xf32, #tpu.memory_space<vmem>>, vector<1x16xf32>,
      %get3A_525 = vector.shape_cast %get3A_524 : vector<1x16xf32> to vector<16xf32>
      %add3A_526 = arith.addf %add3A_478, %get3A_525 : vector<16xf32>
      %get3A_527 = arith.constant 80 : i32
      %get3A_528 = arith.index_cast %get3A_527 : i32 to index
      %get3A_529 = arith.constant 0 : index
      %get3A_530 = tpu.vector_load %arg6[%get3A_528, %get3A_529] {strides = array<i32>} : memref<100x16xf32, #tpu.memory_space<vmem>>, vector<1x16xf32>,
      %get3A_531 = vector.shape_cast %get3A_530 : vector<1x16xf32> to vector<16xf32>
      %add3A_532 = arith.addf %add3A_484, %get3A_531 : vector<16xf32>
      %get3A_533 = arith.constant 81 : i32
      %get3A_534 = arith.index_cast %get3A_533 : i32 to index
      %get3A_535 = arith.constant 0 : index
      %get3A_536 = tpu.vector_load %arg6[%get3A_534, %get3A_535] {strides = array<i32>} : memref<100x16xf32, #tpu.memory_space<vmem>>, vector<1x16xf32>,
      %get3A_537 = vector.shape_cast %get3A_536 : vector<1x16xf32> to vector<16xf32>
      %add3A_538 = arith.addf %add3A_490, %get3A_537 : vector<16xf32>
      %get3A_539 = arith.constant 82 : i32
      %get3A_540 = arith.index_cast %get3A_539 : i32 to index
      %get3A_541 = arith.constant 0 : index
      %get3A_542 = tpu.vector_load %arg6[%get3A_540, %get3A_541] {strides = array<i32>} : memref<100x16xf32, #tpu.memory_space<vmem>>, vector<1x16xf32>,
      %get3A_543 = vector.shape_cast %get3A_542 : vector<1x16xf32> to vector<16xf32>
      %add3A_544 = arith.addf %add3A_496, %get3A_543 : vector<16xf32>
      %get3A_545 = arith.constant 83 : i32
      %get3A_546 = arith.index_cast %get3A_545 : i32 to index
      %get3A_547 = arith.constant 0 : index
      %get3A_548 = tpu.vector_load %arg6[%get3A_546, %get3A_547] {strides = array<i32>} : memref<100x16xf32, #tpu.memory_space<vmem>>, vector<1x16xf32>,
      %get3A_549 = vector.shape_cast %get3A_548 : vector<1x16xf32> to vector<16xf32>
      %add3A_550 = arith.addf %add3A_502, %get3A_549 : vector<16xf32>
      %get3A_551 = arith.constant 84 : i32
      %get3A_552 = arith.index_cast %get3A_551 : i32 to index
      %get3A_553 = arith.constant 0 : index
      %get3A_554 = tpu.vector_load %arg6[%get3A_552, %get3A_553] {strides = array<i32>} : memref<100x16xf32, #tpu.memory_space<vmem>>, vector<1x16xf32>,
      %get3A_555 = vector.shape_cast %get3A_554 : vector<1x16xf32> to vector<16xf32>
      %add3A_556 = arith.addf %add3A_508, %get3A_555 : vector<16xf32>
      %get3A_557 = arith.constant 85 : i32
      %get3A_558 = arith.index_cast %get3A_557 : i32 to index
      %get3A_559 = arith.constant 0 : index
      %get3A_560 = tpu.vector_load %arg6[%get3A_558, %get3A_559] {strides = array<i32>} : memref<100x16xf32, #tpu.memory_space<vmem>>, vector<1x16xf32>,
      %get3A_561 = vector.shape_cast %get3A_560 : vector<1x16xf32> to vector<16xf32>
      %add3A_562 = arith.addf %add3A_514, %get3A_561 : vector<16xf32>
      %get3A_563 = arith.constant 86 : i32
      %get3A_564 = arith.index_cast %get3A_563 : i32 to index
      %get3A_565 = arith.constant 0 : index
      %get3A_566 = tpu.vector_load %arg6[%get3A_564, %get3A_565] {strides = array<i32>} : memref<100x16xf32, #tpu.memory_space<vmem>>, vector<1x16xf32>,
      %get3A_567 = vector.shape_cast %get3A_566 : vector<1x16xf32> to vector<16xf32>
      %add3A_568 = arith.addf %add3A_520, %get3A_567 : vector<16xf32>
      %get3A_569 = arith.constant 87 : i32
      %get3A_570 = arith.index_cast %get3A_569 : i32 to index
      %get3A_571 = arith.constant 0 : index
      %get3A_572 = tpu.vector_load %arg6[%get3A_570, %get3A_571] {strides = array<i32>} : memref<100x16xf32, #tpu.memory_space<vmem>>, vector<1x16xf32>,
      %get3A_573 = vector.shape_cast %get3A_572 : vector<1x16xf32> to vector<16xf32>
      %add3A_574 = arith.addf %add3A_526, %get3A_573 : vector<16xf32>
      %get3A_575 = arith.constant 88 : i32
      %get3A_576 = arith.index_cast %get3A_575 : i32 to index
      %get3A_577 = arith.constant 0 : index
      %get3A_578 = tpu.vector_load %arg6[%get3A_576, %get3A_577] {strides = array<i32>} : memref<100x16xf32, #tpu.memory_space<vmem>>, vector<1x16xf32>,
      %get3A_579 = vector.shape_cast %get3A_578 : vector<1x16xf32> to vector<16xf32>
      %add3A_580 = arith.addf %add3A_532, %get3A_579 : vector<16xf32>
      %get3A_581 = arith.constant 89 : i32
      %get3A_582 = arith.index_cast %get3A_581 : i32 to index
      %get3A_583 = arith.constant 0 : index
      %get3A_584 = tpu.vector_load %arg6[%get3A_582, %get3A_583] {strides = array<i32>} : memref<100x16xf32, #tpu.memory_space<vmem>>, vector<1x16xf32>,
      %get3A_585 = vector.shape_cast %get3A_584 : vector<1x16xf32> to vector<16xf32>
      %add3A_586 = arith.addf %add3A_538, %get3A_585 : vector<16xf32>
      %get3A_587 = arith.constant 90 : i32
      %get3A_588 = arith.index_cast %get3A_587 : i32 to index
      %get3A_589 = arith.constant 0 : index
      %get3A_590 = tpu.vector_load %arg6[%get3A_588, %get3A_589] {strides = array<i32>} : memref<100x16xf32, #tpu.memory_space<vmem>>, vector<1x16xf32>,
      %get3A_591 = vector.shape_cast %get3A_590 : vector<1x16xf32> to vector<16xf32>
      %add3A_592 = arith.addf %add3A_544, %get3A_591 : vector<16xf32>
      %get3A_593 = arith.constant 91 : i32
      %get3A_594 = arith.index_cast %get3A_593 : i32 to index
      %get3A_595 = arith.constant 0 : index
      %get3A_596 = tpu.vector_load %arg6[%get3A_594, %get3A_595] {strides = array<i32>} : memref<100x16xf32, #tpu.memory_space<vmem>>, vector<1x16xf32>,
      %get3A_597 = vector.shape_cast %get3A_596 : vector<1x16xf32> to vector<16xf32>
      %add3A_598 = arith.addf %add3A_550, %get3A_597 : vector<16xf32>
      %get3A_599 = arith.constant 92 : i32
      %get3A_600 = arith.index_cast %get3A_599 : i32 to index
      %get3A_601 = arith.constant 0 : index
      %get3A_602 = tpu.vector_load %arg6[%get3A_600, %get3A_601] {strides = array<i32>} : memref<100x16xf32, #tpu.memory_space<vmem>>, vector<1x16xf32>,
      %get3A_603 = vector.shape_cast %get3A_602 : vector<1x16xf32> to vector<16xf32>
      %add3A_604 = arith.addf %add3A_556, %get3A_603 : vector<16xf32>
      %get3A_605 = arith.constant 93 : i32
      %get3A_606 = arith.index_cast %get3A_605 : i32 to index
      %get3A_607 = arith.constant 0 : index
      %get3A_608 = tpu.vector_load %arg6[%get3A_606, %get3A_607] {strides = array<i32>} : memref<100x16xf32, #tpu.memory_space<vmem>>, vector<1x16xf32>,
      %get3A_609 = vector.shape_cast %get3A_608 : vector<1x16xf32> to vector<16xf32>
      %add3A_610 = arith.addf %add3A_562, %get3A_609 : vector<16xf32>
      %get3A_611 = arith.constant 94 : i32
      %get3A_612 = arith.index_cast %get3A_611 : i32 to index
      %get3A_613 = arith.constant 0 : index
      %get3A_614 = tpu.vector_load %arg6[%get3A_612, %get3A_613] {strides = array<i32>} : memref<100x16xf32, #tpu.memory_space<vmem>>, vector<1x16xf32>,
      %get3A_615 = vector.shape_cast %get3A_614 : vector<1x16xf32> to vector<16xf32>
      %add3A_616 = arith.addf %add3A_568, %get3A_615 : vector<16xf32>
      %get3A_617 = arith.constant 95 : i32
      %get3A_618 = arith.index_cast %get3A_617 : i32 to index
      %get3A_619 = arith.constant 0 : index
      %get3A_620 = tpu.vector_load %arg6[%get3A_618, %get3A_619] {strides = array<i32>} : memref<100x16xf32, #tpu.memory_space<vmem>>, vector<1x16xf32>,
      %get3A_621 = vector.shape_cast %get3A_620 : vector<1x16xf32> to vector<16xf32>
      %add3A_622 = arith.addf %add3A_574, %get3A_621 : vector<16xf32>
      %get3A_623 = arith.constant 96 : i32
      %get3A_624 = arith.index_cast %get3A_623 : i32 to index
      %get3A_625 = arith.constant 0 : index
      %get3A_626 = tpu.vector_load %arg6[%get3A_624, %get3A_625] {strides = array<i32>} : memref<100x16xf32, #tpu.memory_space<vmem>>, vector<1x16xf32>,
      %get3A_627 = vector.shape_cast %get3A_626 : vector<1x16xf32> to vector<16xf32>
      %add3A_628 = arith.addf %add3A_580, %get3A_627 : vector<16xf32>
      %get3A_629 = arith.constant 97 : i32
      %get3A_630 = arith.index_cast %get3A_629 : i32 to index
      %get3A_631 = arith.constant 0 : index
      %get3A_632 = tpu.vector_load %arg6[%get3A_630, %get3A_631] {strides = array<i32>} : memref<100x16xf32, #tpu.memory_space<vmem>>, vector<1x16xf32>,
      %get3A_633 = vector.shape_cast %get3A_632 : vector<1x16xf32> to vector<16xf32>
      %add3A_634 = arith.addf %add3A_586, %get3A_633 : vector<16xf32>
      %get3A_635 = arith.constant 98 : i32
      %get3A_636 = arith.index_cast %get3A_635 : i32 to index
      %get3A_637 = arith.constant 0 : index
      %get3A_638 = tpu.vector_load %arg6[%get3A_636, %get3A_637] {strides = array<i32>} : memref<100x16xf32, #tpu.memory_space<vmem>>, vector<1x16xf32>,
      %get3A_639 = vector.shape_cast %get3A_638 : vector<1x16xf32> to vector<16xf32>
      %add3A_640 = arith.addf %add3A_592, %get3A_639 : vector<16xf32>
      %get3A_641 = arith.constant 99 : i32
      %get3A_642 = arith.index_cast %get3A_641 : i32 to index
      %get3A_643 = arith.constant 0 : index
      %get3A_644 = tpu.vector_load %arg6[%get3A_642, %get3A_643] {strides = array<i32>} : memref<100x16xf32, #tpu.memory_space<vmem>>, vector<1x16xf32>,
      %get3A_645 = vector.shape_cast %get3A_644 : vector<1x16xf32> to vector<16xf32>
      %add3A_646 = arith.addf %add3A_598, %get3A_645 : vector<16xf32>
      %add3A_647 = arith.addf %add3A_628, %add3A_634 : vector<16xf32>
      %add3A_648 = arith.addf %add3A_640, %add3A_646 : vector<16xf32>
      %add3A_649 = arith.addf %add3A_647, %add3A_648 : vector<16xf32>
      %add3A_650 = arith.addf %add3A_604, %add3A_610 : vector<16xf32>
      %add3A_651 = arith.addf %add3A_616, %add3A_622 : vector<16xf32>
      %add3A_652 = arith.addf %add3A_650, %add3A_651 : vector<16xf32>
      %add3A_653 = arith.addf %add3A_649, %add3A_652 : vector<16xf32>
      %add3A_654 = arith.constant 0 : i32
      %add3A_655 = arith.addi %mul3A_40, %add3A_654 : i32
      %add3A_656 = arith.constant 4 : i32
      %add3A_657 = arith.addi %add3A_655, %add3A_656 : i32
      %lt3A = arith.constant 256 : i32
      %lt3A_658 = arith.cmpi slt, %add3A_657, %lt3A : i32
      %convert_element_type3A = arith.extui %lt3A_658 : i1 to i32
      %cond3A = arith.constant 0 : i32
      %cond3A_659 = arith.cmpi ne, %convert_element_type3A, %cond3A : i32
      scf.if %cond3A_659 {
        %add3A_2549 = arith.constant 0 : i32
        %add3A_2550 = arith.addi %mul3A_40, %add3A_2549 : i32
        %add3A_2551 = arith.constant 4 : i32
        %add3A_2552 = arith.addi %add3A_2550, %add3A_2551 : i32
        %dma_start3A_2553 = arith.constant 0 : i32
        %dma_start3A_2554 = tpu.memref_slice %arg5[%add3A_2552, %dma_start3A_2553] : memref<256x100xi32, #tpu.memory_space<vmem>> -> memref<1x100xi32, #tpu.memory_space<vmem>>
        %dma_start3A_2555 = tpu.memref_squeeze %dma_start3A_2554 : memref<1x100xi32, #tpu.memory_space<vmem>> -> memref<100xi32, #tpu.memory_space<vmem>>
        %dma_start3A_2556 = arith.constant 0 : i32
        %dma_start3A_2557 = arith.constant 0 : i32
        %dma_start3A_2558 = tpu.memref_slice %arg2[%dma_start3A_2556, %dma_start3A_2557] : memref<1015808x16xf32, #tpu.memory_space<hbm>> -> memref<1015808x16xf32, #tpu.memory_space<hbm>>
        tpu.enqueue_indirect_dma source(%dma_start3A_2558 : memref<1015808x16xf32, #tpu.memory_space<hbm>>) target(%arg6 : memref<100x16xf32, #tpu.memory_space<vmem>>) offsets(%dma_start3A_2555 : memref<100xi32, #tpu.memory_space<vmem>>) semaphore(%arg11 : memref<!tpu.dma_semaphore, #tpu.memory_space<semaphore_mem>>)
      } else {
      }
      %add3A_660 = arith.constant 1 : i32
      %add3A_661 = arith.addi %mul3A_40, %add3A_660 : i32
      %dma_wait3A_662 = arith.constant 0 : i32
      %dma_wait3A_663 = tpu.memref_slice %arg5[%add3A_661, %dma_wait3A_662] : memref<256x100xi32, #tpu.memory_space<vmem>> -> memref<1x100xi32, #tpu.memory_space<vmem>>
      %dma_wait3A_664 = tpu.memref_squeeze %dma_wait3A_663 : memref<1x100xi32, #tpu.memory_space<vmem>> -> memref<100xi32, #tpu.memory_space<vmem>>
      %dma_wait3A_665 = arith.constant 0 : i32
      %dma_wait3A_666 = arith.constant 0 : i32
      %dma_wait3A_667 = tpu.memref_slice %arg2[%dma_wait3A_665, %dma_wait3A_666] : memref<1015808x16xf32, #tpu.memory_space<hbm>> -> memref<1015808x16xf32, #tpu.memory_space<hbm>>
      tpu.wait_indirect_dma semaphore(%arg12 : memref<!tpu.dma_semaphore, #tpu.memory_space<semaphore_mem>>) src(%dma_wait3A_667 : memref<1015808x16xf32, #tpu.memory_space<hbm>>) dst(%arg7 : memref<100x16xf32, #tpu.memory_space<vmem>>)
      %get3A_668 = arith.constant 0 : i32
      %get3A_669 = arith.index_cast %get3A_668 : i32 to index
      %get3A_670 = arith.constant 0 : index
      %get3A_671 = tpu.vector_load %arg7[%get3A_669, %get3A_670] {strides = array<i32>} : memref<100x16xf32, #tpu.memory_space<vmem>>, vector<1x16xf32>,
      %get3A_672 = vector.shape_cast %get3A_671 : vector<1x16xf32> to vector<16xf32>
      %add3A_673 = arith.addf %broadcast_in_dim3A_3, %get3A_672 : vector<16xf32>
      %get3A_674 = arith.constant 1 : i32
      %get3A_675 = arith.index_cast %get3A_674 : i32 to index
      %get3A_676 = arith.constant 0 : index
      %get3A_677 = tpu.vector_load %arg7[%get3A_675, %get3A_676] {strides = array<i32>} : memref<100x16xf32, #tpu.memory_space<vmem>>, vector<1x16xf32>,
      %get3A_678 = vector.shape_cast %get3A_677 : vector<1x16xf32> to vector<16xf32>
      %add3A_679 = arith.addf %broadcast_in_dim3A_3, %get3A_678 : vector<16xf32>
      %get3A_680 = arith.constant 2 : i32
      %get3A_681 = arith.index_cast %get3A_680 : i32 to index
      %get3A_682 = arith.constant 0 : index
      %get3A_683 = tpu.vector_load %arg7[%get3A_681, %get3A_682] {strides = array<i32>} : memref<100x16xf32, #tpu.memory_space<vmem>>, vector<1x16xf32>,
      %get3A_684 = vector.shape_cast %get3A_683 : vector<1x16xf32> to vector<16xf32>
      %add3A_685 = arith.addf %broadcast_in_dim3A_3, %get3A_684 : vector<16xf32>
      %get3A_686 = arith.constant 3 : i32
      %get3A_687 = arith.index_cast %get3A_686 : i32 to index
      %get3A_688 = arith.constant 0 : index
      %get3A_689 = tpu.vector_load %arg7[%get3A_687, %get3A_688] {strides = array<i32>} : memref<100x16xf32, #tpu.memory_space<vmem>>, vector<1x16xf32>,
      %get3A_690 = vector.shape_cast %get3A_689 : vector<1x16xf32> to vector<16xf32>
      %add3A_691 = arith.addf %broadcast_in_dim3A_3, %get3A_690 : vector<16xf32>
      %get3A_692 = arith.constant 4 : i32
      %get3A_693 = arith.index_cast %get3A_692 : i32 to index
      %get3A_694 = arith.constant 0 : index
      %get3A_695 = tpu.vector_load %arg7[%get3A_693, %get3A_694] {strides = array<i32>} : memref<100x16xf32, #tpu.memory_space<vmem>>, vector<1x16xf32>,
      %get3A_696 = vector.shape_cast %get3A_695 : vector<1x16xf32> to vector<16xf32>
      %add3A_697 = arith.addf %broadcast_in_dim3A_3, %get3A_696 : vector<16xf32>
      %get3A_698 = arith.constant 5 : i32
      %get3A_699 = arith.index_cast %get3A_698 : i32 to index
      %get3A_700 = arith.constant 0 : index
      %get3A_701 = tpu.vector_load %arg7[%get3A_699, %get3A_700] {strides = array<i32>} : memref<100x16xf32, #tpu.memory_space<vmem>>, vector<1x16xf32>,
      %get3A_702 = vector.shape_cast %get3A_701 : vector<1x16xf32> to vector<16xf32>
      %add3A_703 = arith.addf %broadcast_in_dim3A_3, %get3A_702 : vector<16xf32>
      %get3A_704 = arith.constant 6 : i32
      %get3A_705 = arith.index_cast %get3A_704 : i32 to index
      %get3A_706 = arith.constant 0 : index
      %get3A_707 = tpu.vector_load %arg7[%get3A_705, %get3A_706] {strides = array<i32>} : memref<100x16xf32, #tpu.memory_space<vmem>>, vector<1x16xf32>,
      %get3A_708 = vector.shape_cast %get3A_707 : vector<1x16xf32> to vector<16xf32>
      %add3A_709 = arith.addf %broadcast_in_dim3A_3, %get3A_708 : vector<16xf32>
      %get3A_710 = arith.constant 7 : i32
      %get3A_711 = arith.index_cast %get3A_710 : i32 to index
      %get3A_712 = arith.constant 0 : index
      %get3A_713 = tpu.vector_load %arg7[%get3A_711, %get3A_712] {strides = array<i32>} : memref<100x16xf32, #tpu.memory_space<vmem>>, vector<1x16xf32>,
      %get3A_714 = vector.shape_cast %get3A_713 : vector<1x16xf32> to vector<16xf32>
      %add3A_715 = arith.addf %broadcast_in_dim3A_3, %get3A_714 : vector<16xf32>
      %get3A_716 = arith.constant 8 : i32
      %get3A_717 = arith.index_cast %get3A_716 : i32 to index
      %get3A_718 = arith.constant 0 : index
      %get3A_719 = tpu.vector_load %arg7[%get3A_717, %get3A_718] {strides = array<i32>} : memref<100x16xf32, #tpu.memory_space<vmem>>, vector<1x16xf32>,
      %get3A_720 = vector.shape_cast %get3A_719 : vector<1x16xf32> to vector<16xf32>
      %add3A_721 = arith.addf %add3A_673, %get3A_720 : vector<16xf32>
      %get3A_722 = arith.constant 9 : i32
      %get3A_723 = arith.index_cast %get3A_722 : i32 to index
      %get3A_724 = arith.constant 0 : index
      %get3A_725 = tpu.vector_load %arg7[%get3A_723, %get3A_724] {strides = array<i32>} : memref<100x16xf32, #tpu.memory_space<vmem>>, vector<1x16xf32>,
      %get3A_726 = vector.shape_cast %get3A_725 : vector<1x16xf32> to vector<16xf32>
      %add3A_727 = arith.addf %add3A_679, %get3A_726 : vector<16xf32>
      %get3A_728 = arith.constant 10 : i32
      %get3A_729 = arith.index_cast %get3A_728 : i32 to index
      %get3A_730 = arith.constant 0 : index
      %get3A_731 = tpu.vector_load %arg7[%get3A_729, %get3A_730] {strides = array<i32>} : memref<100x16xf32, #tpu.memory_space<vmem>>, vector<1x16xf32>,
      %get3A_732 = vector.shape_cast %get3A_731 : vector<1x16xf32> to vector<16xf32>
      %add3A_733 = arith.addf %add3A_685, %get3A_732 : vector<16xf32>
      %get3A_734 = arith.constant 11 : i32
      %get3A_735 = arith.index_cast %get3A_734 : i32 to index
      %get3A_736 = arith.constant 0 : index
      %get3A_737 = tpu.vector_load %arg7[%get3A_735, %get3A_736] {strides = array<i32>} : memref<100x16xf32, #tpu.memory_space<vmem>>, vector<1x16xf32>,
      %get3A_738 = vector.shape_cast %get3A_737 : vector<1x16xf32> to vector<16xf32>
      %add3A_739 = arith.addf %add3A_691, %get3A_738 : vector<16xf32>
      %get3A_740 = arith.constant 12 : i32
      %get3A_741 = arith.index_cast %get3A_740 : i32 to index
      %get3A_742 = arith.constant 0 : index
      %get3A_743 = tpu.vector_load %arg7[%get3A_741, %get3A_742] {strides = array<i32>} : memref<100x16xf32, #tpu.memory_space<vmem>>, vector<1x16xf32>,
      %get3A_744 = vector.shape_cast %get3A_743 : vector<1x16xf32> to vector<16xf32>
      %add3A_745 = arith.addf %add3A_697, %get3A_744 : vector<16xf32>
      %get3A_746 = arith.constant 13 : i32
      %get3A_747 = arith.index_cast %get3A_746 : i32 to index
      %get3A_748 = arith.constant 0 : index
      %get3A_749 = tpu.vector_load %arg7[%get3A_747, %get3A_748] {strides = array<i32>} : memref<100x16xf32, #tpu.memory_space<vmem>>, vector<1x16xf32>,
      %get3A_750 = vector.shape_cast %get3A_749 : vector<1x16xf32> to vector<16xf32>
      %add3A_751 = arith.addf %add3A_703, %get3A_750 : vector<16xf32>
      %get3A_752 = arith.constant 14 : i32
      %get3A_753 = arith.index_cast %get3A_752 : i32 to index
      %get3A_754 = arith.constant 0 : index
      %get3A_755 = tpu.vector_load %arg7[%get3A_753, %get3A_754] {strides = array<i32>} : memref<100x16xf32, #tpu.memory_space<vmem>>, vector<1x16xf32>,
      %get3A_756 = vector.shape_cast %get3A_755 : vector<1x16xf32> to vector<16xf32>
      %add3A_757 = arith.addf %add3A_709, %get3A_756 : vector<16xf32>
      %get3A_758 = arith.constant 15 : i32
      %get3A_759 = arith.index_cast %get3A_758 : i32 to index
      %get3A_760 = arith.constant 0 : index
      %get3A_761 = tpu.vector_load %arg7[%get3A_759, %get3A_760] {strides = array<i32>} : memref<100x16xf32, #tpu.memory_space<vmem>>, vector<1x16xf32>,
      %get3A_762 = vector.shape_cast %get3A_761 : vector<1x16xf32> to vector<16xf32>
      %add3A_763 = arith.addf %add3A_715, %get3A_762 : vector<16xf32>
      %get3A_764 = arith.constant 16 : i32
      %get3A_765 = arith.index_cast %get3A_764 : i32 to index
      %get3A_766 = arith.constant 0 : index
      %get3A_767 = tpu.vector_load %arg7[%get3A_765, %get3A_766] {strides = array<i32>} : memref<100x16xf32, #tpu.memory_space<vmem>>, vector<1x16xf32>,
      %get3A_768 = vector.shape_cast %get3A_767 : vector<1x16xf32> to vector<16xf32>
      %add3A_769 = arith.addf %add3A_721, %get3A_768 : vector<16xf32>
      %get3A_770 = arith.constant 17 : i32
      %get3A_771 = arith.index_cast %get3A_770 : i32 to index
      %get3A_772 = arith.constant 0 : index
      %get3A_773 = tpu.vector_load %arg7[%get3A_771, %get3A_772] {strides = array<i32>} : memref<100x16xf32, #tpu.memory_space<vmem>>, vector<1x16xf32>,
      %get3A_774 = vector.shape_cast %get3A_773 : vector<1x16xf32> to vector<16xf32>
      %add3A_775 = arith.addf %add3A_727, %get3A_774 : vector<16xf32>
      %get3A_776 = arith.constant 18 : i32
      %get3A_777 = arith.index_cast %get3A_776 : i32 to index
      %get3A_778 = arith.constant 0 : index
      %get3A_779 = tpu.vector_load %arg7[%get3A_777, %get3A_778] {strides = array<i32>} : memref<100x16xf32, #tpu.memory_space<vmem>>, vector<1x16xf32>,
      %get3A_780 = vector.shape_cast %get3A_779 : vector<1x16xf32> to vector<16xf32>
      %add3A_781 = arith.addf %add3A_733, %get3A_780 : vector<16xf32>
      %get3A_782 = arith.constant 19 : i32
      %get3A_783 = arith.index_cast %get3A_782 : i32 to index
      %get3A_784 = arith.constant 0 : index
      %get3A_785 = tpu.vector_load %arg7[%get3A_783, %get3A_784] {strides = array<i32>} : memref<100x16xf32, #tpu.memory_space<vmem>>, vector<1x16xf32>,
      %get3A_786 = vector.shape_cast %get3A_785 : vector<1x16xf32> to vector<16xf32>
      %add3A_787 = arith.addf %add3A_739, %get3A_786 : vector<16xf32>
      %get3A_788 = arith.constant 20 : i32
      %get3A_789 = arith.index_cast %get3A_788 : i32 to index
      %get3A_790 = arith.constant 0 : index
      %get3A_791 = tpu.vector_load %arg7[%get3A_789, %get3A_790] {strides = array<i32>} : memref<100x16xf32, #tpu.memory_space<vmem>>, vector<1x16xf32>,
      %get3A_792 = vector.shape_cast %get3A_791 : vector<1x16xf32> to vector<16xf32>
      %add3A_793 = arith.addf %add3A_745, %get3A_792 : vector<16xf32>
      %get3A_794 = arith.constant 21 : i32
      %get3A_795 = arith.index_cast %get3A_794 : i32 to index
      %get3A_796 = arith.constant 0 : index
      %get3A_797 = tpu.vector_load %arg7[%get3A_795, %get3A_796] {strides = array<i32>} : memref<100x16xf32, #tpu.memory_space<vmem>>, vector<1x16xf32>,
      %get3A_798 = vector.shape_cast %get3A_797 : vector<1x16xf32> to vector<16xf32>
      %add3A_799 = arith.addf %add3A_751, %get3A_798 : vector<16xf32>
      %get3A_800 = arith.constant 22 : i32
      %get3A_801 = arith.index_cast %get3A_800 : i32 to index
      %get3A_802 = arith.constant 0 : index
      %get3A_803 = tpu.vector_load %arg7[%get3A_801, %get3A_802] {strides = array<i32>} : memref<100x16xf32, #tpu.memory_space<vmem>>, vector<1x16xf32>,
      %get3A_804 = vector.shape_cast %get3A_803 : vector<1x16xf32> to vector<16xf32>
      %add3A_805 = arith.addf %add3A_757, %get3A_804 : vector<16xf32>
      %get3A_806 = arith.constant 23 : i32
      %get3A_807 = arith.index_cast %get3A_806 : i32 to index
      %get3A_808 = arith.constant 0 : index
      %get3A_809 = tpu.vector_load %arg7[%get3A_807, %get3A_808] {strides = array<i32>} : memref<100x16xf32, #tpu.memory_space<vmem>>, vector<1x16xf32>,
      %get3A_810 = vector.shape_cast %get3A_809 : vector<1x16xf32> to vector<16xf32>
      %add3A_811 = arith.addf %add3A_763, %get3A_810 : vector<16xf32>
      %get3A_812 = arith.constant 24 : i32
      %get3A_813 = arith.index_cast %get3A_812 : i32 to index
      %get3A_814 = arith.constant 0 : index
      %get3A_815 = tpu.vector_load %arg7[%get3A_813, %get3A_814] {strides = array<i32>} : memref<100x16xf32, #tpu.memory_space<vmem>>, vector<1x16xf32>,
      %get3A_816 = vector.shape_cast %get3A_815 : vector<1x16xf32> to vector<16xf32>
      %add3A_817 = arith.addf %add3A_769, %get3A_816 : vector<16xf32>
      %get3A_818 = arith.constant 25 : i32
      %get3A_819 = arith.index_cast %get3A_818 : i32 to index
      %get3A_820 = arith.constant 0 : index
      %get3A_821 = tpu.vector_load %arg7[%get3A_819, %get3A_820] {strides = array<i32>} : memref<100x16xf32, #tpu.memory_space<vmem>>, vector<1x16xf32>,
      %get3A_822 = vector.shape_cast %get3A_821 : vector<1x16xf32> to vector<16xf32>
      %add3A_823 = arith.addf %add3A_775, %get3A_822 : vector<16xf32>
      %get3A_824 = arith.constant 26 : i32
      %get3A_825 = arith.index_cast %get3A_824 : i32 to index
      %get3A_826 = arith.constant 0 : index
      %get3A_827 = tpu.vector_load %arg7[%get3A_825, %get3A_826] {strides = array<i32>} : memref<100x16xf32, #tpu.memory_space<vmem>>, vector<1x16xf32>,
      %get3A_828 = vector.shape_cast %get3A_827 : vector<1x16xf32> to vector<16xf32>
      %add3A_829 = arith.addf %add3A_781, %get3A_828 : vector<16xf32>
      %get3A_830 = arith.constant 27 : i32
      %get3A_831 = arith.index_cast %get3A_830 : i32 to index
      %get3A_832 = arith.constant 0 : index
      %get3A_833 = tpu.vector_load %arg7[%get3A_831, %get3A_832] {strides = array<i32>} : memref<100x16xf32, #tpu.memory_space<vmem>>, vector<1x16xf32>,
      %get3A_834 = vector.shape_cast %get3A_833 : vector<1x16xf32> to vector<16xf32>
      %add3A_835 = arith.addf %add3A_787, %get3A_834 : vector<16xf32>
      %get3A_836 = arith.constant 28 : i32
      %get3A_837 = arith.index_cast %get3A_836 : i32 to index
      %get3A_838 = arith.constant 0 : index
      %get3A_839 = tpu.vector_load %arg7[%get3A_837, %get3A_838] {strides = array<i32>} : memref<100x16xf32, #tpu.memory_space<vmem>>, vector<1x16xf32>,
      %get3A_840 = vector.shape_cast %get3A_839 : vector<1x16xf32> to vector<16xf32>
      %add3A_841 = arith.addf %add3A_793, %get3A_840 : vector<16xf32>
      %get3A_842 = arith.constant 29 : i32
      %get3A_843 = arith.index_cast %get3A_842 : i32 to index
      %get3A_844 = arith.constant 0 : index
      %get3A_845 = tpu.vector_load %arg7[%get3A_843, %get3A_844] {strides = array<i32>} : memref<100x16xf32, #tpu.memory_space<vmem>>, vector<1x16xf32>,
      %get3A_846 = vector.shape_cast %get3A_845 : vector<1x16xf32> to vector<16xf32>
      %add3A_847 = arith.addf %add3A_799, %get3A_846 : vector<16xf32>
      %get3A_848 = arith.constant 30 : i32
      %get3A_849 = arith.index_cast %get3A_848 : i32 to index
      %get3A_850 = arith.constant 0 : index
      %get3A_851 = tpu.vector_load %arg7[%get3A_849, %get3A_850] {strides = array<i32>} : memref<100x16xf32, #tpu.memory_space<vmem>>, vector<1x16xf32>,
      %get3A_852 = vector.shape_cast %get3A_851 : vector<1x16xf32> to vector<16xf32>
      %add3A_853 = arith.addf %add3A_805, %get3A_852 : vector<16xf32>
      %get3A_854 = arith.constant 31 : i32
      %get3A_855 = arith.index_cast %get3A_854 : i32 to index
      %get3A_856 = arith.constant 0 : index
      %get3A_857 = tpu.vector_load %arg7[%get3A_855, %get3A_856] {strides = array<i32>} : memref<100x16xf32, #tpu.memory_space<vmem>>, vector<1x16xf32>,
      %get3A_858 = vector.shape_cast %get3A_857 : vector<1x16xf32> to vector<16xf32>
      %add3A_859 = arith.addf %add3A_811, %get3A_858 : vector<16xf32>
      %get3A_860 = arith.constant 32 : i32
      %get3A_861 = arith.index_cast %get3A_860 : i32 to index
      %get3A_862 = arith.constant 0 : index
      %get3A_863 = tpu.vector_load %arg7[%get3A_861, %get3A_862] {strides = array<i32>} : memref<100x16xf32, #tpu.memory_space<vmem>>, vector<1x16xf32>,
      %get3A_864 = vector.shape_cast %get3A_863 : vector<1x16xf32> to vector<16xf32>
      %add3A_865 = arith.addf %add3A_817, %get3A_864 : vector<16xf32>
      %get3A_866 = arith.constant 33 : i32
      %get3A_867 = arith.index_cast %get3A_866 : i32 to index
      %get3A_868 = arith.constant 0 : index
      %get3A_869 = tpu.vector_load %arg7[%get3A_867, %get3A_868] {strides = array<i32>} : memref<100x16xf32, #tpu.memory_space<vmem>>, vector<1x16xf32>,
      %get3A_870 = vector.shape_cast %get3A_869 : vector<1x16xf32> to vector<16xf32>
      %add3A_871 = arith.addf %add3A_823, %get3A_870 : vector<16xf32>
      %get3A_872 = arith.constant 34 : i32
      %get3A_873 = arith.index_cast %get3A_872 : i32 to index
      %get3A_874 = arith.constant 0 : index
      %get3A_875 = tpu.vector_load %arg7[%get3A_873, %get3A_874] {strides = array<i32>} : memref<100x16xf32, #tpu.memory_space<vmem>>, vector<1x16xf32>,
      %get3A_876 = vector.shape_cast %get3A_875 : vector<1x16xf32> to vector<16xf32>
      %add3A_877 = arith.addf %add3A_829, %get3A_876 : vector<16xf32>
      %get3A_878 = arith.constant 35 : i32
      %get3A_879 = arith.index_cast %get3A_878 : i32 to index
      %get3A_880 = arith.constant 0 : index
      %get3A_881 = tpu.vector_load %arg7[%get3A_879, %get3A_880] {strides = array<i32>} : memref<100x16xf32, #tpu.memory_space<vmem>>, vector<1x16xf32>,
      %get3A_882 = vector.shape_cast %get3A_881 : vector<1x16xf32> to vector<16xf32>
      %add3A_883 = arith.addf %add3A_835, %get3A_882 : vector<16xf32>
      %get3A_884 = arith.constant 36 : i32
      %get3A_885 = arith.index_cast %get3A_884 : i32 to index
      %get3A_886 = arith.constant 0 : index
      %get3A_887 = tpu.vector_load %arg7[%get3A_885, %get3A_886] {strides = array<i32>} : memref<100x16xf32, #tpu.memory_space<vmem>>, vector<1x16xf32>,
      %get3A_888 = vector.shape_cast %get3A_887 : vector<1x16xf32> to vector<16xf32>
      %add3A_889 = arith.addf %add3A_841, %get3A_888 : vector<16xf32>
      %get3A_890 = arith.constant 37 : i32
      %get3A_891 = arith.index_cast %get3A_890 : i32 to index
      %get3A_892 = arith.constant 0 : index
      %get3A_893 = tpu.vector_load %arg7[%get3A_891, %get3A_892] {strides = array<i32>} : memref<100x16xf32, #tpu.memory_space<vmem>>, vector<1x16xf32>,
      %get3A_894 = vector.shape_cast %get3A_893 : vector<1x16xf32> to vector<16xf32>
      %add3A_895 = arith.addf %add3A_847, %get3A_894 : vector<16xf32>
      %get3A_896 = arith.constant 38 : i32
      %get3A_897 = arith.index_cast %get3A_896 : i32 to index
      %get3A_898 = arith.constant 0 : index
      %get3A_899 = tpu.vector_load %arg7[%get3A_897, %get3A_898] {strides = array<i32>} : memref<100x16xf32, #tpu.memory_space<vmem>>, vector<1x16xf32>,
      %get3A_900 = vector.shape_cast %get3A_899 : vector<1x16xf32> to vector<16xf32>
      %add3A_901 = arith.addf %add3A_853, %get3A_900 : vector<16xf32>
      %get3A_902 = arith.constant 39 : i32
      %get3A_903 = arith.index_cast %get3A_902 : i32 to index
      %get3A_904 = arith.constant 0 : index
      %get3A_905 = tpu.vector_load %arg7[%get3A_903, %get3A_904] {strides = array<i32>} : memref<100x16xf32, #tpu.memory_space<vmem>>, vector<1x16xf32>,
      %get3A_906 = vector.shape_cast %get3A_905 : vector<1x16xf32> to vector<16xf32>
      %add3A_907 = arith.addf %add3A_859, %get3A_906 : vector<16xf32>
      %get3A_908 = arith.constant 40 : i32
      %get3A_909 = arith.index_cast %get3A_908 : i32 to index
      %get3A_910 = arith.constant 0 : index
      %get3A_911 = tpu.vector_load %arg7[%get3A_909, %get3A_910] {strides = array<i32>} : memref<100x16xf32, #tpu.memory_space<vmem>>, vector<1x16xf32>,
      %get3A_912 = vector.shape_cast %get3A_911 : vector<1x16xf32> to vector<16xf32>
      %add3A_913 = arith.addf %add3A_865, %get3A_912 : vector<16xf32>
      %get3A_914 = arith.constant 41 : i32
      %get3A_915 = arith.index_cast %get3A_914 : i32 to index
      %get3A_916 = arith.constant 0 : index
      %get3A_917 = tpu.vector_load %arg7[%get3A_915, %get3A_916] {strides = array<i32>} : memref<100x16xf32, #tpu.memory_space<vmem>>, vector<1x16xf32>,
      %get3A_918 = vector.shape_cast %get3A_917 : vector<1x16xf32> to vector<16xf32>
      %add3A_919 = arith.addf %add3A_871, %get3A_918 : vector<16xf32>
      %get3A_920 = arith.constant 42 : i32
      %get3A_921 = arith.index_cast %get3A_920 : i32 to index
      %get3A_922 = arith.constant 0 : index
      %get3A_923 = tpu.vector_load %arg7[%get3A_921, %get3A_922] {strides = array<i32>} : memref<100x16xf32, #tpu.memory_space<vmem>>, vector<1x16xf32>,
      %get3A_924 = vector.shape_cast %get3A_923 : vector<1x16xf32> to vector<16xf32>
      %add3A_925 = arith.addf %add3A_877, %get3A_924 : vector<16xf32>
      %get3A_926 = arith.constant 43 : i32
      %get3A_927 = arith.index_cast %get3A_926 : i32 to index
      %get3A_928 = arith.constant 0 : index
      %get3A_929 = tpu.vector_load %arg7[%get3A_927, %get3A_928] {strides = array<i32>} : memref<100x16xf32, #tpu.memory_space<vmem>>, vector<1x16xf32>,
      %get3A_930 = vector.shape_cast %get3A_929 : vector<1x16xf32> to vector<16xf32>
      %add3A_931 = arith.addf %add3A_883, %get3A_930 : vector<16xf32>
      %get3A_932 = arith.constant 44 : i32
      %get3A_933 = arith.index_cast %get3A_932 : i32 to index
      %get3A_934 = arith.constant 0 : index
      %get3A_935 = tpu.vector_load %arg7[%get3A_933, %get3A_934] {strides = array<i32>} : memref<100x16xf32, #tpu.memory_space<vmem>>, vector<1x16xf32>,
      %get3A_936 = vector.shape_cast %get3A_935 : vector<1x16xf32> to vector<16xf32>
      %add3A_937 = arith.addf %add3A_889, %get3A_936 : vector<16xf32>
      %get3A_938 = arith.constant 45 : i32
      %get3A_939 = arith.index_cast %get3A_938 : i32 to index
      %get3A_940 = arith.constant 0 : index
      %get3A_941 = tpu.vector_load %arg7[%get3A_939, %get3A_940] {strides = array<i32>} : memref<100x16xf32, #tpu.memory_space<vmem>>, vector<1x16xf32>,
      %get3A_942 = vector.shape_cast %get3A_941 : vector<1x16xf32> to vector<16xf32>
      %add3A_943 = arith.addf %add3A_895, %get3A_942 : vector<16xf32>
      %get3A_944 = arith.constant 46 : i32
      %get3A_945 = arith.index_cast %get3A_944 : i32 to index
      %get3A_946 = arith.constant 0 : index
      %get3A_947 = tpu.vector_load %arg7[%get3A_945, %get3A_946] {strides = array<i32>} : memref<100x16xf32, #tpu.memory_space<vmem>>, vector<1x16xf32>,
      %get3A_948 = vector.shape_cast %get3A_947 : vector<1x16xf32> to vector<16xf32>
      %add3A_949 = arith.addf %add3A_901, %get3A_948 : vector<16xf32>
      %get3A_950 = arith.constant 47 : i32
      %get3A_951 = arith.index_cast %get3A_950 : i32 to index
      %get3A_952 = arith.constant 0 : index
      %get3A_953 = tpu.vector_load %arg7[%get3A_951, %get3A_952] {strides = array<i32>} : memref<100x16xf32, #tpu.memory_space<vmem>>, vector<1x16xf32>,
      %get3A_954 = vector.shape_cast %get3A_953 : vector<1x16xf32> to vector<16xf32>
      %add3A_955 = arith.addf %add3A_907, %get3A_954 : vector<16xf32>
      %get3A_956 = arith.constant 48 : i32
      %get3A_957 = arith.index_cast %get3A_956 : i32 to index
      %get3A_958 = arith.constant 0 : index
      %get3A_959 = tpu.vector_load %arg7[%get3A_957, %get3A_958] {strides = array<i32>} : memref<100x16xf32, #tpu.memory_space<vmem>>, vector<1x16xf32>,
      %get3A_960 = vector.shape_cast %get3A_959 : vector<1x16xf32> to vector<16xf32>
      %add3A_961 = arith.addf %add3A_913, %get3A_960 : vector<16xf32>
      %get3A_962 = arith.constant 49 : i32
      %get3A_963 = arith.index_cast %get3A_962 : i32 to index
      %get3A_964 = arith.constant 0 : index
      %get3A_965 = tpu.vector_load %arg7[%get3A_963, %get3A_964] {strides = array<i32>} : memref<100x16xf32, #tpu.memory_space<vmem>>, vector<1x16xf32>,
      %get3A_966 = vector.shape_cast %get3A_965 : vector<1x16xf32> to vector<16xf32>
      %add3A_967 = arith.addf %add3A_919, %get3A_966 : vector<16xf32>
      %get3A_968 = arith.constant 50 : i32
      %get3A_969 = arith.index_cast %get3A_968 : i32 to index
      %get3A_970 = arith.constant 0 : index
      %get3A_971 = tpu.vector_load %arg7[%get3A_969, %get3A_970] {strides = array<i32>} : memref<100x16xf32, #tpu.memory_space<vmem>>, vector<1x16xf32>,
      %get3A_972 = vector.shape_cast %get3A_971 : vector<1x16xf32> to vector<16xf32>
      %add3A_973 = arith.addf %add3A_925, %get3A_972 : vector<16xf32>
      %get3A_974 = arith.constant 51 : i32
      %get3A_975 = arith.index_cast %get3A_974 : i32 to index
      %get3A_976 = arith.constant 0 : index
      %get3A_977 = tpu.vector_load %arg7[%get3A_975, %get3A_976] {strides = array<i32>} : memref<100x16xf32, #tpu.memory_space<vmem>>, vector<1x16xf32>,
      %get3A_978 = vector.shape_cast %get3A_977 : vector<1x16xf32> to vector<16xf32>
      %add3A_979 = arith.addf %add3A_931, %get3A_978 : vector<16xf32>
      %get3A_980 = arith.constant 52 : i32
      %get3A_981 = arith.index_cast %get3A_980 : i32 to index
      %get3A_982 = arith.constant 0 : index
      %get3A_983 = tpu.vector_load %arg7[%get3A_981, %get3A_982] {strides = array<i32>} : memref<100x16xf32, #tpu.memory_space<vmem>>, vector<1x16xf32>,
      %get3A_984 = vector.shape_cast %get3A_983 : vector<1x16xf32> to vector<16xf32>
      %add3A_985 = arith.addf %add3A_937, %get3A_984 : vector<16xf32>
      %get3A_986 = arith.constant 53 : i32
      %get3A_987 = arith.index_cast %get3A_986 : i32 to index
      %get3A_988 = arith.constant 0 : index
      %get3A_989 = tpu.vector_load %arg7[%get3A_987, %get3A_988] {strides = array<i32>} : memref<100x16xf32, #tpu.memory_space<vmem>>, vector<1x16xf32>,
      %get3A_990 = vector.shape_cast %get3A_989 : vector<1x16xf32> to vector<16xf32>
      %add3A_991 = arith.addf %add3A_943, %get3A_990 : vector<16xf32>
      %get3A_992 = arith.constant 54 : i32
      %get3A_993 = arith.index_cast %get3A_992 : i32 to index
      %get3A_994 = arith.constant 0 : index
      %get3A_995 = tpu.vector_load %arg7[%get3A_993, %get3A_994] {strides = array<i32>} : memref<100x16xf32, #tpu.memory_space<vmem>>, vector<1x16xf32>,
      %get3A_996 = vector.shape_cast %get3A_995 : vector<1x16xf32> to vector<16xf32>
      %add3A_997 = arith.addf %add3A_949, %get3A_996 : vector<16xf32>
      %get3A_998 = arith.constant 55 : i32
      %get3A_999 = arith.index_cast %get3A_998 : i32 to index
      %get3A_1000 = arith.constant 0 : index
      %get3A_1001 = tpu.vector_load %arg7[%get3A_999, %get3A_1000] {strides = array<i32>} : memref<100x16xf32, #tpu.memory_space<vmem>>, vector<1x16xf32>,
      %get3A_1002 = vector.shape_cast %get3A_1001 : vector<1x16xf32> to vector<16xf32>
      %add3A_1003 = arith.addf %add3A_955, %get3A_1002 : vector<16xf32>
      %get3A_1004 = arith.constant 56 : i32
      %get3A_1005 = arith.index_cast %get3A_1004 : i32 to index
      %get3A_1006 = arith.constant 0 : index
      %get3A_1007 = tpu.vector_load %arg7[%get3A_1005, %get3A_1006] {strides = array<i32>} : memref<100x16xf32, #tpu.memory_space<vmem>>, vector<1x16xf32>,
      %get3A_1008 = vector.shape_cast %get3A_1007 : vector<1x16xf32> to vector<16xf32>
      %add3A_1009 = arith.addf %add3A_961, %get3A_1008 : vector<16xf32>
      %get3A_1010 = arith.constant 57 : i32
      %get3A_1011 = arith.index_cast %get3A_1010 : i32 to index
      %get3A_1012 = arith.constant 0 : index
      %get3A_1013 = tpu.vector_load %arg7[%get3A_1011, %get3A_1012] {strides = array<i32>} : memref<100x16xf32, #tpu.memory_space<vmem>>, vector<1x16xf32>,
      %get3A_1014 = vector.shape_cast %get3A_1013 : vector<1x16xf32> to vector<16xf32>
      %add3A_1015 = arith.addf %add3A_967, %get3A_1014 : vector<16xf32>
      %get3A_1016 = arith.constant 58 : i32
      %get3A_1017 = arith.index_cast %get3A_1016 : i32 to index
      %get3A_1018 = arith.constant 0 : index
      %get3A_1019 = tpu.vector_load %arg7[%get3A_1017, %get3A_1018] {strides = array<i32>} : memref<100x16xf32, #tpu.memory_space<vmem>>, vector<1x16xf32>,
      %get3A_1020 = vector.shape_cast %get3A_1019 : vector<1x16xf32> to vector<16xf32>
      %add3A_1021 = arith.addf %add3A_973, %get3A_1020 : vector<16xf32>
      %get3A_1022 = arith.constant 59 : i32
      %get3A_1023 = arith.index_cast %get3A_1022 : i32 to index
      %get3A_1024 = arith.constant 0 : index
      %get3A_1025 = tpu.vector_load %arg7[%get3A_1023, %get3A_1024] {strides = array<i32>} : memref<100x16xf32, #tpu.memory_space<vmem>>, vector<1x16xf32>,
      %get3A_1026 = vector.shape_cast %get3A_1025 : vector<1x16xf32> to vector<16xf32>
      %add3A_1027 = arith.addf %add3A_979, %get3A_1026 : vector<16xf32>
      %get3A_1028 = arith.constant 60 : i32
      %get3A_1029 = arith.index_cast %get3A_1028 : i32 to index
      %get3A_1030 = arith.constant 0 : index
      %get3A_1031 = tpu.vector_load %arg7[%get3A_1029, %get3A_1030] {strides = array<i32>} : memref<100x16xf32, #tpu.memory_space<vmem>>, vector<1x16xf32>,
      %get3A_1032 = vector.shape_cast %get3A_1031 : vector<1x16xf32> to vector<16xf32>
      %add3A_1033 = arith.addf %add3A_985, %get3A_1032 : vector<16xf32>
      %get3A_1034 = arith.constant 61 : i32
      %get3A_1035 = arith.index_cast %get3A_1034 : i32 to index
      %get3A_1036 = arith.constant 0 : index
      %get3A_1037 = tpu.vector_load %arg7[%get3A_1035, %get3A_1036] {strides = array<i32>} : memref<100x16xf32, #tpu.memory_space<vmem>>, vector<1x16xf32>,
      %get3A_1038 = vector.shape_cast %get3A_1037 : vector<1x16xf32> to vector<16xf32>
      %add3A_1039 = arith.addf %add3A_991, %get3A_1038 : vector<16xf32>
      %get3A_1040 = arith.constant 62 : i32
      %get3A_1041 = arith.index_cast %get3A_1040 : i32 to index
      %get3A_1042 = arith.constant 0 : index
      %get3A_1043 = tpu.vector_load %arg7[%get3A_1041, %get3A_1042] {strides = array<i32>} : memref<100x16xf32, #tpu.memory_space<vmem>>, vector<1x16xf32>,
      %get3A_1044 = vector.shape_cast %get3A_1043 : vector<1x16xf32> to vector<16xf32>
      %add3A_1045 = arith.addf %add3A_997, %get3A_1044 : vector<16xf32>
      %get3A_1046 = arith.constant 63 : i32
      %get3A_1047 = arith.index_cast %get3A_1046 : i32 to index
      %get3A_1048 = arith.constant 0 : index
      %get3A_1049 = tpu.vector_load %arg7[%get3A_1047, %get3A_1048] {strides = array<i32>} : memref<100x16xf32, #tpu.memory_space<vmem>>, vector<1x16xf32>,
      %get3A_1050 = vector.shape_cast %get3A_1049 : vector<1x16xf32> to vector<16xf32>
      %add3A_1051 = arith.addf %add3A_1003, %get3A_1050 : vector<16xf32>
      %get3A_1052 = arith.constant 64 : i32
      %get3A_1053 = arith.index_cast %get3A_1052 : i32 to index
      %get3A_1054 = arith.constant 0 : index
      %get3A_1055 = tpu.vector_load %arg7[%get3A_1053, %get3A_1054] {strides = array<i32>} : memref<100x16xf32, #tpu.memory_space<vmem>>, vector<1x16xf32>,
      %get3A_1056 = vector.shape_cast %get3A_1055 : vector<1x16xf32> to vector<16xf32>
      %add3A_1057 = arith.addf %add3A_1009, %get3A_1056 : vector<16xf32>
      %get3A_1058 = arith.constant 65 : i32
      %get3A_1059 = arith.index_cast %get3A_1058 : i32 to index
      %get3A_1060 = arith.constant 0 : index
      %get3A_1061 = tpu.vector_load %arg7[%get3A_1059, %get3A_1060] {strides = array<i32>} : memref<100x16xf32, #tpu.memory_space<vmem>>, vector<1x16xf32>,
      %get3A_1062 = vector.shape_cast %get3A_1061 : vector<1x16xf32> to vector<16xf32>
      %add3A_1063 = arith.addf %add3A_1015, %get3A_1062 : vector<16xf32>
      %get3A_1064 = arith.constant 66 : i32
      %get3A_1065 = arith.index_cast %get3A_1064 : i32 to index
      %get3A_1066 = arith.constant 0 : index
      %get3A_1067 = tpu.vector_load %arg7[%get3A_1065, %get3A_1066] {strides = array<i32>} : memref<100x16xf32, #tpu.memory_space<vmem>>, vector<1x16xf32>,
      %get3A_1068 = vector.shape_cast %get3A_1067 : vector<1x16xf32> to vector<16xf32>
      %add3A_1069 = arith.addf %add3A_1021, %get3A_1068 : vector<16xf32>
      %get3A_1070 = arith.constant 67 : i32
      %get3A_1071 = arith.index_cast %get3A_1070 : i32 to index
      %get3A_1072 = arith.constant 0 : index
      %get3A_1073 = tpu.vector_load %arg7[%get3A_1071, %get3A_1072] {strides = array<i32>} : memref<100x16xf32, #tpu.memory_space<vmem>>, vector<1x16xf32>,
      %get3A_1074 = vector.shape_cast %get3A_1073 : vector<1x16xf32> to vector<16xf32>
      %add3A_1075 = arith.addf %add3A_1027, %get3A_1074 : vector<16xf32>
      %get3A_1076 = arith.constant 68 : i32
      %get3A_1077 = arith.index_cast %get3A_1076 : i32 to index
      %get3A_1078 = arith.constant 0 : index
      %get3A_1079 = tpu.vector_load %arg7[%get3A_1077, %get3A_1078] {strides = array<i32>} : memref<100x16xf32, #tpu.memory_space<vmem>>, vector<1x16xf32>,
      %get3A_1080 = vector.shape_cast %get3A_1079 : vector<1x16xf32> to vector<16xf32>
      %add3A_1081 = arith.addf %add3A_1033, %get3A_1080 : vector<16xf32>
      %get3A_1082 = arith.constant 69 : i32
      %get3A_1083 = arith.index_cast %get3A_1082 : i32 to index
      %get3A_1084 = arith.constant 0 : index
      %get3A_1085 = tpu.vector_load %arg7[%get3A_1083, %get3A_1084] {strides = array<i32>} : memref<100x16xf32, #tpu.memory_space<vmem>>, vector<1x16xf32>,
      %get3A_1086 = vector.shape_cast %get3A_1085 : vector<1x16xf32> to vector<16xf32>
      %add3A_1087 = arith.addf %add3A_1039, %get3A_1086 : vector<16xf32>
      %get3A_1088 = arith.constant 70 : i32
      %get3A_1089 = arith.index_cast %get3A_1088 : i32 to index
      %get3A_1090 = arith.constant 0 : index
      %get3A_1091 = tpu.vector_load %arg7[%get3A_1089, %get3A_1090] {strides = array<i32>} : memref<100x16xf32, #tpu.memory_space<vmem>>, vector<1x16xf32>,
      %get3A_1092 = vector.shape_cast %get3A_1091 : vector<1x16xf32> to vector<16xf32>
      %add3A_1093 = arith.addf %add3A_1045, %get3A_1092 : vector<16xf32>
      %get3A_1094 = arith.constant 71 : i32
      %get3A_1095 = arith.index_cast %get3A_1094 : i32 to index
      %get3A_1096 = arith.constant 0 : index
      %get3A_1097 = tpu.vector_load %arg7[%get3A_1095, %get3A_1096] {strides = array<i32>} : memref<100x16xf32, #tpu.memory_space<vmem>>, vector<1x16xf32>,
      %get3A_1098 = vector.shape_cast %get3A_1097 : vector<1x16xf32> to vector<16xf32>
      %add3A_1099 = arith.addf %add3A_1051, %get3A_1098 : vector<16xf32>
      %get3A_1100 = arith.constant 72 : i32
      %get3A_1101 = arith.index_cast %get3A_1100 : i32 to index
      %get3A_1102 = arith.constant 0 : index
      %get3A_1103 = tpu.vector_load %arg7[%get3A_1101, %get3A_1102] {strides = array<i32>} : memref<100x16xf32, #tpu.memory_space<vmem>>, vector<1x16xf32>,
      %get3A_1104 = vector.shape_cast %get3A_1103 : vector<1x16xf32> to vector<16xf32>
      %add3A_1105 = arith.addf %add3A_1057, %get3A_1104 : vector<16xf32>
      %get3A_1106 = arith.constant 73 : i32
      %get3A_1107 = arith.index_cast %get3A_1106 : i32 to index
      %get3A_1108 = arith.constant 0 : index
      %get3A_1109 = tpu.vector_load %arg7[%get3A_1107, %get3A_1108] {strides = array<i32>} : memref<100x16xf32, #tpu.memory_space<vmem>>, vector<1x16xf32>,
      %get3A_1110 = vector.shape_cast %get3A_1109 : vector<1x16xf32> to vector<16xf32>
      %add3A_1111 = arith.addf %add3A_1063, %get3A_1110 : vector<16xf32>
      %get3A_1112 = arith.constant 74 : i32
      %get3A_1113 = arith.index_cast %get3A_1112 : i32 to index
      %get3A_1114 = arith.constant 0 : index
      %get3A_1115 = tpu.vector_load %arg7[%get3A_1113, %get3A_1114] {strides = array<i32>} : memref<100x16xf32, #tpu.memory_space<vmem>>, vector<1x16xf32>,
      %get3A_1116 = vector.shape_cast %get3A_1115 : vector<1x16xf32> to vector<16xf32>
      %add3A_1117 = arith.addf %add3A_1069, %get3A_1116 : vector<16xf32>
      %get3A_1118 = arith.constant 75 : i32
      %get3A_1119 = arith.index_cast %get3A_1118 : i32 to index
      %get3A_1120 = arith.constant 0 : index
      %get3A_1121 = tpu.vector_load %arg7[%get3A_1119, %get3A_1120] {strides = array<i32>} : memref<100x16xf32, #tpu.memory_space<vmem>>, vector<1x16xf32>,
      %get3A_1122 = vector.shape_cast %get3A_1121 : vector<1x16xf32> to vector<16xf32>
      %add3A_1123 = arith.addf %add3A_1075, %get3A_1122 : vector<16xf32>
      %get3A_1124 = arith.constant 76 : i32
      %get3A_1125 = arith.index_cast %get3A_1124 : i32 to index
      %get3A_1126 = arith.constant 0 : index
      %get3A_1127 = tpu.vector_load %arg7[%get3A_1125, %get3A_1126] {strides = array<i32>} : memref<100x16xf32, #tpu.memory_space<vmem>>, vector<1x16xf32>,
      %get3A_1128 = vector.shape_cast %get3A_1127 : vector<1x16xf32> to vector<16xf32>
      %add3A_1129 = arith.addf %add3A_1081, %get3A_1128 : vector<16xf32>
      %get3A_1130 = arith.constant 77 : i32
      %get3A_1131 = arith.index_cast %get3A_1130 : i32 to index
      %get3A_1132 = arith.constant 0 : index
      %get3A_1133 = tpu.vector_load %arg7[%get3A_1131, %get3A_1132] {strides = array<i32>} : memref<100x16xf32, #tpu.memory_space<vmem>>, vector<1x16xf32>,
      %get3A_1134 = vector.shape_cast %get3A_1133 : vector<1x16xf32> to vector<16xf32>
      %add3A_1135 = arith.addf %add3A_1087, %get3A_1134 : vector<16xf32>
      %get3A_1136 = arith.constant 78 : i32
      %get3A_1137 = arith.index_cast %get3A_1136 : i32 to index
      %get3A_1138 = arith.constant 0 : index
      %get3A_1139 = tpu.vector_load %arg7[%get3A_1137, %get3A_1138] {strides = array<i32>} : memref<100x16xf32, #tpu.memory_space<vmem>>, vector<1x16xf32>,
      %get3A_1140 = vector.shape_cast %get3A_1139 : vector<1x16xf32> to vector<16xf32>
      %add3A_1141 = arith.addf %add3A_1093, %get3A_1140 : vector<16xf32>
      %get3A_1142 = arith.constant 79 : i32
      %get3A_1143 = arith.index_cast %get3A_1142 : i32 to index
      %get3A_1144 = arith.constant 0 : index
      %get3A_1145 = tpu.vector_load %arg7[%get3A_1143, %get3A_1144] {strides = array<i32>} : memref<100x16xf32, #tpu.memory_space<vmem>>, vector<1x16xf32>,
      %get3A_1146 = vector.shape_cast %get3A_1145 : vector<1x16xf32> to vector<16xf32>
      %add3A_1147 = arith.addf %add3A_1099, %get3A_1146 : vector<16xf32>
      %get3A_1148 = arith.constant 80 : i32
      %get3A_1149 = arith.index_cast %get3A_1148 : i32 to index
      %get3A_1150 = arith.constant 0 : index
      %get3A_1151 = tpu.vector_load %arg7[%get3A_1149, %get3A_1150] {strides = array<i32>} : memref<100x16xf32, #tpu.memory_space<vmem>>, vector<1x16xf32>,
      %get3A_1152 = vector.shape_cast %get3A_1151 : vector<1x16xf32> to vector<16xf32>
      %add3A_1153 = arith.addf %add3A_1105, %get3A_1152 : vector<16xf32>
      %get3A_1154 = arith.constant 81 : i32
      %get3A_1155 = arith.index_cast %get3A_1154 : i32 to index
      %get3A_1156 = arith.constant 0 : index
      %get3A_1157 = tpu.vector_load %arg7[%get3A_1155, %get3A_1156] {strides = array<i32>} : memref<100x16xf32, #tpu.memory_space<vmem>>, vector<1x16xf32>,
      %get3A_1158 = vector.shape_cast %get3A_1157 : vector<1x16xf32> to vector<16xf32>
      %add3A_1159 = arith.addf %add3A_1111, %get3A_1158 : vector<16xf32>
      %get3A_1160 = arith.constant 82 : i32
      %get3A_1161 = arith.index_cast %get3A_1160 : i32 to index
      %get3A_1162 = arith.constant 0 : index
      %get3A_1163 = tpu.vector_load %arg7[%get3A_1161, %get3A_1162] {strides = array<i32>} : memref<100x16xf32, #tpu.memory_space<vmem>>, vector<1x16xf32>,
      %get3A_1164 = vector.shape_cast %get3A_1163 : vector<1x16xf32> to vector<16xf32>
      %add3A_1165 = arith.addf %add3A_1117, %get3A_1164 : vector<16xf32>
      %get3A_1166 = arith.constant 83 : i32
      %get3A_1167 = arith.index_cast %get3A_1166 : i32 to index
      %get3A_1168 = arith.constant 0 : index
      %get3A_1169 = tpu.vector_load %arg7[%get3A_1167, %get3A_1168] {strides = array<i32>} : memref<100x16xf32, #tpu.memory_space<vmem>>, vector<1x16xf32>,
      %get3A_1170 = vector.shape_cast %get3A_1169 : vector<1x16xf32> to vector<16xf32>
      %add3A_1171 = arith.addf %add3A_1123, %get3A_1170 : vector<16xf32>
      %get3A_1172 = arith.constant 84 : i32
      %get3A_1173 = arith.index_cast %get3A_1172 : i32 to index
      %get3A_1174 = arith.constant 0 : index
      %get3A_1175 = tpu.vector_load %arg7[%get3A_1173, %get3A_1174] {strides = array<i32>} : memref<100x16xf32, #tpu.memory_space<vmem>>, vector<1x16xf32>,
      %get3A_1176 = vector.shape_cast %get3A_1175 : vector<1x16xf32> to vector<16xf32>
      %add3A_1177 = arith.addf %add3A_1129, %get3A_1176 : vector<16xf32>
      %get3A_1178 = arith.constant 85 : i32
      %get3A_1179 = arith.index_cast %get3A_1178 : i32 to index
      %get3A_1180 = arith.constant 0 : index
      %get3A_1181 = tpu.vector_load %arg7[%get3A_1179, %get3A_1180] {strides = array<i32>} : memref<100x16xf32, #tpu.memory_space<vmem>>, vector<1x16xf32>,
      %get3A_1182 = vector.shape_cast %get3A_1181 : vector<1x16xf32> to vector<16xf32>
      %add3A_1183 = arith.addf %add3A_1135, %get3A_1182 : vector<16xf32>
      %get3A_1184 = arith.constant 86 : i32
      %get3A_1185 = arith.index_cast %get3A_1184 : i32 to index
      %get3A_1186 = arith.constant 0 : index
      %get3A_1187 = tpu.vector_load %arg7[%get3A_1185, %get3A_1186] {strides = array<i32>} : memref<100x16xf32, #tpu.memory_space<vmem>>, vector<1x16xf32>,
      %get3A_1188 = vector.shape_cast %get3A_1187 : vector<1x16xf32> to vector<16xf32>
      %add3A_1189 = arith.addf %add3A_1141, %get3A_1188 : vector<16xf32>
      %get3A_1190 = arith.constant 87 : i32
      %get3A_1191 = arith.index_cast %get3A_1190 : i32 to index
      %get3A_1192 = arith.constant 0 : index
      %get3A_1193 = tpu.vector_load %arg7[%get3A_1191, %get3A_1192] {strides = array<i32>} : memref<100x16xf32, #tpu.memory_space<vmem>>, vector<1x16xf32>,
      %get3A_1194 = vector.shape_cast %get3A_1193 : vector<1x16xf32> to vector<16xf32>
      %add3A_1195 = arith.addf %add3A_1147, %get3A_1194 : vector<16xf32>
      %get3A_1196 = arith.constant 88 : i32
      %get3A_1197 = arith.index_cast %get3A_1196 : i32 to index
      %get3A_1198 = arith.constant 0 : index
      %get3A_1199 = tpu.vector_load %arg7[%get3A_1197, %get3A_1198] {strides = array<i32>} : memref<100x16xf32, #tpu.memory_space<vmem>>, vector<1x16xf32>,
      %get3A_1200 = vector.shape_cast %get3A_1199 : vector<1x16xf32> to vector<16xf32>
      %add3A_1201 = arith.addf %add3A_1153, %get3A_1200 : vector<16xf32>
      %get3A_1202 = arith.constant 89 : i32
      %get3A_1203 = arith.index_cast %get3A_1202 : i32 to index
      %get3A_1204 = arith.constant 0 : index
      %get3A_1205 = tpu.vector_load %arg7[%get3A_1203, %get3A_1204] {strides = array<i32>} : memref<100x16xf32, #tpu.memory_space<vmem>>, vector<1x16xf32>,
      %get3A_1206 = vector.shape_cast %get3A_1205 : vector<1x16xf32> to vector<16xf32>
      %add3A_1207 = arith.addf %add3A_1159, %get3A_1206 : vector<16xf32>
      %get3A_1208 = arith.constant 90 : i32
      %get3A_1209 = arith.index_cast %get3A_1208 : i32 to index
      %get3A_1210 = arith.constant 0 : index
      %get3A_1211 = tpu.vector_load %arg7[%get3A_1209, %get3A_1210] {strides = array<i32>} : memref<100x16xf32, #tpu.memory_space<vmem>>, vector<1x16xf32>,
      %get3A_1212 = vector.shape_cast %get3A_1211 : vector<1x16xf32> to vector<16xf32>
      %add3A_1213 = arith.addf %add3A_1165, %get3A_1212 : vector<16xf32>
      %get3A_1214 = arith.constant 91 : i32
      %get3A_1215 = arith.index_cast %get3A_1214 : i32 to index
      %get3A_1216 = arith.constant 0 : index
      %get3A_1217 = tpu.vector_load %arg7[%get3A_1215, %get3A_1216] {strides = array<i32>} : memref<100x16xf32, #tpu.memory_space<vmem>>, vector<1x16xf32>,
      %get3A_1218 = vector.shape_cast %get3A_1217 : vector<1x16xf32> to vector<16xf32>
      %add3A_1219 = arith.addf %add3A_1171, %get3A_1218 : vector<16xf32>
      %get3A_1220 = arith.constant 92 : i32
      %get3A_1221 = arith.index_cast %get3A_1220 : i32 to index
      %get3A_1222 = arith.constant 0 : index
      %get3A_1223 = tpu.vector_load %arg7[%get3A_1221, %get3A_1222] {strides = array<i32>} : memref<100x16xf32, #tpu.memory_space<vmem>>, vector<1x16xf32>,
      %get3A_1224 = vector.shape_cast %get3A_1223 : vector<1x16xf32> to vector<16xf32>
      %add3A_1225 = arith.addf %add3A_1177, %get3A_1224 : vector<16xf32>
      %get3A_1226 = arith.constant 93 : i32
      %get3A_1227 = arith.index_cast %get3A_1226 : i32 to index
      %get3A_1228 = arith.constant 0 : index
      %get3A_1229 = tpu.vector_load %arg7[%get3A_1227, %get3A_1228] {strides = array<i32>} : memref<100x16xf32, #tpu.memory_space<vmem>>, vector<1x16xf32>,
      %get3A_1230 = vector.shape_cast %get3A_1229 : vector<1x16xf32> to vector<16xf32>
      %add3A_1231 = arith.addf %add3A_1183, %get3A_1230 : vector<16xf32>
      %get3A_1232 = arith.constant 94 : i32
      %get3A_1233 = arith.index_cast %get3A_1232 : i32 to index
      %get3A_1234 = arith.constant 0 : index
      %get3A_1235 = tpu.vector_load %arg7[%get3A_1233, %get3A_1234] {strides = array<i32>} : memref<100x16xf32, #tpu.memory_space<vmem>>, vector<1x16xf32>,
      %get3A_1236 = vector.shape_cast %get3A_1235 : vector<1x16xf32> to vector<16xf32>
      %add3A_1237 = arith.addf %add3A_1189, %get3A_1236 : vector<16xf32>
      %get3A_1238 = arith.constant 95 : i32
      %get3A_1239 = arith.index_cast %get3A_1238 : i32 to index
      %get3A_1240 = arith.constant 0 : index
      %get3A_1241 = tpu.vector_load %arg7[%get3A_1239, %get3A_1240] {strides = array<i32>} : memref<100x16xf32, #tpu.memory_space<vmem>>, vector<1x16xf32>,
      %get3A_1242 = vector.shape_cast %get3A_1241 : vector<1x16xf32> to vector<16xf32>
      %add3A_1243 = arith.addf %add3A_1195, %get3A_1242 : vector<16xf32>
      %get3A_1244 = arith.constant 96 : i32
      %get3A_1245 = arith.index_cast %get3A_1244 : i32 to index
      %get3A_1246 = arith.constant 0 : index
      %get3A_1247 = tpu.vector_load %arg7[%get3A_1245, %get3A_1246] {strides = array<i32>} : memref<100x16xf32, #tpu.memory_space<vmem>>, vector<1x16xf32>,
      %get3A_1248 = vector.shape_cast %get3A_1247 : vector<1x16xf32> to vector<16xf32>
      %add3A_1249 = arith.addf %add3A_1201, %get3A_1248 : vector<16xf32>
      %get3A_1250 = arith.constant 97 : i32
      %get3A_1251 = arith.index_cast %get3A_1250 : i32 to index
      %get3A_1252 = arith.constant 0 : index
      %get3A_1253 = tpu.vector_load %arg7[%get3A_1251, %get3A_1252] {strides = array<i32>} : memref<100x16xf32, #tpu.memory_space<vmem>>, vector<1x16xf32>,
      %get3A_1254 = vector.shape_cast %get3A_1253 : vector<1x16xf32> to vector<16xf32>
      %add3A_1255 = arith.addf %add3A_1207, %get3A_1254 : vector<16xf32>
      %get3A_1256 = arith.constant 98 : i32
      %get3A_1257 = arith.index_cast %get3A_1256 : i32 to index
      %get3A_1258 = arith.constant 0 : index
      %get3A_1259 = tpu.vector_load %arg7[%get3A_1257, %get3A_1258] {strides = array<i32>} : memref<100x16xf32, #tpu.memory_space<vmem>>, vector<1x16xf32>,
      %get3A_1260 = vector.shape_cast %get3A_1259 : vector<1x16xf32> to vector<16xf32>
      %add3A_1261 = arith.addf %add3A_1213, %get3A_1260 : vector<16xf32>
      %get3A_1262 = arith.constant 99 : i32
      %get3A_1263 = arith.index_cast %get3A_1262 : i32 to index
      %get3A_1264 = arith.constant 0 : index
      %get3A_1265 = tpu.vector_load %arg7[%get3A_1263, %get3A_1264] {strides = array<i32>} : memref<100x16xf32, #tpu.memory_space<vmem>>, vector<1x16xf32>,
      %get3A_1266 = vector.shape_cast %get3A_1265 : vector<1x16xf32> to vector<16xf32>
      %add3A_1267 = arith.addf %add3A_1219, %get3A_1266 : vector<16xf32>
      %add3A_1268 = arith.addf %add3A_1249, %add3A_1255 : vector<16xf32>
      %add3A_1269 = arith.addf %add3A_1261, %add3A_1267 : vector<16xf32>
      %add3A_1270 = arith.addf %add3A_1268, %add3A_1269 : vector<16xf32>
      %add3A_1271 = arith.addf %add3A_1225, %add3A_1231 : vector<16xf32>
      %add3A_1272 = arith.addf %add3A_1237, %add3A_1243 : vector<16xf32>
      %add3A_1273 = arith.addf %add3A_1271, %add3A_1272 : vector<16xf32>
      %add3A_1274 = arith.addf %add3A_1270, %add3A_1273 : vector<16xf32>
      %add3A_1275 = arith.constant 1 : i32
      %add3A_1276 = arith.addi %mul3A_40, %add3A_1275 : i32
      %add3A_1277 = arith.constant 4 : i32
      %add3A_1278 = arith.addi %add3A_1276, %add3A_1277 : i32
      %lt3A_1279 = arith.constant 256 : i32
      %lt3A_1280 = arith.cmpi slt, %add3A_1278, %lt3A_1279 : i32
      %convert_element_type3A_1281 = arith.extui %lt3A_1280 : i1 to i32
      %cond3A_1282 = arith.constant 0 : i32
      %cond3A_1283 = arith.cmpi ne, %convert_element_type3A_1281, %cond3A_1282 : i32
      scf.if %cond3A_1283 {
        %add3A_2549 = arith.constant 1 : i32
        %add3A_2550 = arith.addi %mul3A_40, %add3A_2549 : i32
        %add3A_2551 = arith.constant 4 : i32
        %add3A_2552 = arith.addi %add3A_2550, %add3A_2551 : i32
        %dma_start3A_2553 = arith.constant 0 : i32
        %dma_start3A_2554 = tpu.memref_slice %arg5[%add3A_2552, %dma_start3A_2553] : memref<256x100xi32, #tpu.memory_space<vmem>> -> memref<1x100xi32, #tpu.memory_space<vmem>>
        %dma_start3A_2555 = tpu.memref_squeeze %dma_start3A_2554 : memref<1x100xi32, #tpu.memory_space<vmem>> -> memref<100xi32, #tpu.memory_space<vmem>>
        %dma_start3A_2556 = arith.constant 0 : i32
        %dma_start3A_2557 = arith.constant 0 : i32
        %dma_start3A_2558 = tpu.memref_slice %arg2[%dma_start3A_2556, %dma_start3A_2557] : memref<1015808x16xf32, #tpu.memory_space<hbm>> -> memref<1015808x16xf32, #tpu.memory_space<hbm>>
        tpu.enqueue_indirect_dma source(%dma_start3A_2558 : memref<1015808x16xf32, #tpu.memory_space<hbm>>) target(%arg7 : memref<100x16xf32, #tpu.memory_space<vmem>>) offsets(%dma_start3A_2555 : memref<100xi32, #tpu.memory_space<vmem>>) semaphore(%arg12 : memref<!tpu.dma_semaphore, #tpu.memory_space<semaphore_mem>>)
      } else {
      }
      %add3A_1284 = arith.constant 2 : i32
      %add3A_1285 = arith.addi %mul3A_40, %add3A_1284 : i32
      %dma_wait3A_1286 = arith.constant 0 : i32
      %dma_wait3A_1287 = tpu.memref_slice %arg5[%add3A_1285, %dma_wait3A_1286] : memref<256x100xi32, #tpu.memory_space<vmem>> -> memref<1x100xi32, #tpu.memory_space<vmem>>
      %dma_wait3A_1288 = tpu.memref_squeeze %dma_wait3A_1287 : memref<1x100xi32, #tpu.memory_space<vmem>> -> memref<100xi32, #tpu.memory_space<vmem>>
      %dma_wait3A_1289 = arith.constant 0 : i32
      %dma_wait3A_1290 = arith.constant 0 : i32
      %dma_wait3A_1291 = tpu.memref_slice %arg2[%dma_wait3A_1289, %dma_wait3A_1290] : memref<1015808x16xf32, #tpu.memory_space<hbm>> -> memref<1015808x16xf32, #tpu.memory_space<hbm>>
      tpu.wait_indirect_dma semaphore(%arg13 : memref<!tpu.dma_semaphore, #tpu.memory_space<semaphore_mem>>) src(%dma_wait3A_1291 : memref<1015808x16xf32, #tpu.memory_space<hbm>>) dst(%arg8 : memref<100x16xf32, #tpu.memory_space<vmem>>)
      %get3A_1292 = arith.constant 0 : i32
      %get3A_1293 = arith.index_cast %get3A_1292 : i32 to index
      %get3A_1294 = arith.constant 0 : index
      %get3A_1295 = tpu.vector_load %arg8[%get3A_1293, %get3A_1294] {strides = array<i32>} : memref<100x16xf32, #tpu.memory_space<vmem>>, vector<1x16xf32>,
      %get3A_1296 = vector.shape_cast %get3A_1295 : vector<1x16xf32> to vector<16xf32>
      %add3A_1297 = arith.addf %broadcast_in_dim3A_3, %get3A_1296 : vector<16xf32>
      %get3A_1298 = arith.constant 1 : i32
      %get3A_1299 = arith.index_cast %get3A_1298 : i32 to index
      %get3A_1300 = arith.constant 0 : index
      %get3A_1301 = tpu.vector_load %arg8[%get3A_1299, %get3A_1300] {strides = array<i32>} : memref<100x16xf32, #tpu.memory_space<vmem>>, vector<1x16xf32>,
      %get3A_1302 = vector.shape_cast %get3A_1301 : vector<1x16xf32> to vector<16xf32>
      %add3A_1303 = arith.addf %broadcast_in_dim3A_3, %get3A_1302 : vector<16xf32>
      %get3A_1304 = arith.constant 2 : i32
      %get3A_1305 = arith.index_cast %get3A_1304 : i32 to index
      %get3A_1306 = arith.constant 0 : index
      %get3A_1307 = tpu.vector_load %arg8[%get3A_1305, %get3A_1306] {strides = array<i32>} : memref<100x16xf32, #tpu.memory_space<vmem>>, vector<1x16xf32>,
      %get3A_1308 = vector.shape_cast %get3A_1307 : vector<1x16xf32> to vector<16xf32>
      %add3A_1309 = arith.addf %broadcast_in_dim3A_3, %get3A_1308 : vector<16xf32>
      %get3A_1310 = arith.constant 3 : i32
      %get3A_1311 = arith.index_cast %get3A_1310 : i32 to index
      %get3A_1312 = arith.constant 0 : index
      %get3A_1313 = tpu.vector_load %arg8[%get3A_1311, %get3A_1312] {strides = array<i32>} : memref<100x16xf32, #tpu.memory_space<vmem>>, vector<1x16xf32>,
      %get3A_1314 = vector.shape_cast %get3A_1313 : vector<1x16xf32> to vector<16xf32>
      %add3A_1315 = arith.addf %broadcast_in_dim3A_3, %get3A_1314 : vector<16xf32>
      %get3A_1316 = arith.constant 4 : i32
      %get3A_1317 = arith.index_cast %get3A_1316 : i32 to index
      %get3A_1318 = arith.constant 0 : index
      %get3A_1319 = tpu.vector_load %arg8[%get3A_1317, %get3A_1318] {strides = array<i32>} : memref<100x16xf32, #tpu.memory_space<vmem>>, vector<1x16xf32>,
      %get3A_1320 = vector.shape_cast %get3A_1319 : vector<1x16xf32> to vector<16xf32>
      %add3A_1321 = arith.addf %broadcast_in_dim3A_3, %get3A_1320 : vector<16xf32>
      %get3A_1322 = arith.constant 5 : i32
      %get3A_1323 = arith.index_cast %get3A_1322 : i32 to index
      %get3A_1324 = arith.constant 0 : index
      %get3A_1325 = tpu.vector_load %arg8[%get3A_1323, %get3A_1324] {strides = array<i32>} : memref<100x16xf32, #tpu.memory_space<vmem>>, vector<1x16xf32>,
      %get3A_1326 = vector.shape_cast %get3A_1325 : vector<1x16xf32> to vector<16xf32>
      %add3A_1327 = arith.addf %broadcast_in_dim3A_3, %get3A_1326 : vector<16xf32>
      %get3A_1328 = arith.constant 6 : i32
      %get3A_1329 = arith.index_cast %get3A_1328 : i32 to index
      %get3A_1330 = arith.constant 0 : index
      %get3A_1331 = tpu.vector_load %arg8[%get3A_1329, %get3A_1330] {strides = array<i32>} : memref<100x16xf32, #tpu.memory_space<vmem>>, vector<1x16xf32>,
      %get3A_1332 = vector.shape_cast %get3A_1331 : vector<1x16xf32> to vector<16xf32>
      %add3A_1333 = arith.addf %broadcast_in_dim3A_3, %get3A_1332 : vector<16xf32>
      %get3A_1334 = arith.constant 7 : i32
      %get3A_1335 = arith.index_cast %get3A_1334 : i32 to index
      %get3A_1336 = arith.constant 0 : index
      %get3A_1337 = tpu.vector_load %arg8[%get3A_1335, %get3A_1336] {strides = array<i32>} : memref<100x16xf32, #tpu.memory_space<vmem>>, vector<1x16xf32>,
      %get3A_1338 = vector.shape_cast %get3A_1337 : vector<1x16xf32> to vector<16xf32>
      %add3A_1339 = arith.addf %broadcast_in_dim3A_3, %get3A_1338 : vector<16xf32>
      %get3A_1340 = arith.constant 8 : i32
      %get3A_1341 = arith.index_cast %get3A_1340 : i32 to index
      %get3A_1342 = arith.constant 0 : index
      %get3A_1343 = tpu.vector_load %arg8[%get3A_1341, %get3A_1342] {strides = array<i32>} : memref<100x16xf32, #tpu.memory_space<vmem>>, vector<1x16xf32>,
      %get3A_1344 = vector.shape_cast %get3A_1343 : vector<1x16xf32> to vector<16xf32>
      %add3A_1345 = arith.addf %add3A_1297, %get3A_1344 : vector<16xf32>
      %get3A_1346 = arith.constant 9 : i32
      %get3A_1347 = arith.index_cast %get3A_1346 : i32 to index
      %get3A_1348 = arith.constant 0 : index
      %get3A_1349 = tpu.vector_load %arg8[%get3A_1347, %get3A_1348] {strides = array<i32>} : memref<100x16xf32, #tpu.memory_space<vmem>>, vector<1x16xf32>,
      %get3A_1350 = vector.shape_cast %get3A_1349 : vector<1x16xf32> to vector<16xf32>
      %add3A_1351 = arith.addf %add3A_1303, %get3A_1350 : vector<16xf32>
      %get3A_1352 = arith.constant 10 : i32
      %get3A_1353 = arith.index_cast %get3A_1352 : i32 to index
      %get3A_1354 = arith.constant 0 : index
      %get3A_1355 = tpu.vector_load %arg8[%get3A_1353, %get3A_1354] {strides = array<i32>} : memref<100x16xf32, #tpu.memory_space<vmem>>, vector<1x16xf32>,
      %get3A_1356 = vector.shape_cast %get3A_1355 : vector<1x16xf32> to vector<16xf32>
      %add3A_1357 = arith.addf %add3A_1309, %get3A_1356 : vector<16xf32>
      %get3A_1358 = arith.constant 11 : i32
      %get3A_1359 = arith.index_cast %get3A_1358 : i32 to index
      %get3A_1360 = arith.constant 0 : index
      %get3A_1361 = tpu.vector_load %arg8[%get3A_1359, %get3A_1360] {strides = array<i32>} : memref<100x16xf32, #tpu.memory_space<vmem>>, vector<1x16xf32>,
      %get3A_1362 = vector.shape_cast %get3A_1361 : vector<1x16xf32> to vector<16xf32>
      %add3A_1363 = arith.addf %add3A_1315, %get3A_1362 : vector<16xf32>
      %get3A_1364 = arith.constant 12 : i32
      %get3A_1365 = arith.index_cast %get3A_1364 : i32 to index
      %get3A_1366 = arith.constant 0 : index
      %get3A_1367 = tpu.vector_load %arg8[%get3A_1365, %get3A_1366] {strides = array<i32>} : memref<100x16xf32, #tpu.memory_space<vmem>>, vector<1x16xf32>,
      %get3A_1368 = vector.shape_cast %get3A_1367 : vector<1x16xf32> to vector<16xf32>
      %add3A_1369 = arith.addf %add3A_1321, %get3A_1368 : vector<16xf32>
      %get3A_1370 = arith.constant 13 : i32
      %get3A_1371 = arith.index_cast %get3A_1370 : i32 to index
      %get3A_1372 = arith.constant 0 : index
      %get3A_1373 = tpu.vector_load %arg8[%get3A_1371, %get3A_1372] {strides = array<i32>} : memref<100x16xf32, #tpu.memory_space<vmem>>, vector<1x16xf32>,
      %get3A_1374 = vector.shape_cast %get3A_1373 : vector<1x16xf32> to vector<16xf32>
      %add3A_1375 = arith.addf %add3A_1327, %get3A_1374 : vector<16xf32>
      %get3A_1376 = arith.constant 14 : i32
      %get3A_1377 = arith.index_cast %get3A_1376 : i32 to index
      %get3A_1378 = arith.constant 0 : index
      %get3A_1379 = tpu.vector_load %arg8[%get3A_1377, %get3A_1378] {strides = array<i32>} : memref<100x16xf32, #tpu.memory_space<vmem>>, vector<1x16xf32>,
      %get3A_1380 = vector.shape_cast %get3A_1379 : vector<1x16xf32> to vector<16xf32>
      %add3A_1381 = arith.addf %add3A_1333, %get3A_1380 : vector<16xf32>
      %get3A_1382 = arith.constant 15 : i32
      %get3A_1383 = arith.index_cast %get3A_1382 : i32 to index
      %get3A_1384 = arith.constant 0 : index
      %get3A_1385 = tpu.vector_load %arg8[%get3A_1383, %get3A_1384] {strides = array<i32>} : memref<100x16xf32, #tpu.memory_space<vmem>>, vector<1x16xf32>,
      %get3A_1386 = vector.shape_cast %get3A_1385 : vector<1x16xf32> to vector<16xf32>
      %add3A_1387 = arith.addf %add3A_1339, %get3A_1386 : vector<16xf32>
      %get3A_1388 = arith.constant 16 : i32
      %get3A_1389 = arith.index_cast %get3A_1388 : i32 to index
      %get3A_1390 = arith.constant 0 : index
      %get3A_1391 = tpu.vector_load %arg8[%get3A_1389, %get3A_1390] {strides = array<i32>} : memref<100x16xf32, #tpu.memory_space<vmem>>, vector<1x16xf32>,
      %get3A_1392 = vector.shape_cast %get3A_1391 : vector<1x16xf32> to vector<16xf32>
      %add3A_1393 = arith.addf %add3A_1345, %get3A_1392 : vector<16xf32>
      %get3A_1394 = arith.constant 17 : i32
      %get3A_1395 = arith.index_cast %get3A_1394 : i32 to index
      %get3A_1396 = arith.constant 0 : index
      %get3A_1397 = tpu.vector_load %arg8[%get3A_1395, %get3A_1396] {strides = array<i32>} : memref<100x16xf32, #tpu.memory_space<vmem>>, vector<1x16xf32>,
      %get3A_1398 = vector.shape_cast %get3A_1397 : vector<1x16xf32> to vector<16xf32>
      %add3A_1399 = arith.addf %add3A_1351, %get3A_1398 : vector<16xf32>
      %get3A_1400 = arith.constant 18 : i32
      %get3A_1401 = arith.index_cast %get3A_1400 : i32 to index
      %get3A_1402 = arith.constant 0 : index
      %get3A_1403 = tpu.vector_load %arg8[%get3A_1401, %get3A_1402] {strides = array<i32>} : memref<100x16xf32, #tpu.memory_space<vmem>>, vector<1x16xf32>,
      %get3A_1404 = vector.shape_cast %get3A_1403 : vector<1x16xf32> to vector<16xf32>
      %add3A_1405 = arith.addf %add3A_1357, %get3A_1404 : vector<16xf32>
      %get3A_1406 = arith.constant 19 : i32
      %get3A_1407 = arith.index_cast %get3A_1406 : i32 to index
      %get3A_1408 = arith.constant 0 : index
      %get3A_1409 = tpu.vector_load %arg8[%get3A_1407, %get3A_1408] {strides = array<i32>} : memref<100x16xf32, #tpu.memory_space<vmem>>, vector<1x16xf32>,
      %get3A_1410 = vector.shape_cast %get3A_1409 : vector<1x16xf32> to vector<16xf32>
      %add3A_1411 = arith.addf %add3A_1363, %get3A_1410 : vector<16xf32>
      %get3A_1412 = arith.constant 20 : i32
      %get3A_1413 = arith.index_cast %get3A_1412 : i32 to index
      %get3A_1414 = arith.constant 0 : index
      %get3A_1415 = tpu.vector_load %arg8[%get3A_1413, %get3A_1414] {strides = array<i32>} : memref<100x16xf32, #tpu.memory_space<vmem>>, vector<1x16xf32>,
      %get3A_1416 = vector.shape_cast %get3A_1415 : vector<1x16xf32> to vector<16xf32>
      %add3A_1417 = arith.addf %add3A_1369, %get3A_1416 : vector<16xf32>
      %get3A_1418 = arith.constant 21 : i32
      %get3A_1419 = arith.index_cast %get3A_1418 : i32 to index
      %get3A_1420 = arith.constant 0 : index
      %get3A_1421 = tpu.vector_load %arg8[%get3A_1419, %get3A_1420] {strides = array<i32>} : memref<100x16xf32, #tpu.memory_space<vmem>>, vector<1x16xf32>,
      %get3A_1422 = vector.shape_cast %get3A_1421 : vector<1x16xf32> to vector<16xf32>
      %add3A_1423 = arith.addf %add3A_1375, %get3A_1422 : vector<16xf32>
      %get3A_1424 = arith.constant 22 : i32
      %get3A_1425 = arith.index_cast %get3A_1424 : i32 to index
      %get3A_1426 = arith.constant 0 : index
      %get3A_1427 = tpu.vector_load %arg8[%get3A_1425, %get3A_1426] {strides = array<i32>} : memref<100x16xf32, #tpu.memory_space<vmem>>, vector<1x16xf32>,
      %get3A_1428 = vector.shape_cast %get3A_1427 : vector<1x16xf32> to vector<16xf32>
      %add3A_1429 = arith.addf %add3A_1381, %get3A_1428 : vector<16xf32>
      %get3A_1430 = arith.constant 23 : i32
      %get3A_1431 = arith.index_cast %get3A_1430 : i32 to index
      %get3A_1432 = arith.constant 0 : index
      %get3A_1433 = tpu.vector_load %arg8[%get3A_1431, %get3A_1432] {strides = array<i32>} : memref<100x16xf32, #tpu.memory_space<vmem>>, vector<1x16xf32>,
      %get3A_1434 = vector.shape_cast %get3A_1433 : vector<1x16xf32> to vector<16xf32>
      %add3A_1435 = arith.addf %add3A_1387, %get3A_1434 : vector<16xf32>
      %get3A_1436 = arith.constant 24 : i32
      %get3A_1437 = arith.index_cast %get3A_1436 : i32 to index
      %get3A_1438 = arith.constant 0 : index
      %get3A_1439 = tpu.vector_load %arg8[%get3A_1437, %get3A_1438] {strides = array<i32>} : memref<100x16xf32, #tpu.memory_space<vmem>>, vector<1x16xf32>,
      %get3A_1440 = vector.shape_cast %get3A_1439 : vector<1x16xf32> to vector<16xf32>
      %add3A_1441 = arith.addf %add3A_1393, %get3A_1440 : vector<16xf32>
      %get3A_1442 = arith.constant 25 : i32
      %get3A_1443 = arith.index_cast %get3A_1442 : i32 to index
      %get3A_1444 = arith.constant 0 : index
      %get3A_1445 = tpu.vector_load %arg8[%get3A_1443, %get3A_1444] {strides = array<i32>} : memref<100x16xf32, #tpu.memory_space<vmem>>, vector<1x16xf32>,
      %get3A_1446 = vector.shape_cast %get3A_1445 : vector<1x16xf32> to vector<16xf32>
      %add3A_1447 = arith.addf %add3A_1399, %get3A_1446 : vector<16xf32>
      %get3A_1448 = arith.constant 26 : i32
      %get3A_1449 = arith.index_cast %get3A_1448 : i32 to index
      %get3A_1450 = arith.constant 0 : index
      %get3A_1451 = tpu.vector_load %arg8[%get3A_1449, %get3A_1450] {strides = array<i32>} : memref<100x16xf32, #tpu.memory_space<vmem>>, vector<1x16xf32>,
      %get3A_1452 = vector.shape_cast %get3A_1451 : vector<1x16xf32> to vector<16xf32>
      %add3A_1453 = arith.addf %add3A_1405, %get3A_1452 : vector<16xf32>
      %get3A_1454 = arith.constant 27 : i32
      %get3A_1455 = arith.index_cast %get3A_1454 : i32 to index
      %get3A_1456 = arith.constant 0 : index
      %get3A_1457 = tpu.vector_load %arg8[%get3A_1455, %get3A_1456] {strides = array<i32>} : memref<100x16xf32, #tpu.memory_space<vmem>>, vector<1x16xf32>,
      %get3A_1458 = vector.shape_cast %get3A_1457 : vector<1x16xf32> to vector<16xf32>
      %add3A_1459 = arith.addf %add3A_1411, %get3A_1458 : vector<16xf32>
      %get3A_1460 = arith.constant 28 : i32
      %get3A_1461 = arith.index_cast %get3A_1460 : i32 to index
      %get3A_1462 = arith.constant 0 : index
      %get3A_1463 = tpu.vector_load %arg8[%get3A_1461, %get3A_1462] {strides = array<i32>} : memref<100x16xf32, #tpu.memory_space<vmem>>, vector<1x16xf32>,
      %get3A_1464 = vector.shape_cast %get3A_1463 : vector<1x16xf32> to vector<16xf32>
      %add3A_1465 = arith.addf %add3A_1417, %get3A_1464 : vector<16xf32>
      %get3A_1466 = arith.constant 29 : i32
      %get3A_1467 = arith.index_cast %get3A_1466 : i32 to index
      %get3A_1468 = arith.constant 0 : index
      %get3A_1469 = tpu.vector_load %arg8[%get3A_1467, %get3A_1468] {strides = array<i32>} : memref<100x16xf32, #tpu.memory_space<vmem>>, vector<1x16xf32>,
      %get3A_1470 = vector.shape_cast %get3A_1469 : vector<1x16xf32> to vector<16xf32>
      %add3A_1471 = arith.addf %add3A_1423, %get3A_1470 : vector<16xf32>
      %get3A_1472 = arith.constant 30 : i32
      %get3A_1473 = arith.index_cast %get3A_1472 : i32 to index
      %get3A_1474 = arith.constant 0 : index
      %get3A_1475 = tpu.vector_load %arg8[%get3A_1473, %get3A_1474] {strides = array<i32>} : memref<100x16xf32, #tpu.memory_space<vmem>>, vector<1x16xf32>,
      %get3A_1476 = vector.shape_cast %get3A_1475 : vector<1x16xf32> to vector<16xf32>
      %add3A_1477 = arith.addf %add3A_1429, %get3A_1476 : vector<16xf32>
      %get3A_1478 = arith.constant 31 : i32
      %get3A_1479 = arith.index_cast %get3A_1478 : i32 to index
      %get3A_1480 = arith.constant 0 : index
      %get3A_1481 = tpu.vector_load %arg8[%get3A_1479, %get3A_1480] {strides = array<i32>} : memref<100x16xf32, #tpu.memory_space<vmem>>, vector<1x16xf32>,
      %get3A_1482 = vector.shape_cast %get3A_1481 : vector<1x16xf32> to vector<16xf32>
      %add3A_1483 = arith.addf %add3A_1435, %get3A_1482 : vector<16xf32>
      %get3A_1484 = arith.constant 32 : i32
      %get3A_1485 = arith.index_cast %get3A_1484 : i32 to index
      %get3A_1486 = arith.constant 0 : index
      %get3A_1487 = tpu.vector_load %arg8[%get3A_1485, %get3A_1486] {strides = array<i32>} : memref<100x16xf32, #tpu.memory_space<vmem>>, vector<1x16xf32>,
      %get3A_1488 = vector.shape_cast %get3A_1487 : vector<1x16xf32> to vector<16xf32>
      %add3A_1489 = arith.addf %add3A_1441, %get3A_1488 : vector<16xf32>
      %get3A_1490 = arith.constant 33 : i32
      %get3A_1491 = arith.index_cast %get3A_1490 : i32 to index
      %get3A_1492 = arith.constant 0 : index
      %get3A_1493 = tpu.vector_load %arg8[%get3A_1491, %get3A_1492] {strides = array<i32>} : memref<100x16xf32, #tpu.memory_space<vmem>>, vector<1x16xf32>,
      %get3A_1494 = vector.shape_cast %get3A_1493 : vector<1x16xf32> to vector<16xf32>
      %add3A_1495 = arith.addf %add3A_1447, %get3A_1494 : vector<16xf32>
      %get3A_1496 = arith.constant 34 : i32
      %get3A_1497 = arith.index_cast %get3A_1496 : i32 to index
      %get3A_1498 = arith.constant 0 : index
      %get3A_1499 = tpu.vector_load %arg8[%get3A_1497, %get3A_1498] {strides = array<i32>} : memref<100x16xf32, #tpu.memory_space<vmem>>, vector<1x16xf32>,
      %get3A_1500 = vector.shape_cast %get3A_1499 : vector<1x16xf32> to vector<16xf32>
      %add3A_1501 = arith.addf %add3A_1453, %get3A_1500 : vector<16xf32>
      %get3A_1502 = arith.constant 35 : i32
      %get3A_1503 = arith.index_cast %get3A_1502 : i32 to index
      %get3A_1504 = arith.constant 0 : index
      %get3A_1505 = tpu.vector_load %arg8[%get3A_1503, %get3A_1504] {strides = array<i32>} : memref<100x16xf32, #tpu.memory_space<vmem>>, vector<1x16xf32>,
      %get3A_1506 = vector.shape_cast %get3A_1505 : vector<1x16xf32> to vector<16xf32>
      %add3A_1507 = arith.addf %add3A_1459, %get3A_1506 : vector<16xf32>
      %get3A_1508 = arith.constant 36 : i32
      %get3A_1509 = arith.index_cast %get3A_1508 : i32 to index
      %get3A_1510 = arith.constant 0 : index
      %get3A_1511 = tpu.vector_load %arg8[%get3A_1509, %get3A_1510] {strides = array<i32>} : memref<100x16xf32, #tpu.memory_space<vmem>>, vector<1x16xf32>,
      %get3A_1512 = vector.shape_cast %get3A_1511 : vector<1x16xf32> to vector<16xf32>
      %add3A_1513 = arith.addf %add3A_1465, %get3A_1512 : vector<16xf32>
      %get3A_1514 = arith.constant 37 : i32
      %get3A_1515 = arith.index_cast %get3A_1514 : i32 to index
      %get3A_1516 = arith.constant 0 : index
      %get3A_1517 = tpu.vector_load %arg8[%get3A_1515, %get3A_1516] {strides = array<i32>} : memref<100x16xf32, #tpu.memory_space<vmem>>, vector<1x16xf32>,
      %get3A_1518 = vector.shape_cast %get3A_1517 : vector<1x16xf32> to vector<16xf32>
      %add3A_1519 = arith.addf %add3A_1471, %get3A_1518 : vector<16xf32>
      %get3A_1520 = arith.constant 38 : i32
      %get3A_1521 = arith.index_cast %get3A_1520 : i32 to index
      %get3A_1522 = arith.constant 0 : index
      %get3A_1523 = tpu.vector_load %arg8[%get3A_1521, %get3A_1522] {strides = array<i32>} : memref<100x16xf32, #tpu.memory_space<vmem>>, vector<1x16xf32>,
      %get3A_1524 = vector.shape_cast %get3A_1523 : vector<1x16xf32> to vector<16xf32>
      %add3A_1525 = arith.addf %add3A_1477, %get3A_1524 : vector<16xf32>
      %get3A_1526 = arith.constant 39 : i32
      %get3A_1527 = arith.index_cast %get3A_1526 : i32 to index
      %get3A_1528 = arith.constant 0 : index
      %get3A_1529 = tpu.vector_load %arg8[%get3A_1527, %get3A_1528] {strides = array<i32>} : memref<100x16xf32, #tpu.memory_space<vmem>>, vector<1x16xf32>,
      %get3A_1530 = vector.shape_cast %get3A_1529 : vector<1x16xf32> to vector<16xf32>
      %add3A_1531 = arith.addf %add3A_1483, %get3A_1530 : vector<16xf32>
      %get3A_1532 = arith.constant 40 : i32
      %get3A_1533 = arith.index_cast %get3A_1532 : i32 to index
      %get3A_1534 = arith.constant 0 : index
      %get3A_1535 = tpu.vector_load %arg8[%get3A_1533, %get3A_1534] {strides = array<i32>} : memref<100x16xf32, #tpu.memory_space<vmem>>, vector<1x16xf32>,
      %get3A_1536 = vector.shape_cast %get3A_1535 : vector<1x16xf32> to vector<16xf32>
      %add3A_1537 = arith.addf %add3A_1489, %get3A_1536 : vector<16xf32>
      %get3A_1538 = arith.constant 41 : i32
      %get3A_1539 = arith.index_cast %get3A_1538 : i32 to index
      %get3A_1540 = arith.constant 0 : index
      %get3A_1541 = tpu.vector_load %arg8[%get3A_1539, %get3A_1540] {strides = array<i32>} : memref<100x16xf32, #tpu.memory_space<vmem>>, vector<1x16xf32>,
      %get3A_1542 = vector.shape_cast %get3A_1541 : vector<1x16xf32> to vector<16xf32>
      %add3A_1543 = arith.addf %add3A_1495, %get3A_1542 : vector<16xf32>
      %get3A_1544 = arith.constant 42 : i32
      %get3A_1545 = arith.index_cast %get3A_1544 : i32 to index
      %get3A_1546 = arith.constant 0 : index
      %get3A_1547 = tpu.vector_load %arg8[%get3A_1545, %get3A_1546] {strides = array<i32>} : memref<100x16xf32, #tpu.memory_space<vmem>>, vector<1x16xf32>,
      %get3A_1548 = vector.shape_cast %get3A_1547 : vector<1x16xf32> to vector<16xf32>
      %add3A_1549 = arith.addf %add3A_1501, %get3A_1548 : vector<16xf32>
      %get3A_1550 = arith.constant 43 : i32
      %get3A_1551 = arith.index_cast %get3A_1550 : i32 to index
      %get3A_1552 = arith.constant 0 : index
      %get3A_1553 = tpu.vector_load %arg8[%get3A_1551, %get3A_1552] {strides = array<i32>} : memref<100x16xf32, #tpu.memory_space<vmem>>, vector<1x16xf32>,
      %get3A_1554 = vector.shape_cast %get3A_1553 : vector<1x16xf32> to vector<16xf32>
      %add3A_1555 = arith.addf %add3A_1507, %get3A_1554 : vector<16xf32>
      %get3A_1556 = arith.constant 44 : i32
      %get3A_1557 = arith.index_cast %get3A_1556 : i32 to index
      %get3A_1558 = arith.constant 0 : index
      %get3A_1559 = tpu.vector_load %arg8[%get3A_1557, %get3A_1558] {strides = array<i32>} : memref<100x16xf32, #tpu.memory_space<vmem>>, vector<1x16xf32>,
      %get3A_1560 = vector.shape_cast %get3A_1559 : vector<1x16xf32> to vector<16xf32>
      %add3A_1561 = arith.addf %add3A_1513, %get3A_1560 : vector<16xf32>
      %get3A_1562 = arith.constant 45 : i32
      %get3A_1563 = arith.index_cast %get3A_1562 : i32 to index
      %get3A_1564 = arith.constant 0 : index
      %get3A_1565 = tpu.vector_load %arg8[%get3A_1563, %get3A_1564] {strides = array<i32>} : memref<100x16xf32, #tpu.memory_space<vmem>>, vector<1x16xf32>,
      %get3A_1566 = vector.shape_cast %get3A_1565 : vector<1x16xf32> to vector<16xf32>
      %add3A_1567 = arith.addf %add3A_1519, %get3A_1566 : vector<16xf32>
      %get3A_1568 = arith.constant 46 : i32
      %get3A_1569 = arith.index_cast %get3A_1568 : i32 to index
      %get3A_1570 = arith.constant 0 : index
      %get3A_1571 = tpu.vector_load %arg8[%get3A_1569, %get3A_1570] {strides = array<i32>} : memref<100x16xf32, #tpu.memory_space<vmem>>, vector<1x16xf32>,
      %get3A_1572 = vector.shape_cast %get3A_1571 : vector<1x16xf32> to vector<16xf32>
      %add3A_1573 = arith.addf %add3A_1525, %get3A_1572 : vector<16xf32>
      %get3A_1574 = arith.constant 47 : i32
      %get3A_1575 = arith.index_cast %get3A_1574 : i32 to index
      %get3A_1576 = arith.constant 0 : index
      %get3A_1577 = tpu.vector_load %arg8[%get3A_1575, %get3A_1576] {strides = array<i32>} : memref<100x16xf32, #tpu.memory_space<vmem>>, vector<1x16xf32>,
      %get3A_1578 = vector.shape_cast %get3A_1577 : vector<1x16xf32> to vector<16xf32>
      %add3A_1579 = arith.addf %add3A_1531, %get3A_1578 : vector<16xf32>
      %get3A_1580 = arith.constant 48 : i32
      %get3A_1581 = arith.index_cast %get3A_1580 : i32 to index
      %get3A_1582 = arith.constant 0 : index
      %get3A_1583 = tpu.vector_load %arg8[%get3A_1581, %get3A_1582] {strides = array<i32>} : memref<100x16xf32, #tpu.memory_space<vmem>>, vector<1x16xf32>,
      %get3A_1584 = vector.shape_cast %get3A_1583 : vector<1x16xf32> to vector<16xf32>
      %add3A_1585 = arith.addf %add3A_1537, %get3A_1584 : vector<16xf32>
      %get3A_1586 = arith.constant 49 : i32
      %get3A_1587 = arith.index_cast %get3A_1586 : i32 to index
      %get3A_1588 = arith.constant 0 : index
      %get3A_1589 = tpu.vector_load %arg8[%get3A_1587, %get3A_1588] {strides = array<i32>} : memref<100x16xf32, #tpu.memory_space<vmem>>, vector<1x16xf32>,
      %get3A_1590 = vector.shape_cast %get3A_1589 : vector<1x16xf32> to vector<16xf32>
      %add3A_1591 = arith.addf %add3A_1543, %get3A_1590 : vector<16xf32>
      %get3A_1592 = arith.constant 50 : i32
      %get3A_1593 = arith.index_cast %get3A_1592 : i32 to index
      %get3A_1594 = arith.constant 0 : index
      %get3A_1595 = tpu.vector_load %arg8[%get3A_1593, %get3A_1594] {strides = array<i32>} : memref<100x16xf32, #tpu.memory_space<vmem>>, vector<1x16xf32>,
      %get3A_1596 = vector.shape_cast %get3A_1595 : vector<1x16xf32> to vector<16xf32>
      %add3A_1597 = arith.addf %add3A_1549, %get3A_1596 : vector<16xf32>
      %get3A_1598 = arith.constant 51 : i32
      %get3A_1599 = arith.index_cast %get3A_1598 : i32 to index
      %get3A_1600 = arith.constant 0 : index
      %get3A_1601 = tpu.vector_load %arg8[%get3A_1599, %get3A_1600] {strides = array<i32>} : memref<100x16xf32, #tpu.memory_space<vmem>>, vector<1x16xf32>,
      %get3A_1602 = vector.shape_cast %get3A_1601 : vector<1x16xf32> to vector<16xf32>
      %add3A_1603 = arith.addf %add3A_1555, %get3A_1602 : vector<16xf32>
      %get3A_1604 = arith.constant 52 : i32
      %get3A_1605 = arith.index_cast %get3A_1604 : i32 to index
      %get3A_1606 = arith.constant 0 : index
      %get3A_1607 = tpu.vector_load %arg8[%get3A_1605, %get3A_1606] {strides = array<i32>} : memref<100x16xf32, #tpu.memory_space<vmem>>, vector<1x16xf32>,
      %get3A_1608 = vector.shape_cast %get3A_1607 : vector<1x16xf32> to vector<16xf32>
      %add3A_1609 = arith.addf %add3A_1561, %get3A_1608 : vector<16xf32>
      %get3A_1610 = arith.constant 53 : i32
      %get3A_1611 = arith.index_cast %get3A_1610 : i32 to index
      %get3A_1612 = arith.constant 0 : index
      %get3A_1613 = tpu.vector_load %arg8[%get3A_1611, %get3A_1612] {strides = array<i32>} : memref<100x16xf32, #tpu.memory_space<vmem>>, vector<1x16xf32>,
      %get3A_1614 = vector.shape_cast %get3A_1613 : vector<1x16xf32> to vector<16xf32>
      %add3A_1615 = arith.addf %add3A_1567, %get3A_1614 : vector<16xf32>
      %get3A_1616 = arith.constant 54 : i32
      %get3A_1617 = arith.index_cast %get3A_1616 : i32 to index
      %get3A_1618 = arith.constant 0 : index
      %get3A_1619 = tpu.vector_load %arg8[%get3A_1617, %get3A_1618] {strides = array<i32>} : memref<100x16xf32, #tpu.memory_space<vmem>>, vector<1x16xf32>,
      %get3A_1620 = vector.shape_cast %get3A_1619 : vector<1x16xf32> to vector<16xf32>
      %add3A_1621 = arith.addf %add3A_1573, %get3A_1620 : vector<16xf32>
      %get3A_1622 = arith.constant 55 : i32
      %get3A_1623 = arith.index_cast %get3A_1622 : i32 to index
      %get3A_1624 = arith.constant 0 : index
      %get3A_1625 = tpu.vector_load %arg8[%get3A_1623, %get3A_1624] {strides = array<i32>} : memref<100x16xf32, #tpu.memory_space<vmem>>, vector<1x16xf32>,
      %get3A_1626 = vector.shape_cast %get3A_1625 : vector<1x16xf32> to vector<16xf32>
      %add3A_1627 = arith.addf %add3A_1579, %get3A_1626 : vector<16xf32>
      %get3A_1628 = arith.constant 56 : i32
      %get3A_1629 = arith.index_cast %get3A_1628 : i32 to index
      %get3A_1630 = arith.constant 0 : index
      %get3A_1631 = tpu.vector_load %arg8[%get3A_1629, %get3A_1630] {strides = array<i32>} : memref<100x16xf32, #tpu.memory_space<vmem>>, vector<1x16xf32>,
      %get3A_1632 = vector.shape_cast %get3A_1631 : vector<1x16xf32> to vector<16xf32>
      %add3A_1633 = arith.addf %add3A_1585, %get3A_1632 : vector<16xf32>
      %get3A_1634 = arith.constant 57 : i32
      %get3A_1635 = arith.index_cast %get3A_1634 : i32 to index
      %get3A_1636 = arith.constant 0 : index
      %get3A_1637 = tpu.vector_load %arg8[%get3A_1635, %get3A_1636] {strides = array<i32>} : memref<100x16xf32, #tpu.memory_space<vmem>>, vector<1x16xf32>,
      %get3A_1638 = vector.shape_cast %get3A_1637 : vector<1x16xf32> to vector<16xf32>
      %add3A_1639 = arith.addf %add3A_1591, %get3A_1638 : vector<16xf32>
      %get3A_1640 = arith.constant 58 : i32
      %get3A_1641 = arith.index_cast %get3A_1640 : i32 to index
      %get3A_1642 = arith.constant 0 : index
      %get3A_1643 = tpu.vector_load %arg8[%get3A_1641, %get3A_1642] {strides = array<i32>} : memref<100x16xf32, #tpu.memory_space<vmem>>, vector<1x16xf32>,
      %get3A_1644 = vector.shape_cast %get3A_1643 : vector<1x16xf32> to vector<16xf32>
      %add3A_1645 = arith.addf %add3A_1597, %get3A_1644 : vector<16xf32>
      %get3A_1646 = arith.constant 59 : i32
      %get3A_1647 = arith.index_cast %get3A_1646 : i32 to index
      %get3A_1648 = arith.constant 0 : index
      %get3A_1649 = tpu.vector_load %arg8[%get3A_1647, %get3A_1648] {strides = array<i32>} : memref<100x16xf32, #tpu.memory_space<vmem>>, vector<1x16xf32>,
      %get3A_1650 = vector.shape_cast %get3A_1649 : vector<1x16xf32> to vector<16xf32>
      %add3A_1651 = arith.addf %add3A_1603, %get3A_1650 : vector<16xf32>
      %get3A_1652 = arith.constant 60 : i32
      %get3A_1653 = arith.index_cast %get3A_1652 : i32 to index
      %get3A_1654 = arith.constant 0 : index
      %get3A_1655 = tpu.vector_load %arg8[%get3A_1653, %get3A_1654] {strides = array<i32>} : memref<100x16xf32, #tpu.memory_space<vmem>>, vector<1x16xf32>,
      %get3A_1656 = vector.shape_cast %get3A_1655 : vector<1x16xf32> to vector<16xf32>
      %add3A_1657 = arith.addf %add3A_1609, %get3A_1656 : vector<16xf32>
      %get3A_1658 = arith.constant 61 : i32
      %get3A_1659 = arith.index_cast %get3A_1658 : i32 to index
      %get3A_1660 = arith.constant 0 : index
      %get3A_1661 = tpu.vector_load %arg8[%get3A_1659, %get3A_1660] {strides = array<i32>} : memref<100x16xf32, #tpu.memory_space<vmem>>, vector<1x16xf32>,
      %get3A_1662 = vector.shape_cast %get3A_1661 : vector<1x16xf32> to vector<16xf32>
      %add3A_1663 = arith.addf %add3A_1615, %get3A_1662 : vector<16xf32>
      %get3A_1664 = arith.constant 62 : i32
      %get3A_1665 = arith.index_cast %get3A_1664 : i32 to index
      %get3A_1666 = arith.constant 0 : index
      %get3A_1667 = tpu.vector_load %arg8[%get3A_1665, %get3A_1666] {strides = array<i32>} : memref<100x16xf32, #tpu.memory_space<vmem>>, vector<1x16xf32>,
      %get3A_1668 = vector.shape_cast %get3A_1667 : vector<1x16xf32> to vector<16xf32>
      %add3A_1669 = arith.addf %add3A_1621, %get3A_1668 : vector<16xf32>
      %get3A_1670 = arith.constant 63 : i32
      %get3A_1671 = arith.index_cast %get3A_1670 : i32 to index
      %get3A_1672 = arith.constant 0 : index
      %get3A_1673 = tpu.vector_load %arg8[%get3A_1671, %get3A_1672] {strides = array<i32>} : memref<100x16xf32, #tpu.memory_space<vmem>>, vector<1x16xf32>,
      %get3A_1674 = vector.shape_cast %get3A_1673 : vector<1x16xf32> to vector<16xf32>
      %add3A_1675 = arith.addf %add3A_1627, %get3A_1674 : vector<16xf32>
      %get3A_1676 = arith.constant 64 : i32
      %get3A_1677 = arith.index_cast %get3A_1676 : i32 to index
      %get3A_1678 = arith.constant 0 : index
      %get3A_1679 = tpu.vector_load %arg8[%get3A_1677, %get3A_1678] {strides = array<i32>} : memref<100x16xf32, #tpu.memory_space<vmem>>, vector<1x16xf32>,
      %get3A_1680 = vector.shape_cast %get3A_1679 : vector<1x16xf32> to vector<16xf32>
      %add3A_1681 = arith.addf %add3A_1633, %get3A_1680 : vector<16xf32>
      %get3A_1682 = arith.constant 65 : i32
      %get3A_1683 = arith.index_cast %get3A_1682 : i32 to index
      %get3A_1684 = arith.constant 0 : index
      %get3A_1685 = tpu.vector_load %arg8[%get3A_1683, %get3A_1684] {strides = array<i32>} : memref<100x16xf32, #tpu.memory_space<vmem>>, vector<1x16xf32>,
      %get3A_1686 = vector.shape_cast %get3A_1685 : vector<1x16xf32> to vector<16xf32>
      %add3A_1687 = arith.addf %add3A_1639, %get3A_1686 : vector<16xf32>
      %get3A_1688 = arith.constant 66 : i32
      %get3A_1689 = arith.index_cast %get3A_1688 : i32 to index
      %get3A_1690 = arith.constant 0 : index
      %get3A_1691 = tpu.vector_load %arg8[%get3A_1689, %get3A_1690] {strides = array<i32>} : memref<100x16xf32, #tpu.memory_space<vmem>>, vector<1x16xf32>,
      %get3A_1692 = vector.shape_cast %get3A_1691 : vector<1x16xf32> to vector<16xf32>
      %add3A_1693 = arith.addf %add3A_1645, %get3A_1692 : vector<16xf32>
      %get3A_1694 = arith.constant 67 : i32
      %get3A_1695 = arith.index_cast %get3A_1694 : i32 to index
      %get3A_1696 = arith.constant 0 : index
      %get3A_1697 = tpu.vector_load %arg8[%get3A_1695, %get3A_1696] {strides = array<i32>} : memref<100x16xf32, #tpu.memory_space<vmem>>, vector<1x16xf32>,
      %get3A_1698 = vector.shape_cast %get3A_1697 : vector<1x16xf32> to vector<16xf32>
      %add3A_1699 = arith.addf %add3A_1651, %get3A_1698 : vector<16xf32>
      %get3A_1700 = arith.constant 68 : i32
      %get3A_1701 = arith.index_cast %get3A_1700 : i32 to index
      %get3A_1702 = arith.constant 0 : index
      %get3A_1703 = tpu.vector_load %arg8[%get3A_1701, %get3A_1702] {strides = array<i32>} : memref<100x16xf32, #tpu.memory_space<vmem>>, vector<1x16xf32>,
      %get3A_1704 = vector.shape_cast %get3A_1703 : vector<1x16xf32> to vector<16xf32>
      %add3A_1705 = arith.addf %add3A_1657, %get3A_1704 : vector<16xf32>
      %get3A_1706 = arith.constant 69 : i32
      %get3A_1707 = arith.index_cast %get3A_1706 : i32 to index
      %get3A_1708 = arith.constant 0 : index
      %get3A_1709 = tpu.vector_load %arg8[%get3A_1707, %get3A_1708] {strides = array<i32>} : memref<100x16xf32, #tpu.memory_space<vmem>>, vector<1x16xf32>,
      %get3A_1710 = vector.shape_cast %get3A_1709 : vector<1x16xf32> to vector<16xf32>
      %add3A_1711 = arith.addf %add3A_1663, %get3A_1710 : vector<16xf32>
      %get3A_1712 = arith.constant 70 : i32
      %get3A_1713 = arith.index_cast %get3A_1712 : i32 to index
      %get3A_1714 = arith.constant 0 : index
      %get3A_1715 = tpu.vector_load %arg8[%get3A_1713, %get3A_1714] {strides = array<i32>} : memref<100x16xf32, #tpu.memory_space<vmem>>, vector<1x16xf32>,
      %get3A_1716 = vector.shape_cast %get3A_1715 : vector<1x16xf32> to vector<16xf32>
      %add3A_1717 = arith.addf %add3A_1669, %get3A_1716 : vector<16xf32>
      %get3A_1718 = arith.constant 71 : i32
      %get3A_1719 = arith.index_cast %get3A_1718 : i32 to index
      %get3A_1720 = arith.constant 0 : index
      %get3A_1721 = tpu.vector_load %arg8[%get3A_1719, %get3A_1720] {strides = array<i32>} : memref<100x16xf32, #tpu.memory_space<vmem>>, vector<1x16xf32>,
      %get3A_1722 = vector.shape_cast %get3A_1721 : vector<1x16xf32> to vector<16xf32>
      %add3A_1723 = arith.addf %add3A_1675, %get3A_1722 : vector<16xf32>
      %get3A_1724 = arith.constant 72 : i32
      %get3A_1725 = arith.index_cast %get3A_1724 : i32 to index
      %get3A_1726 = arith.constant 0 : index
      %get3A_1727 = tpu.vector_load %arg8[%get3A_1725, %get3A_1726] {strides = array<i32>} : memref<100x16xf32, #tpu.memory_space<vmem>>, vector<1x16xf32>,
      %get3A_1728 = vector.shape_cast %get3A_1727 : vector<1x16xf32> to vector<16xf32>
      %add3A_1729 = arith.addf %add3A_1681, %get3A_1728 : vector<16xf32>
      %get3A_1730 = arith.constant 73 : i32
      %get3A_1731 = arith.index_cast %get3A_1730 : i32 to index
      %get3A_1732 = arith.constant 0 : index
      %get3A_1733 = tpu.vector_load %arg8[%get3A_1731, %get3A_1732] {strides = array<i32>} : memref<100x16xf32, #tpu.memory_space<vmem>>, vector<1x16xf32>,
      %get3A_1734 = vector.shape_cast %get3A_1733 : vector<1x16xf32> to vector<16xf32>
      %add3A_1735 = arith.addf %add3A_1687, %get3A_1734 : vector<16xf32>
      %get3A_1736 = arith.constant 74 : i32
      %get3A_1737 = arith.index_cast %get3A_1736 : i32 to index
      %get3A_1738 = arith.constant 0 : index
      %get3A_1739 = tpu.vector_load %arg8[%get3A_1737, %get3A_1738] {strides = array<i32>} : memref<100x16xf32, #tpu.memory_space<vmem>>, vector<1x16xf32>,
      %get3A_1740 = vector.shape_cast %get3A_1739 : vector<1x16xf32> to vector<16xf32>
      %add3A_1741 = arith.addf %add3A_1693, %get3A_1740 : vector<16xf32>
      %get3A_1742 = arith.constant 75 : i32
      %get3A_1743 = arith.index_cast %get3A_1742 : i32 to index
      %get3A_1744 = arith.constant 0 : index
      %get3A_1745 = tpu.vector_load %arg8[%get3A_1743, %get3A_1744] {strides = array<i32>} : memref<100x16xf32, #tpu.memory_space<vmem>>, vector<1x16xf32>,
      %get3A_1746 = vector.shape_cast %get3A_1745 : vector<1x16xf32> to vector<16xf32>
      %add3A_1747 = arith.addf %add3A_1699, %get3A_1746 : vector<16xf32>
      %get3A_1748 = arith.constant 76 : i32
      %get3A_1749 = arith.index_cast %get3A_1748 : i32 to index
      %get3A_1750 = arith.constant 0 : index
      %get3A_1751 = tpu.vector_load %arg8[%get3A_1749, %get3A_1750] {strides = array<i32>} : memref<100x16xf32, #tpu.memory_space<vmem>>, vector<1x16xf32>,
      %get3A_1752 = vector.shape_cast %get3A_1751 : vector<1x16xf32> to vector<16xf32>
      %add3A_1753 = arith.addf %add3A_1705, %get3A_1752 : vector<16xf32>
      %get3A_1754 = arith.constant 77 : i32
      %get3A_1755 = arith.index_cast %get3A_1754 : i32 to index
      %get3A_1756 = arith.constant 0 : index
      %get3A_1757 = tpu.vector_load %arg8[%get3A_1755, %get3A_1756] {strides = array<i32>} : memref<100x16xf32, #tpu.memory_space<vmem>>, vector<1x16xf32>,
      %get3A_1758 = vector.shape_cast %get3A_1757 : vector<1x16xf32> to vector<16xf32>
      %add3A_1759 = arith.addf %add3A_1711, %get3A_1758 : vector<16xf32>
      %get3A_1760 = arith.constant 78 : i32
      %get3A_1761 = arith.index_cast %get3A_1760 : i32 to index
      %get3A_1762 = arith.constant 0 : index
      %get3A_1763 = tpu.vector_load %arg8[%get3A_1761, %get3A_1762] {strides = array<i32>} : memref<100x16xf32, #tpu.memory_space<vmem>>, vector<1x16xf32>,
      %get3A_1764 = vector.shape_cast %get3A_1763 : vector<1x16xf32> to vector<16xf32>
      %add3A_1765 = arith.addf %add3A_1717, %get3A_1764 : vector<16xf32>
      %get3A_1766 = arith.constant 79 : i32
      %get3A_1767 = arith.index_cast %get3A_1766 : i32 to index
      %get3A_1768 = arith.constant 0 : index
      %get3A_1769 = tpu.vector_load %arg8[%get3A_1767, %get3A_1768] {strides = array<i32>} : memref<100x16xf32, #tpu.memory_space<vmem>>, vector<1x16xf32>,
      %get3A_1770 = vector.shape_cast %get3A_1769 : vector<1x16xf32> to vector<16xf32>
      %add3A_1771 = arith.addf %add3A_1723, %get3A_1770 : vector<16xf32>
      %get3A_1772 = arith.constant 80 : i32
      %get3A_1773 = arith.index_cast %get3A_1772 : i32 to index
      %get3A_1774 = arith.constant 0 : index
      %get3A_1775 = tpu.vector_load %arg8[%get3A_1773, %get3A_1774] {strides = array<i32>} : memref<100x16xf32, #tpu.memory_space<vmem>>, vector<1x16xf32>,
      %get3A_1776 = vector.shape_cast %get3A_1775 : vector<1x16xf32> to vector<16xf32>
      %add3A_1777 = arith.addf %add3A_1729, %get3A_1776 : vector<16xf32>
      %get3A_1778 = arith.constant 81 : i32
      %get3A_1779 = arith.index_cast %get3A_1778 : i32 to index
      %get3A_1780 = arith.constant 0 : index
      %get3A_1781 = tpu.vector_load %arg8[%get3A_1779, %get3A_1780] {strides = array<i32>} : memref<100x16xf32, #tpu.memory_space<vmem>>, vector<1x16xf32>,
      %get3A_1782 = vector.shape_cast %get3A_1781 : vector<1x16xf32> to vector<16xf32>
      %add3A_1783 = arith.addf %add3A_1735, %get3A_1782 : vector<16xf32>
      %get3A_1784 = arith.constant 82 : i32
      %get3A_1785 = arith.index_cast %get3A_1784 : i32 to index
      %get3A_1786 = arith.constant 0 : index
      %get3A_1787 = tpu.vector_load %arg8[%get3A_1785, %get3A_1786] {strides = array<i32>} : memref<100x16xf32, #tpu.memory_space<vmem>>, vector<1x16xf32>,
      %get3A_1788 = vector.shape_cast %get3A_1787 : vector<1x16xf32> to vector<16xf32>
      %add3A_1789 = arith.addf %add3A_1741, %get3A_1788 : vector<16xf32>
      %get3A_1790 = arith.constant 83 : i32
      %get3A_1791 = arith.index_cast %get3A_1790 : i32 to index
      %get3A_1792 = arith.constant 0 : index
      %get3A_1793 = tpu.vector_load %arg8[%get3A_1791, %get3A_1792] {strides = array<i32>} : memref<100x16xf32, #tpu.memory_space<vmem>>, vector<1x16xf32>,
      %get3A_1794 = vector.shape_cast %get3A_1793 : vector<1x16xf32> to vector<16xf32>
      %add3A_1795 = arith.addf %add3A_1747, %get3A_1794 : vector<16xf32>
      %get3A_1796 = arith.constant 84 : i32
      %get3A_1797 = arith.index_cast %get3A_1796 : i32 to index
      %get3A_1798 = arith.constant 0 : index
      %get3A_1799 = tpu.vector_load %arg8[%get3A_1797, %get3A_1798] {strides = array<i32>} : memref<100x16xf32, #tpu.memory_space<vmem>>, vector<1x16xf32>,
      %get3A_1800 = vector.shape_cast %get3A_1799 : vector<1x16xf32> to vector<16xf32>
      %add3A_1801 = arith.addf %add3A_1753, %get3A_1800 : vector<16xf32>
      %get3A_1802 = arith.constant 85 : i32
      %get3A_1803 = arith.index_cast %get3A_1802 : i32 to index
      %get3A_1804 = arith.constant 0 : index
      %get3A_1805 = tpu.vector_load %arg8[%get3A_1803, %get3A_1804] {strides = array<i32>} : memref<100x16xf32, #tpu.memory_space<vmem>>, vector<1x16xf32>,
      %get3A_1806 = vector.shape_cast %get3A_1805 : vector<1x16xf32> to vector<16xf32>
      %add3A_1807 = arith.addf %add3A_1759, %get3A_1806 : vector<16xf32>
      %get3A_1808 = arith.constant 86 : i32
      %get3A_1809 = arith.index_cast %get3A_1808 : i32 to index
      %get3A_1810 = arith.constant 0 : index
      %get3A_1811 = tpu.vector_load %arg8[%get3A_1809, %get3A_1810] {strides = array<i32>} : memref<100x16xf32, #tpu.memory_space<vmem>>, vector<1x16xf32>,
      %get3A_1812 = vector.shape_cast %get3A_1811 : vector<1x16xf32> to vector<16xf32>
      %add3A_1813 = arith.addf %add3A_1765, %get3A_1812 : vector<16xf32>
      %get3A_1814 = arith.constant 87 : i32
      %get3A_1815 = arith.index_cast %get3A_1814 : i32 to index
      %get3A_1816 = arith.constant 0 : index
      %get3A_1817 = tpu.vector_load %arg8[%get3A_1815, %get3A_1816] {strides = array<i32>} : memref<100x16xf32, #tpu.memory_space<vmem>>, vector<1x16xf32>,
      %get3A_1818 = vector.shape_cast %get3A_1817 : vector<1x16xf32> to vector<16xf32>
      %add3A_1819 = arith.addf %add3A_1771, %get3A_1818 : vector<16xf32>
      %get3A_1820 = arith.constant 88 : i32
      %get3A_1821 = arith.index_cast %get3A_1820 : i32 to index
      %get3A_1822 = arith.constant 0 : index
      %get3A_1823 = tpu.vector_load %arg8[%get3A_1821, %get3A_1822] {strides = array<i32>} : memref<100x16xf32, #tpu.memory_space<vmem>>, vector<1x16xf32>,
      %get3A_1824 = vector.shape_cast %get3A_1823 : vector<1x16xf32> to vector<16xf32>
      %add3A_1825 = arith.addf %add3A_1777, %get3A_1824 : vector<16xf32>
      %get3A_1826 = arith.constant 89 : i32
      %get3A_1827 = arith.index_cast %get3A_1826 : i32 to index
      %get3A_1828 = arith.constant 0 : index
      %get3A_1829 = tpu.vector_load %arg8[%get3A_1827, %get3A_1828] {strides = array<i32>} : memref<100x16xf32, #tpu.memory_space<vmem>>, vector<1x16xf32>,
      %get3A_1830 = vector.shape_cast %get3A_1829 : vector<1x16xf32> to vector<16xf32>
      %add3A_1831 = arith.addf %add3A_1783, %get3A_1830 : vector<16xf32>
      %get3A_1832 = arith.constant 90 : i32
      %get3A_1833 = arith.index_cast %get3A_1832 : i32 to index
      %get3A_1834 = arith.constant 0 : index
      %get3A_1835 = tpu.vector_load %arg8[%get3A_1833, %get3A_1834] {strides = array<i32>} : memref<100x16xf32, #tpu.memory_space<vmem>>, vector<1x16xf32>,
      %get3A_1836 = vector.shape_cast %get3A_1835 : vector<1x16xf32> to vector<16xf32>
      %add3A_1837 = arith.addf %add3A_1789, %get3A_1836 : vector<16xf32>
      %get3A_1838 = arith.constant 91 : i32
      %get3A_1839 = arith.index_cast %get3A_1838 : i32 to index
      %get3A_1840 = arith.constant 0 : index
      %get3A_1841 = tpu.vector_load %arg8[%get3A_1839, %get3A_1840] {strides = array<i32>} : memref<100x16xf32, #tpu.memory_space<vmem>>, vector<1x16xf32>,
      %get3A_1842 = vector.shape_cast %get3A_1841 : vector<1x16xf32> to vector<16xf32>
      %add3A_1843 = arith.addf %add3A_1795, %get3A_1842 : vector<16xf32>
      %get3A_1844 = arith.constant 92 : i32
      %get3A_1845 = arith.index_cast %get3A_1844 : i32 to index
      %get3A_1846 = arith.constant 0 : index
      %get3A_1847 = tpu.vector_load %arg8[%get3A_1845, %get3A_1846] {strides = array<i32>} : memref<100x16xf32, #tpu.memory_space<vmem>>, vector<1x16xf32>,
      %get3A_1848 = vector.shape_cast %get3A_1847 : vector<1x16xf32> to vector<16xf32>
      %add3A_1849 = arith.addf %add3A_1801, %get3A_1848 : vector<16xf32>
      %get3A_1850 = arith.constant 93 : i32
      %get3A_1851 = arith.index_cast %get3A_1850 : i32 to index
      %get3A_1852 = arith.constant 0 : index
      %get3A_1853 = tpu.vector_load %arg8[%get3A_1851, %get3A_1852] {strides = array<i32>} : memref<100x16xf32, #tpu.memory_space<vmem>>, vector<1x16xf32>,
      %get3A_1854 = vector.shape_cast %get3A_1853 : vector<1x16xf32> to vector<16xf32>
      %add3A_1855 = arith.addf %add3A_1807, %get3A_1854 : vector<16xf32>
      %get3A_1856 = arith.constant 94 : i32
      %get3A_1857 = arith.index_cast %get3A_1856 : i32 to index
      %get3A_1858 = arith.constant 0 : index
      %get3A_1859 = tpu.vector_load %arg8[%get3A_1857, %get3A_1858] {strides = array<i32>} : memref<100x16xf32, #tpu.memory_space<vmem>>, vector<1x16xf32>,
      %get3A_1860 = vector.shape_cast %get3A_1859 : vector<1x16xf32> to vector<16xf32>
      %add3A_1861 = arith.addf %add3A_1813, %get3A_1860 : vector<16xf32>
      %get3A_1862 = arith.constant 95 : i32
      %get3A_1863 = arith.index_cast %get3A_1862 : i32 to index
      %get3A_1864 = arith.constant 0 : index
      %get3A_1865 = tpu.vector_load %arg8[%get3A_1863, %get3A_1864] {strides = array<i32>} : memref<100x16xf32, #tpu.memory_space<vmem>>, vector<1x16xf32>,
      %get3A_1866 = vector.shape_cast %get3A_1865 : vector<1x16xf32> to vector<16xf32>
      %add3A_1867 = arith.addf %add3A_1819, %get3A_1866 : vector<16xf32>
      %get3A_1868 = arith.constant 96 : i32
      %get3A_1869 = arith.index_cast %get3A_1868 : i32 to index
      %get3A_1870 = arith.constant 0 : index
      %get3A_1871 = tpu.vector_load %arg8[%get3A_1869, %get3A_1870] {strides = array<i32>} : memref<100x16xf32, #tpu.memory_space<vmem>>, vector<1x16xf32>,
      %get3A_1872 = vector.shape_cast %get3A_1871 : vector<1x16xf32> to vector<16xf32>
      %add3A_1873 = arith.addf %add3A_1825, %get3A_1872 : vector<16xf32>
      %get3A_1874 = arith.constant 97 : i32
      %get3A_1875 = arith.index_cast %get3A_1874 : i32 to index
      %get3A_1876 = arith.constant 0 : index
      %get3A_1877 = tpu.vector_load %arg8[%get3A_1875, %get3A_1876] {strides = array<i32>} : memref<100x16xf32, #tpu.memory_space<vmem>>, vector<1x16xf32>,
      %get3A_1878 = vector.shape_cast %get3A_1877 : vector<1x16xf32> to vector<16xf32>
      %add3A_1879 = arith.addf %add3A_1831, %get3A_1878 : vector<16xf32>
      %get3A_1880 = arith.constant 98 : i32
      %get3A_1881 = arith.index_cast %get3A_1880 : i32 to index
      %get3A_1882 = arith.constant 0 : index
      %get3A_1883 = tpu.vector_load %arg8[%get3A_1881, %get3A_1882] {strides = array<i32>} : memref<100x16xf32, #tpu.memory_space<vmem>>, vector<1x16xf32>,
      %get3A_1884 = vector.shape_cast %get3A_1883 : vector<1x16xf32> to vector<16xf32>
      %add3A_1885 = arith.addf %add3A_1837, %get3A_1884 : vector<16xf32>
      %get3A_1886 = arith.constant 99 : i32
      %get3A_1887 = arith.index_cast %get3A_1886 : i32 to index
      %get3A_1888 = arith.constant 0 : index
      %get3A_1889 = tpu.vector_load %arg8[%get3A_1887, %get3A_1888] {strides = array<i32>} : memref<100x16xf32, #tpu.memory_space<vmem>>, vector<1x16xf32>,
      %get3A_1890 = vector.shape_cast %get3A_1889 : vector<1x16xf32> to vector<16xf32>
      %add3A_1891 = arith.addf %add3A_1843, %get3A_1890 : vector<16xf32>
      %add3A_1892 = arith.addf %add3A_1873, %add3A_1879 : vector<16xf32>
      %add3A_1893 = arith.addf %add3A_1885, %add3A_1891 : vector<16xf32>
      %add3A_1894 = arith.addf %add3A_1892, %add3A_1893 : vector<16xf32>
      %add3A_1895 = arith.addf %add3A_1849, %add3A_1855 : vector<16xf32>
      %add3A_1896 = arith.addf %add3A_1861, %add3A_1867 : vector<16xf32>
      %add3A_1897 = arith.addf %add3A_1895, %add3A_1896 : vector<16xf32>
      %add3A_1898 = arith.addf %add3A_1894, %add3A_1897 : vector<16xf32>
      %add3A_1899 = arith.constant 2 : i32
      %add3A_1900 = arith.addi %mul3A_40, %add3A_1899 : i32
      %add3A_1901 = arith.constant 4 : i32
      %add3A_1902 = arith.addi %add3A_1900, %add3A_1901 : i32
      %lt3A_1903 = arith.constant 256 : i32
      %lt3A_1904 = arith.cmpi slt, %add3A_1902, %lt3A_1903 : i32
      %convert_element_type3A_1905 = arith.extui %lt3A_1904 : i1 to i32
      %cond3A_1906 = arith.constant 0 : i32
      %cond3A_1907 = arith.cmpi ne, %convert_element_type3A_1905, %cond3A_1906 : i32
      scf.if %cond3A_1907 {
        %add3A_2549 = arith.constant 2 : i32
        %add3A_2550 = arith.addi %mul3A_40, %add3A_2549 : i32
        %add3A_2551 = arith.constant 4 : i32
        %add3A_2552 = arith.addi %add3A_2550, %add3A_2551 : i32
        %dma_start3A_2553 = arith.constant 0 : i32
        %dma_start3A_2554 = tpu.memref_slice %arg5[%add3A_2552, %dma_start3A_2553] : memref<256x100xi32, #tpu.memory_space<vmem>> -> memref<1x100xi32, #tpu.memory_space<vmem>>
        %dma_start3A_2555 = tpu.memref_squeeze %dma_start3A_2554 : memref<1x100xi32, #tpu.memory_space<vmem>> -> memref<100xi32, #tpu.memory_space<vmem>>
        %dma_start3A_2556 = arith.constant 0 : i32
        %dma_start3A_2557 = arith.constant 0 : i32
        %dma_start3A_2558 = tpu.memref_slice %arg2[%dma_start3A_2556, %dma_start3A_2557] : memref<1015808x16xf32, #tpu.memory_space<hbm>> -> memref<1015808x16xf32, #tpu.memory_space<hbm>>
        tpu.enqueue_indirect_dma source(%dma_start3A_2558 : memref<1015808x16xf32, #tpu.memory_space<hbm>>) target(%arg8 : memref<100x16xf32, #tpu.memory_space<vmem>>) offsets(%dma_start3A_2555 : memref<100xi32, #tpu.memory_space<vmem>>) semaphore(%arg13 : memref<!tpu.dma_semaphore, #tpu.memory_space<semaphore_mem>>)
      } else {
      }
      %add3A_1908 = arith.constant 3 : i32
      %add3A_1909 = arith.addi %mul3A_40, %add3A_1908 : i32
      %dma_wait3A_1910 = arith.constant 0 : i32
      %dma_wait3A_1911 = tpu.memref_slice %arg5[%add3A_1909, %dma_wait3A_1910] : memref<256x100xi32, #tpu.memory_space<vmem>> -> memref<1x100xi32, #tpu.memory_space<vmem>>
      %dma_wait3A_1912 = tpu.memref_squeeze %dma_wait3A_1911 : memref<1x100xi32, #tpu.memory_space<vmem>> -> memref<100xi32, #tpu.memory_space<vmem>>
      %dma_wait3A_1913 = arith.constant 0 : i32
      %dma_wait3A_1914 = arith.constant 0 : i32
      %dma_wait3A_1915 = tpu.memref_slice %arg2[%dma_wait3A_1913, %dma_wait3A_1914] : memref<1015808x16xf32, #tpu.memory_space<hbm>> -> memref<1015808x16xf32, #tpu.memory_space<hbm>>
      tpu.wait_indirect_dma semaphore(%arg14 : memref<!tpu.dma_semaphore, #tpu.memory_space<semaphore_mem>>) src(%dma_wait3A_1915 : memref<1015808x16xf32, #tpu.memory_space<hbm>>) dst(%arg9 : memref<100x16xf32, #tpu.memory_space<vmem>>)
      %get3A_1916 = arith.constant 0 : i32
      %get3A_1917 = arith.index_cast %get3A_1916 : i32 to index
      %get3A_1918 = arith.constant 0 : index
      %get3A_1919 = tpu.vector_load %arg9[%get3A_1917, %get3A_1918] {strides = array<i32>} : memref<100x16xf32, #tpu.memory_space<vmem>>, vector<1x16xf32>,
      %get3A_1920 = vector.shape_cast %get3A_1919 : vector<1x16xf32> to vector<16xf32>
      %add3A_1921 = arith.addf %broadcast_in_dim3A_3, %get3A_1920 : vector<16xf32>
      %get3A_1922 = arith.constant 1 : i32
      %get3A_1923 = arith.index_cast %get3A_1922 : i32 to index
      %get3A_1924 = arith.constant 0 : index
      %get3A_1925 = tpu.vector_load %arg9[%get3A_1923, %get3A_1924] {strides = array<i32>} : memref<100x16xf32, #tpu.memory_space<vmem>>, vector<1x16xf32>,
      %get3A_1926 = vector.shape_cast %get3A_1925 : vector<1x16xf32> to vector<16xf32>
      %add3A_1927 = arith.addf %broadcast_in_dim3A_3, %get3A_1926 : vector<16xf32>
      %get3A_1928 = arith.constant 2 : i32
      %get3A_1929 = arith.index_cast %get3A_1928 : i32 to index
      %get3A_1930 = arith.constant 0 : index
      %get3A_1931 = tpu.vector_load %arg9[%get3A_1929, %get3A_1930] {strides = array<i32>} : memref<100x16xf32, #tpu.memory_space<vmem>>, vector<1x16xf32>,
      %get3A_1932 = vector.shape_cast %get3A_1931 : vector<1x16xf32> to vector<16xf32>
      %add3A_1933 = arith.addf %broadcast_in_dim3A_3, %get3A_1932 : vector<16xf32>
      %get3A_1934 = arith.constant 3 : i32
      %get3A_1935 = arith.index_cast %get3A_1934 : i32 to index
      %get3A_1936 = arith.constant 0 : index
      %get3A_1937 = tpu.vector_load %arg9[%get3A_1935, %get3A_1936] {strides = array<i32>} : memref<100x16xf32, #tpu.memory_space<vmem>>, vector<1x16xf32>,
      %get3A_1938 = vector.shape_cast %get3A_1937 : vector<1x16xf32> to vector<16xf32>
      %add3A_1939 = arith.addf %broadcast_in_dim3A_3, %get3A_1938 : vector<16xf32>
      %get3A_1940 = arith.constant 4 : i32
      %get3A_1941 = arith.index_cast %get3A_1940 : i32 to index
      %get3A_1942 = arith.constant 0 : index
      %get3A_1943 = tpu.vector_load %arg9[%get3A_1941, %get3A_1942] {strides = array<i32>} : memref<100x16xf32, #tpu.memory_space<vmem>>, vector<1x16xf32>,
      %get3A_1944 = vector.shape_cast %get3A_1943 : vector<1x16xf32> to vector<16xf32>
      %add3A_1945 = arith.addf %broadcast_in_dim3A_3, %get3A_1944 : vector<16xf32>
      %get3A_1946 = arith.constant 5 : i32
      %get3A_1947 = arith.index_cast %get3A_1946 : i32 to index
      %get3A_1948 = arith.constant 0 : index
      %get3A_1949 = tpu.vector_load %arg9[%get3A_1947, %get3A_1948] {strides = array<i32>} : memref<100x16xf32, #tpu.memory_space<vmem>>, vector<1x16xf32>,
      %get3A_1950 = vector.shape_cast %get3A_1949 : vector<1x16xf32> to vector<16xf32>
      %add3A_1951 = arith.addf %broadcast_in_dim3A_3, %get3A_1950 : vector<16xf32>
      %get3A_1952 = arith.constant 6 : i32
      %get3A_1953 = arith.index_cast %get3A_1952 : i32 to index
      %get3A_1954 = arith.constant 0 : index
      %get3A_1955 = tpu.vector_load %arg9[%get3A_1953, %get3A_1954] {strides = array<i32>} : memref<100x16xf32, #tpu.memory_space<vmem>>, vector<1x16xf32>,
      %get3A_1956 = vector.shape_cast %get3A_1955 : vector<1x16xf32> to vector<16xf32>
      %add3A_1957 = arith.addf %broadcast_in_dim3A_3, %get3A_1956 : vector<16xf32>
      %get3A_1958 = arith.constant 7 : i32
      %get3A_1959 = arith.index_cast %get3A_1958 : i32 to index
      %get3A_1960 = arith.constant 0 : index
      %get3A_1961 = tpu.vector_load %arg9[%get3A_1959, %get3A_1960] {strides = array<i32>} : memref<100x16xf32, #tpu.memory_space<vmem>>, vector<1x16xf32>,
      %get3A_1962 = vector.shape_cast %get3A_1961 : vector<1x16xf32> to vector<16xf32>
      %add3A_1963 = arith.addf %broadcast_in_dim3A_3, %get3A_1962 : vector<16xf32>
      %get3A_1964 = arith.constant 8 : i32
      %get3A_1965 = arith.index_cast %get3A_1964 : i32 to index
      %get3A_1966 = arith.constant 0 : index
      %get3A_1967 = tpu.vector_load %arg9[%get3A_1965, %get3A_1966] {strides = array<i32>} : memref<100x16xf32, #tpu.memory_space<vmem>>, vector<1x16xf32>,
      %get3A_1968 = vector.shape_cast %get3A_1967 : vector<1x16xf32> to vector<16xf32>
      %add3A_1969 = arith.addf %add3A_1921, %get3A_1968 : vector<16xf32>
      %get3A_1970 = arith.constant 9 : i32
      %get3A_1971 = arith.index_cast %get3A_1970 : i32 to index
      %get3A_1972 = arith.constant 0 : index
      %get3A_1973 = tpu.vector_load %arg9[%get3A_1971, %get3A_1972] {strides = array<i32>} : memref<100x16xf32, #tpu.memory_space<vmem>>, vector<1x16xf32>,
      %get3A_1974 = vector.shape_cast %get3A_1973 : vector<1x16xf32> to vector<16xf32>
      %add3A_1975 = arith.addf %add3A_1927, %get3A_1974 : vector<16xf32>
      %get3A_1976 = arith.constant 10 : i32
      %get3A_1977 = arith.index_cast %get3A_1976 : i32 to index
      %get3A_1978 = arith.constant 0 : index
      %get3A_1979 = tpu.vector_load %arg9[%get3A_1977, %get3A_1978] {strides = array<i32>} : memref<100x16xf32, #tpu.memory_space<vmem>>, vector<1x16xf32>,
      %get3A_1980 = vector.shape_cast %get3A_1979 : vector<1x16xf32> to vector<16xf32>
      %add3A_1981 = arith.addf %add3A_1933, %get3A_1980 : vector<16xf32>
      %get3A_1982 = arith.constant 11 : i32
      %get3A_1983 = arith.index_cast %get3A_1982 : i32 to index
      %get3A_1984 = arith.constant 0 : index
      %get3A_1985 = tpu.vector_load %arg9[%get3A_1983, %get3A_1984] {strides = array<i32>} : memref<100x16xf32, #tpu.memory_space<vmem>>, vector<1x16xf32>,
      %get3A_1986 = vector.shape_cast %get3A_1985 : vector<1x16xf32> to vector<16xf32>
      %add3A_1987 = arith.addf %add3A_1939, %get3A_1986 : vector<16xf32>
      %get3A_1988 = arith.constant 12 : i32
      %get3A_1989 = arith.index_cast %get3A_1988 : i32 to index
      %get3A_1990 = arith.constant 0 : index
      %get3A_1991 = tpu.vector_load %arg9[%get3A_1989, %get3A_1990] {strides = array<i32>} : memref<100x16xf32, #tpu.memory_space<vmem>>, vector<1x16xf32>,
      %get3A_1992 = vector.shape_cast %get3A_1991 : vector<1x16xf32> to vector<16xf32>
      %add3A_1993 = arith.addf %add3A_1945, %get3A_1992 : vector<16xf32>
      %get3A_1994 = arith.constant 13 : i32
      %get3A_1995 = arith.index_cast %get3A_1994 : i32 to index
      %get3A_1996 = arith.constant 0 : index
      %get3A_1997 = tpu.vector_load %arg9[%get3A_1995, %get3A_1996] {strides = array<i32>} : memref<100x16xf32, #tpu.memory_space<vmem>>, vector<1x16xf32>,
      %get3A_1998 = vector.shape_cast %get3A_1997 : vector<1x16xf32> to vector<16xf32>
      %add3A_1999 = arith.addf %add3A_1951, %get3A_1998 : vector<16xf32>
      %get3A_2000 = arith.constant 14 : i32
      %get3A_2001 = arith.index_cast %get3A_2000 : i32 to index
      %get3A_2002 = arith.constant 0 : index
      %get3A_2003 = tpu.vector_load %arg9[%get3A_2001, %get3A_2002] {strides = array<i32>} : memref<100x16xf32, #tpu.memory_space<vmem>>, vector<1x16xf32>,
      %get3A_2004 = vector.shape_cast %get3A_2003 : vector<1x16xf32> to vector<16xf32>
      %add3A_2005 = arith.addf %add3A_1957, %get3A_2004 : vector<16xf32>
      %get3A_2006 = arith.constant 15 : i32
      %get3A_2007 = arith.index_cast %get3A_2006 : i32 to index
      %get3A_2008 = arith.constant 0 : index
      %get3A_2009 = tpu.vector_load %arg9[%get3A_2007, %get3A_2008] {strides = array<i32>} : memref<100x16xf32, #tpu.memory_space<vmem>>, vector<1x16xf32>,
      %get3A_2010 = vector.shape_cast %get3A_2009 : vector<1x16xf32> to vector<16xf32>
      %add3A_2011 = arith.addf %add3A_1963, %get3A_2010 : vector<16xf32>
      %get3A_2012 = arith.constant 16 : i32
      %get3A_2013 = arith.index_cast %get3A_2012 : i32 to index
      %get3A_2014 = arith.constant 0 : index
      %get3A_2015 = tpu.vector_load %arg9[%get3A_2013, %get3A_2014] {strides = array<i32>} : memref<100x16xf32, #tpu.memory_space<vmem>>, vector<1x16xf32>,
      %get3A_2016 = vector.shape_cast %get3A_2015 : vector<1x16xf32> to vector<16xf32>
      %add3A_2017 = arith.addf %add3A_1969, %get3A_2016 : vector<16xf32>
      %get3A_2018 = arith.constant 17 : i32
      %get3A_2019 = arith.index_cast %get3A_2018 : i32 to index
      %get3A_2020 = arith.constant 0 : index
      %get3A_2021 = tpu.vector_load %arg9[%get3A_2019, %get3A_2020] {strides = array<i32>} : memref<100x16xf32, #tpu.memory_space<vmem>>, vector<1x16xf32>,
      %get3A_2022 = vector.shape_cast %get3A_2021 : vector<1x16xf32> to vector<16xf32>
      %add3A_2023 = arith.addf %add3A_1975, %get3A_2022 : vector<16xf32>
      %get3A_2024 = arith.constant 18 : i32
      %get3A_2025 = arith.index_cast %get3A_2024 : i32 to index
      %get3A_2026 = arith.constant 0 : index
      %get3A_2027 = tpu.vector_load %arg9[%get3A_2025, %get3A_2026] {strides = array<i32>} : memref<100x16xf32, #tpu.memory_space<vmem>>, vector<1x16xf32>,
      %get3A_2028 = vector.shape_cast %get3A_2027 : vector<1x16xf32> to vector<16xf32>
      %add3A_2029 = arith.addf %add3A_1981, %get3A_2028 : vector<16xf32>
      %get3A_2030 = arith.constant 19 : i32
      %get3A_2031 = arith.index_cast %get3A_2030 : i32 to index
      %get3A_2032 = arith.constant 0 : index
      %get3A_2033 = tpu.vector_load %arg9[%get3A_2031, %get3A_2032] {strides = array<i32>} : memref<100x16xf32, #tpu.memory_space<vmem>>, vector<1x16xf32>,
      %get3A_2034 = vector.shape_cast %get3A_2033 : vector<1x16xf32> to vector<16xf32>
      %add3A_2035 = arith.addf %add3A_1987, %get3A_2034 : vector<16xf32>
      %get3A_2036 = arith.constant 20 : i32
      %get3A_2037 = arith.index_cast %get3A_2036 : i32 to index
      %get3A_2038 = arith.constant 0 : index
      %get3A_2039 = tpu.vector_load %arg9[%get3A_2037, %get3A_2038] {strides = array<i32>} : memref<100x16xf32, #tpu.memory_space<vmem>>, vector<1x16xf32>,
      %get3A_2040 = vector.shape_cast %get3A_2039 : vector<1x16xf32> to vector<16xf32>
      %add3A_2041 = arith.addf %add3A_1993, %get3A_2040 : vector<16xf32>
      %get3A_2042 = arith.constant 21 : i32
      %get3A_2043 = arith.index_cast %get3A_2042 : i32 to index
      %get3A_2044 = arith.constant 0 : index
      %get3A_2045 = tpu.vector_load %arg9[%get3A_2043, %get3A_2044] {strides = array<i32>} : memref<100x16xf32, #tpu.memory_space<vmem>>, vector<1x16xf32>,
      %get3A_2046 = vector.shape_cast %get3A_2045 : vector<1x16xf32> to vector<16xf32>
      %add3A_2047 = arith.addf %add3A_1999, %get3A_2046 : vector<16xf32>
      %get3A_2048 = arith.constant 22 : i32
      %get3A_2049 = arith.index_cast %get3A_2048 : i32 to index
      %get3A_2050 = arith.constant 0 : index
      %get3A_2051 = tpu.vector_load %arg9[%get3A_2049, %get3A_2050] {strides = array<i32>} : memref<100x16xf32, #tpu.memory_space<vmem>>, vector<1x16xf32>,
      %get3A_2052 = vector.shape_cast %get3A_2051 : vector<1x16xf32> to vector<16xf32>
      %add3A_2053 = arith.addf %add3A_2005, %get3A_2052 : vector<16xf32>
      %get3A_2054 = arith.constant 23 : i32
      %get3A_2055 = arith.index_cast %get3A_2054 : i32 to index
      %get3A_2056 = arith.constant 0 : index
      %get3A_2057 = tpu.vector_load %arg9[%get3A_2055, %get3A_2056] {strides = array<i32>} : memref<100x16xf32, #tpu.memory_space<vmem>>, vector<1x16xf32>,
      %get3A_2058 = vector.shape_cast %get3A_2057 : vector<1x16xf32> to vector<16xf32>
      %add3A_2059 = arith.addf %add3A_2011, %get3A_2058 : vector<16xf32>
      %get3A_2060 = arith.constant 24 : i32
      %get3A_2061 = arith.index_cast %get3A_2060 : i32 to index
      %get3A_2062 = arith.constant 0 : index
      %get3A_2063 = tpu.vector_load %arg9[%get3A_2061, %get3A_2062] {strides = array<i32>} : memref<100x16xf32, #tpu.memory_space<vmem>>, vector<1x16xf32>,
      %get3A_2064 = vector.shape_cast %get3A_2063 : vector<1x16xf32> to vector<16xf32>
      %add3A_2065 = arith.addf %add3A_2017, %get3A_2064 : vector<16xf32>
      %get3A_2066 = arith.constant 25 : i32
      %get3A_2067 = arith.index_cast %get3A_2066 : i32 to index
      %get3A_2068 = arith.constant 0 : index
      %get3A_2069 = tpu.vector_load %arg9[%get3A_2067, %get3A_2068] {strides = array<i32>} : memref<100x16xf32, #tpu.memory_space<vmem>>, vector<1x16xf32>,
      %get3A_2070 = vector.shape_cast %get3A_2069 : vector<1x16xf32> to vector<16xf32>
      %add3A_2071 = arith.addf %add3A_2023, %get3A_2070 : vector<16xf32>
      %get3A_2072 = arith.constant 26 : i32
      %get3A_2073 = arith.index_cast %get3A_2072 : i32 to index
      %get3A_2074 = arith.constant 0 : index
      %get3A_2075 = tpu.vector_load %arg9[%get3A_2073, %get3A_2074] {strides = array<i32>} : memref<100x16xf32, #tpu.memory_space<vmem>>, vector<1x16xf32>,
      %get3A_2076 = vector.shape_cast %get3A_2075 : vector<1x16xf32> to vector<16xf32>
      %add3A_2077 = arith.addf %add3A_2029, %get3A_2076 : vector<16xf32>
      %get3A_2078 = arith.constant 27 : i32
      %get3A_2079 = arith.index_cast %get3A_2078 : i32 to index
      %get3A_2080 = arith.constant 0 : index
      %get3A_2081 = tpu.vector_load %arg9[%get3A_2079, %get3A_2080] {strides = array<i32>} : memref<100x16xf32, #tpu.memory_space<vmem>>, vector<1x16xf32>,
      %get3A_2082 = vector.shape_cast %get3A_2081 : vector<1x16xf32> to vector<16xf32>
      %add3A_2083 = arith.addf %add3A_2035, %get3A_2082 : vector<16xf32>
      %get3A_2084 = arith.constant 28 : i32
      %get3A_2085 = arith.index_cast %get3A_2084 : i32 to index
      %get3A_2086 = arith.constant 0 : index
      %get3A_2087 = tpu.vector_load %arg9[%get3A_2085, %get3A_2086] {strides = array<i32>} : memref<100x16xf32, #tpu.memory_space<vmem>>, vector<1x16xf32>,
      %get3A_2088 = vector.shape_cast %get3A_2087 : vector<1x16xf32> to vector<16xf32>
      %add3A_2089 = arith.addf %add3A_2041, %get3A_2088 : vector<16xf32>
      %get3A_2090 = arith.constant 29 : i32
      %get3A_2091 = arith.index_cast %get3A_2090 : i32 to index
      %get3A_2092 = arith.constant 0 : index
      %get3A_2093 = tpu.vector_load %arg9[%get3A_2091, %get3A_2092] {strides = array<i32>} : memref<100x16xf32, #tpu.memory_space<vmem>>, vector<1x16xf32>,
      %get3A_2094 = vector.shape_cast %get3A_2093 : vector<1x16xf32> to vector<16xf32>
      %add3A_2095 = arith.addf %add3A_2047, %get3A_2094 : vector<16xf32>
      %get3A_2096 = arith.constant 30 : i32
      %get3A_2097 = arith.index_cast %get3A_2096 : i32 to index
      %get3A_2098 = arith.constant 0 : index
      %get3A_2099 = tpu.vector_load %arg9[%get3A_2097, %get3A_2098] {strides = array<i32>} : memref<100x16xf32, #tpu.memory_space<vmem>>, vector<1x16xf32>,
      %get3A_2100 = vector.shape_cast %get3A_2099 : vector<1x16xf32> to vector<16xf32>
      %add3A_2101 = arith.addf %add3A_2053, %get3A_2100 : vector<16xf32>
      %get3A_2102 = arith.constant 31 : i32
      %get3A_2103 = arith.index_cast %get3A_2102 : i32 to index
      %get3A_2104 = arith.constant 0 : index
      %get3A_2105 = tpu.vector_load %arg9[%get3A_2103, %get3A_2104] {strides = array<i32>} : memref<100x16xf32, #tpu.memory_space<vmem>>, vector<1x16xf32>,
      %get3A_2106 = vector.shape_cast %get3A_2105 : vector<1x16xf32> to vector<16xf32>
      %add3A_2107 = arith.addf %add3A_2059, %get3A_2106 : vector<16xf32>
      %get3A_2108 = arith.constant 32 : i32
      %get3A_2109 = arith.index_cast %get3A_2108 : i32 to index
      %get3A_2110 = arith.constant 0 : index
      %get3A_2111 = tpu.vector_load %arg9[%get3A_2109, %get3A_2110] {strides = array<i32>} : memref<100x16xf32, #tpu.memory_space<vmem>>, vector<1x16xf32>,
      %get3A_2112 = vector.shape_cast %get3A_2111 : vector<1x16xf32> to vector<16xf32>
      %add3A_2113 = arith.addf %add3A_2065, %get3A_2112 : vector<16xf32>
      %get3A_2114 = arith.constant 33 : i32
      %get3A_2115 = arith.index_cast %get3A_2114 : i32 to index
      %get3A_2116 = arith.constant 0 : index
      %get3A_2117 = tpu.vector_load %arg9[%get3A_2115, %get3A_2116] {strides = array<i32>} : memref<100x16xf32, #tpu.memory_space<vmem>>, vector<1x16xf32>,
      %get3A_2118 = vector.shape_cast %get3A_2117 : vector<1x16xf32> to vector<16xf32>
      %add3A_2119 = arith.addf %add3A_2071, %get3A_2118 : vector<16xf32>
      %get3A_2120 = arith.constant 34 : i32
      %get3A_2121 = arith.index_cast %get3A_2120 : i32 to index
      %get3A_2122 = arith.constant 0 : index
      %get3A_2123 = tpu.vector_load %arg9[%get3A_2121, %get3A_2122] {strides = array<i32>} : memref<100x16xf32, #tpu.memory_space<vmem>>, vector<1x16xf32>,
      %get3A_2124 = vector.shape_cast %get3A_2123 : vector<1x16xf32> to vector<16xf32>
      %add3A_2125 = arith.addf %add3A_2077, %get3A_2124 : vector<16xf32>
      %get3A_2126 = arith.constant 35 : i32
      %get3A_2127 = arith.index_cast %get3A_2126 : i32 to index
      %get3A_2128 = arith.constant 0 : index
      %get3A_2129 = tpu.vector_load %arg9[%get3A_2127, %get3A_2128] {strides = array<i32>} : memref<100x16xf32, #tpu.memory_space<vmem>>, vector<1x16xf32>,
      %get3A_2130 = vector.shape_cast %get3A_2129 : vector<1x16xf32> to vector<16xf32>
      %add3A_2131 = arith.addf %add3A_2083, %get3A_2130 : vector<16xf32>
      %get3A_2132 = arith.constant 36 : i32
      %get3A_2133 = arith.index_cast %get3A_2132 : i32 to index
      %get3A_2134 = arith.constant 0 : index
      %get3A_2135 = tpu.vector_load %arg9[%get3A_2133, %get3A_2134] {strides = array<i32>} : memref<100x16xf32, #tpu.memory_space<vmem>>, vector<1x16xf32>,
      %get3A_2136 = vector.shape_cast %get3A_2135 : vector<1x16xf32> to vector<16xf32>
      %add3A_2137 = arith.addf %add3A_2089, %get3A_2136 : vector<16xf32>
      %get3A_2138 = arith.constant 37 : i32
      %get3A_2139 = arith.index_cast %get3A_2138 : i32 to index
      %get3A_2140 = arith.constant 0 : index
      %get3A_2141 = tpu.vector_load %arg9[%get3A_2139, %get3A_2140] {strides = array<i32>} : memref<100x16xf32, #tpu.memory_space<vmem>>, vector<1x16xf32>,
      %get3A_2142 = vector.shape_cast %get3A_2141 : vector<1x16xf32> to vector<16xf32>
      %add3A_2143 = arith.addf %add3A_2095, %get3A_2142 : vector<16xf32>
      %get3A_2144 = arith.constant 38 : i32
      %get3A_2145 = arith.index_cast %get3A_2144 : i32 to index
      %get3A_2146 = arith.constant 0 : index
      %get3A_2147 = tpu.vector_load %arg9[%get3A_2145, %get3A_2146] {strides = array<i32>} : memref<100x16xf32, #tpu.memory_space<vmem>>, vector<1x16xf32>,
      %get3A_2148 = vector.shape_cast %get3A_2147 : vector<1x16xf32> to vector<16xf32>
      %add3A_2149 = arith.addf %add3A_2101, %get3A_2148 : vector<16xf32>
      %get3A_2150 = arith.constant 39 : i32
      %get3A_2151 = arith.index_cast %get3A_2150 : i32 to index
      %get3A_2152 = arith.constant 0 : index
      %get3A_2153 = tpu.vector_load %arg9[%get3A_2151, %get3A_2152] {strides = array<i32>} : memref<100x16xf32, #tpu.memory_space<vmem>>, vector<1x16xf32>,
      %get3A_2154 = vector.shape_cast %get3A_2153 : vector<1x16xf32> to vector<16xf32>
      %add3A_2155 = arith.addf %add3A_2107, %get3A_2154 : vector<16xf32>
      %get3A_2156 = arith.constant 40 : i32
      %get3A_2157 = arith.index_cast %get3A_2156 : i32 to index
      %get3A_2158 = arith.constant 0 : index
      %get3A_2159 = tpu.vector_load %arg9[%get3A_2157, %get3A_2158] {strides = array<i32>} : memref<100x16xf32, #tpu.memory_space<vmem>>, vector<1x16xf32>,
      %get3A_2160 = vector.shape_cast %get3A_2159 : vector<1x16xf32> to vector<16xf32>
      %add3A_2161 = arith.addf %add3A_2113, %get3A_2160 : vector<16xf32>
      %get3A_2162 = arith.constant 41 : i32
      %get3A_2163 = arith.index_cast %get3A_2162 : i32 to index
      %get3A_2164 = arith.constant 0 : index
      %get3A_2165 = tpu.vector_load %arg9[%get3A_2163, %get3A_2164] {strides = array<i32>} : memref<100x16xf32, #tpu.memory_space<vmem>>, vector<1x16xf32>,
      %get3A_2166 = vector.shape_cast %get3A_2165 : vector<1x16xf32> to vector<16xf32>
      %add3A_2167 = arith.addf %add3A_2119, %get3A_2166 : vector<16xf32>
      %get3A_2168 = arith.constant 42 : i32
      %get3A_2169 = arith.index_cast %get3A_2168 : i32 to index
      %get3A_2170 = arith.constant 0 : index
      %get3A_2171 = tpu.vector_load %arg9[%get3A_2169, %get3A_2170] {strides = array<i32>} : memref<100x16xf32, #tpu.memory_space<vmem>>, vector<1x16xf32>,
      %get3A_2172 = vector.shape_cast %get3A_2171 : vector<1x16xf32> to vector<16xf32>
      %add3A_2173 = arith.addf %add3A_2125, %get3A_2172 : vector<16xf32>
      %get3A_2174 = arith.constant 43 : i32
      %get3A_2175 = arith.index_cast %get3A_2174 : i32 to index
      %get3A_2176 = arith.constant 0 : index
      %get3A_2177 = tpu.vector_load %arg9[%get3A_2175, %get3A_2176] {strides = array<i32>} : memref<100x16xf32, #tpu.memory_space<vmem>>, vector<1x16xf32>,
      %get3A_2178 = vector.shape_cast %get3A_2177 : vector<1x16xf32> to vector<16xf32>
      %add3A_2179 = arith.addf %add3A_2131, %get3A_2178 : vector<16xf32>
      %get3A_2180 = arith.constant 44 : i32
      %get3A_2181 = arith.index_cast %get3A_2180 : i32 to index
      %get3A_2182 = arith.constant 0 : index
      %get3A_2183 = tpu.vector_load %arg9[%get3A_2181, %get3A_2182] {strides = array<i32>} : memref<100x16xf32, #tpu.memory_space<vmem>>, vector<1x16xf32>,
      %get3A_2184 = vector.shape_cast %get3A_2183 : vector<1x16xf32> to vector<16xf32>
      %add3A_2185 = arith.addf %add3A_2137, %get3A_2184 : vector<16xf32>
      %get3A_2186 = arith.constant 45 : i32
      %get3A_2187 = arith.index_cast %get3A_2186 : i32 to index
      %get3A_2188 = arith.constant 0 : index
      %get3A_2189 = tpu.vector_load %arg9[%get3A_2187, %get3A_2188] {strides = array<i32>} : memref<100x16xf32, #tpu.memory_space<vmem>>, vector<1x16xf32>,
      %get3A_2190 = vector.shape_cast %get3A_2189 : vector<1x16xf32> to vector<16xf32>
      %add3A_2191 = arith.addf %add3A_2143, %get3A_2190 : vector<16xf32>
      %get3A_2192 = arith.constant 46 : i32
      %get3A_2193 = arith.index_cast %get3A_2192 : i32 to index
      %get3A_2194 = arith.constant 0 : index
      %get3A_2195 = tpu.vector_load %arg9[%get3A_2193, %get3A_2194] {strides = array<i32>} : memref<100x16xf32, #tpu.memory_space<vmem>>, vector<1x16xf32>,
      %get3A_2196 = vector.shape_cast %get3A_2195 : vector<1x16xf32> to vector<16xf32>
      %add3A_2197 = arith.addf %add3A_2149, %get3A_2196 : vector<16xf32>
      %get3A_2198 = arith.constant 47 : i32
      %get3A_2199 = arith.index_cast %get3A_2198 : i32 to index
      %get3A_2200 = arith.constant 0 : index
      %get3A_2201 = tpu.vector_load %arg9[%get3A_2199, %get3A_2200] {strides = array<i32>} : memref<100x16xf32, #tpu.memory_space<vmem>>, vector<1x16xf32>,
      %get3A_2202 = vector.shape_cast %get3A_2201 : vector<1x16xf32> to vector<16xf32>
      %add3A_2203 = arith.addf %add3A_2155, %get3A_2202 : vector<16xf32>
      %get3A_2204 = arith.constant 48 : i32
      %get3A_2205 = arith.index_cast %get3A_2204 : i32 to index
      %get3A_2206 = arith.constant 0 : index
      %get3A_2207 = tpu.vector_load %arg9[%get3A_2205, %get3A_2206] {strides = array<i32>} : memref<100x16xf32, #tpu.memory_space<vmem>>, vector<1x16xf32>,
      %get3A_2208 = vector.shape_cast %get3A_2207 : vector<1x16xf32> to vector<16xf32>
      %add3A_2209 = arith.addf %add3A_2161, %get3A_2208 : vector<16xf32>
      %get3A_2210 = arith.constant 49 : i32
      %get3A_2211 = arith.index_cast %get3A_2210 : i32 to index
      %get3A_2212 = arith.constant 0 : index
      %get3A_2213 = tpu.vector_load %arg9[%get3A_2211, %get3A_2212] {strides = array<i32>} : memref<100x16xf32, #tpu.memory_space<vmem>>, vector<1x16xf32>,
      %get3A_2214 = vector.shape_cast %get3A_2213 : vector<1x16xf32> to vector<16xf32>
      %add3A_2215 = arith.addf %add3A_2167, %get3A_2214 : vector<16xf32>
      %get3A_2216 = arith.constant 50 : i32
      %get3A_2217 = arith.index_cast %get3A_2216 : i32 to index
      %get3A_2218 = arith.constant 0 : index
      %get3A_2219 = tpu.vector_load %arg9[%get3A_2217, %get3A_2218] {strides = array<i32>} : memref<100x16xf32, #tpu.memory_space<vmem>>, vector<1x16xf32>,
      %get3A_2220 = vector.shape_cast %get3A_2219 : vector<1x16xf32> to vector<16xf32>
      %add3A_2221 = arith.addf %add3A_2173, %get3A_2220 : vector<16xf32>
      %get3A_2222 = arith.constant 51 : i32
      %get3A_2223 = arith.index_cast %get3A_2222 : i32 to index
      %get3A_2224 = arith.constant 0 : index
      %get3A_2225 = tpu.vector_load %arg9[%get3A_2223, %get3A_2224] {strides = array<i32>} : memref<100x16xf32, #tpu.memory_space<vmem>>, vector<1x16xf32>,
      %get3A_2226 = vector.shape_cast %get3A_2225 : vector<1x16xf32> to vector<16xf32>
      %add3A_2227 = arith.addf %add3A_2179, %get3A_2226 : vector<16xf32>
      %get3A_2228 = arith.constant 52 : i32
      %get3A_2229 = arith.index_cast %get3A_2228 : i32 to index
      %get3A_2230 = arith.constant 0 : index
      %get3A_2231 = tpu.vector_load %arg9[%get3A_2229, %get3A_2230] {strides = array<i32>} : memref<100x16xf32, #tpu.memory_space<vmem>>, vector<1x16xf32>,
      %get3A_2232 = vector.shape_cast %get3A_2231 : vector<1x16xf32> to vector<16xf32>
      %add3A_2233 = arith.addf %add3A_2185, %get3A_2232 : vector<16xf32>
      %get3A_2234 = arith.constant 53 : i32
      %get3A_2235 = arith.index_cast %get3A_2234 : i32 to index
      %get3A_2236 = arith.constant 0 : index
      %get3A_2237 = tpu.vector_load %arg9[%get3A_2235, %get3A_2236] {strides = array<i32>} : memref<100x16xf32, #tpu.memory_space<vmem>>, vector<1x16xf32>,
      %get3A_2238 = vector.shape_cast %get3A_2237 : vector<1x16xf32> to vector<16xf32>
      %add3A_2239 = arith.addf %add3A_2191, %get3A_2238 : vector<16xf32>
      %get3A_2240 = arith.constant 54 : i32
      %get3A_2241 = arith.index_cast %get3A_2240 : i32 to index
      %get3A_2242 = arith.constant 0 : index
      %get3A_2243 = tpu.vector_load %arg9[%get3A_2241, %get3A_2242] {strides = array<i32>} : memref<100x16xf32, #tpu.memory_space<vmem>>, vector<1x16xf32>,
      %get3A_2244 = vector.shape_cast %get3A_2243 : vector<1x16xf32> to vector<16xf32>
      %add3A_2245 = arith.addf %add3A_2197, %get3A_2244 : vector<16xf32>
      %get3A_2246 = arith.constant 55 : i32
      %get3A_2247 = arith.index_cast %get3A_2246 : i32 to index
      %get3A_2248 = arith.constant 0 : index
      %get3A_2249 = tpu.vector_load %arg9[%get3A_2247, %get3A_2248] {strides = array<i32>} : memref<100x16xf32, #tpu.memory_space<vmem>>, vector<1x16xf32>,
      %get3A_2250 = vector.shape_cast %get3A_2249 : vector<1x16xf32> to vector<16xf32>
      %add3A_2251 = arith.addf %add3A_2203, %get3A_2250 : vector<16xf32>
      %get3A_2252 = arith.constant 56 : i32
      %get3A_2253 = arith.index_cast %get3A_2252 : i32 to index
      %get3A_2254 = arith.constant 0 : index
      %get3A_2255 = tpu.vector_load %arg9[%get3A_2253, %get3A_2254] {strides = array<i32>} : memref<100x16xf32, #tpu.memory_space<vmem>>, vector<1x16xf32>,
      %get3A_2256 = vector.shape_cast %get3A_2255 : vector<1x16xf32> to vector<16xf32>
      %add3A_2257 = arith.addf %add3A_2209, %get3A_2256 : vector<16xf32>
      %get3A_2258 = arith.constant 57 : i32
      %get3A_2259 = arith.index_cast %get3A_2258 : i32 to index
      %get3A_2260 = arith.constant 0 : index
      %get3A_2261 = tpu.vector_load %arg9[%get3A_2259, %get3A_2260] {strides = array<i32>} : memref<100x16xf32, #tpu.memory_space<vmem>>, vector<1x16xf32>,
      %get3A_2262 = vector.shape_cast %get3A_2261 : vector<1x16xf32> to vector<16xf32>
      %add3A_2263 = arith.addf %add3A_2215, %get3A_2262 : vector<16xf32>
      %get3A_2264 = arith.constant 58 : i32
      %get3A_2265 = arith.index_cast %get3A_2264 : i32 to index
      %get3A_2266 = arith.constant 0 : index
      %get3A_2267 = tpu.vector_load %arg9[%get3A_2265, %get3A_2266] {strides = array<i32>} : memref<100x16xf32, #tpu.memory_space<vmem>>, vector<1x16xf32>,
      %get3A_2268 = vector.shape_cast %get3A_2267 : vector<1x16xf32> to vector<16xf32>
      %add3A_2269 = arith.addf %add3A_2221, %get3A_2268 : vector<16xf32>
      %get3A_2270 = arith.constant 59 : i32
      %get3A_2271 = arith.index_cast %get3A_2270 : i32 to index
      %get3A_2272 = arith.constant 0 : index
      %get3A_2273 = tpu.vector_load %arg9[%get3A_2271, %get3A_2272] {strides = array<i32>} : memref<100x16xf32, #tpu.memory_space<vmem>>, vector<1x16xf32>,
      %get3A_2274 = vector.shape_cast %get3A_2273 : vector<1x16xf32> to vector<16xf32>
      %add3A_2275 = arith.addf %add3A_2227, %get3A_2274 : vector<16xf32>
      %get3A_2276 = arith.constant 60 : i32
      %get3A_2277 = arith.index_cast %get3A_2276 : i32 to index
      %get3A_2278 = arith.constant 0 : index
      %get3A_2279 = tpu.vector_load %arg9[%get3A_2277, %get3A_2278] {strides = array<i32>} : memref<100x16xf32, #tpu.memory_space<vmem>>, vector<1x16xf32>,
      %get3A_2280 = vector.shape_cast %get3A_2279 : vector<1x16xf32> to vector<16xf32>
      %add3A_2281 = arith.addf %add3A_2233, %get3A_2280 : vector<16xf32>
      %get3A_2282 = arith.constant 61 : i32
      %get3A_2283 = arith.index_cast %get3A_2282 : i32 to index
      %get3A_2284 = arith.constant 0 : index
      %get3A_2285 = tpu.vector_load %arg9[%get3A_2283, %get3A_2284] {strides = array<i32>} : memref<100x16xf32, #tpu.memory_space<vmem>>, vector<1x16xf32>,
      %get3A_2286 = vector.shape_cast %get3A_2285 : vector<1x16xf32> to vector<16xf32>
      %add3A_2287 = arith.addf %add3A_2239, %get3A_2286 : vector<16xf32>
      %get3A_2288 = arith.constant 62 : i32
      %get3A_2289 = arith.index_cast %get3A_2288 : i32 to index
      %get3A_2290 = arith.constant 0 : index
      %get3A_2291 = tpu.vector_load %arg9[%get3A_2289, %get3A_2290] {strides = array<i32>} : memref<100x16xf32, #tpu.memory_space<vmem>>, vector<1x16xf32>,
      %get3A_2292 = vector.shape_cast %get3A_2291 : vector<1x16xf32> to vector<16xf32>
      %add3A_2293 = arith.addf %add3A_2245, %get3A_2292 : vector<16xf32>
      %get3A_2294 = arith.constant 63 : i32
      %get3A_2295 = arith.index_cast %get3A_2294 : i32 to index
      %get3A_2296 = arith.constant 0 : index
      %get3A_2297 = tpu.vector_load %arg9[%get3A_2295, %get3A_2296] {strides = array<i32>} : memref<100x16xf32, #tpu.memory_space<vmem>>, vector<1x16xf32>,
      %get3A_2298 = vector.shape_cast %get3A_2297 : vector<1x16xf32> to vector<16xf32>
      %add3A_2299 = arith.addf %add3A_2251, %get3A_2298 : vector<16xf32>
      %get3A_2300 = arith.constant 64 : i32
      %get3A_2301 = arith.index_cast %get3A_2300 : i32 to index
      %get3A_2302 = arith.constant 0 : index
      %get3A_2303 = tpu.vector_load %arg9[%get3A_2301, %get3A_2302] {strides = array<i32>} : memref<100x16xf32, #tpu.memory_space<vmem>>, vector<1x16xf32>,
      %get3A_2304 = vector.shape_cast %get3A_2303 : vector<1x16xf32> to vector<16xf32>
      %add3A_2305 = arith.addf %add3A_2257, %get3A_2304 : vector<16xf32>
      %get3A_2306 = arith.constant 65 : i32
      %get3A_2307 = arith.index_cast %get3A_2306 : i32 to index
      %get3A_2308 = arith.constant 0 : index
      %get3A_2309 = tpu.vector_load %arg9[%get3A_2307, %get3A_2308] {strides = array<i32>} : memref<100x16xf32, #tpu.memory_space<vmem>>, vector<1x16xf32>,
      %get3A_2310 = vector.shape_cast %get3A_2309 : vector<1x16xf32> to vector<16xf32>
      %add3A_2311 = arith.addf %add3A_2263, %get3A_2310 : vector<16xf32>
      %get3A_2312 = arith.constant 66 : i32
      %get3A_2313 = arith.index_cast %get3A_2312 : i32 to index
      %get3A_2314 = arith.constant 0 : index
      %get3A_2315 = tpu.vector_load %arg9[%get3A_2313, %get3A_2314] {strides = array<i32>} : memref<100x16xf32, #tpu.memory_space<vmem>>, vector<1x16xf32>,
      %get3A_2316 = vector.shape_cast %get3A_2315 : vector<1x16xf32> to vector<16xf32>
      %add3A_2317 = arith.addf %add3A_2269, %get3A_2316 : vector<16xf32>
      %get3A_2318 = arith.constant 67 : i32
      %get3A_2319 = arith.index_cast %get3A_2318 : i32 to index
      %get3A_2320 = arith.constant 0 : index
      %get3A_2321 = tpu.vector_load %arg9[%get3A_2319, %get3A_2320] {strides = array<i32>} : memref<100x16xf32, #tpu.memory_space<vmem>>, vector<1x16xf32>,
      %get3A_2322 = vector.shape_cast %get3A_2321 : vector<1x16xf32> to vector<16xf32>
      %add3A_2323 = arith.addf %add3A_2275, %get3A_2322 : vector<16xf32>
      %get3A_2324 = arith.constant 68 : i32
      %get3A_2325 = arith.index_cast %get3A_2324 : i32 to index
      %get3A_2326 = arith.constant 0 : index
      %get3A_2327 = tpu.vector_load %arg9[%get3A_2325, %get3A_2326] {strides = array<i32>} : memref<100x16xf32, #tpu.memory_space<vmem>>, vector<1x16xf32>,
      %get3A_2328 = vector.shape_cast %get3A_2327 : vector<1x16xf32> to vector<16xf32>
      %add3A_2329 = arith.addf %add3A_2281, %get3A_2328 : vector<16xf32>
      %get3A_2330 = arith.constant 69 : i32
      %get3A_2331 = arith.index_cast %get3A_2330 : i32 to index
      %get3A_2332 = arith.constant 0 : index
      %get3A_2333 = tpu.vector_load %arg9[%get3A_2331, %get3A_2332] {strides = array<i32>} : memref<100x16xf32, #tpu.memory_space<vmem>>, vector<1x16xf32>,
      %get3A_2334 = vector.shape_cast %get3A_2333 : vector<1x16xf32> to vector<16xf32>
      %add3A_2335 = arith.addf %add3A_2287, %get3A_2334 : vector<16xf32>
      %get3A_2336 = arith.constant 70 : i32
      %get3A_2337 = arith.index_cast %get3A_2336 : i32 to index
      %get3A_2338 = arith.constant 0 : index
      %get3A_2339 = tpu.vector_load %arg9[%get3A_2337, %get3A_2338] {strides = array<i32>} : memref<100x16xf32, #tpu.memory_space<vmem>>, vector<1x16xf32>,
      %get3A_2340 = vector.shape_cast %get3A_2339 : vector<1x16xf32> to vector<16xf32>
      %add3A_2341 = arith.addf %add3A_2293, %get3A_2340 : vector<16xf32>
      %get3A_2342 = arith.constant 71 : i32
      %get3A_2343 = arith.index_cast %get3A_2342 : i32 to index
      %get3A_2344 = arith.constant 0 : index
      %get3A_2345 = tpu.vector_load %arg9[%get3A_2343, %get3A_2344] {strides = array<i32>} : memref<100x16xf32, #tpu.memory_space<vmem>>, vector<1x16xf32>,
      %get3A_2346 = vector.shape_cast %get3A_2345 : vector<1x16xf32> to vector<16xf32>
      %add3A_2347 = arith.addf %add3A_2299, %get3A_2346 : vector<16xf32>
      %get3A_2348 = arith.constant 72 : i32
      %get3A_2349 = arith.index_cast %get3A_2348 : i32 to index
      %get3A_2350 = arith.constant 0 : index
      %get3A_2351 = tpu.vector_load %arg9[%get3A_2349, %get3A_2350] {strides = array<i32>} : memref<100x16xf32, #tpu.memory_space<vmem>>, vector<1x16xf32>,
      %get3A_2352 = vector.shape_cast %get3A_2351 : vector<1x16xf32> to vector<16xf32>
      %add3A_2353 = arith.addf %add3A_2305, %get3A_2352 : vector<16xf32>
      %get3A_2354 = arith.constant 73 : i32
      %get3A_2355 = arith.index_cast %get3A_2354 : i32 to index
      %get3A_2356 = arith.constant 0 : index
      %get3A_2357 = tpu.vector_load %arg9[%get3A_2355, %get3A_2356] {strides = array<i32>} : memref<100x16xf32, #tpu.memory_space<vmem>>, vector<1x16xf32>,
      %get3A_2358 = vector.shape_cast %get3A_2357 : vector<1x16xf32> to vector<16xf32>
      %add3A_2359 = arith.addf %add3A_2311, %get3A_2358 : vector<16xf32>
      %get3A_2360 = arith.constant 74 : i32
      %get3A_2361 = arith.index_cast %get3A_2360 : i32 to index
      %get3A_2362 = arith.constant 0 : index
      %get3A_2363 = tpu.vector_load %arg9[%get3A_2361, %get3A_2362] {strides = array<i32>} : memref<100x16xf32, #tpu.memory_space<vmem>>, vector<1x16xf32>,
      %get3A_2364 = vector.shape_cast %get3A_2363 : vector<1x16xf32> to vector<16xf32>
      %add3A_2365 = arith.addf %add3A_2317, %get3A_2364 : vector<16xf32>
      %get3A_2366 = arith.constant 75 : i32
      %get3A_2367 = arith.index_cast %get3A_2366 : i32 to index
      %get3A_2368 = arith.constant 0 : index
      %get3A_2369 = tpu.vector_load %arg9[%get3A_2367, %get3A_2368] {strides = array<i32>} : memref<100x16xf32, #tpu.memory_space<vmem>>, vector<1x16xf32>,
      %get3A_2370 = vector.shape_cast %get3A_2369 : vector<1x16xf32> to vector<16xf32>
      %add3A_2371 = arith.addf %add3A_2323, %get3A_2370 : vector<16xf32>
      %get3A_2372 = arith.constant 76 : i32
      %get3A_2373 = arith.index_cast %get3A_2372 : i32 to index
      %get3A_2374 = arith.constant 0 : index
      %get3A_2375 = tpu.vector_load %arg9[%get3A_2373, %get3A_2374] {strides = array<i32>} : memref<100x16xf32, #tpu.memory_space<vmem>>, vector<1x16xf32>,
      %get3A_2376 = vector.shape_cast %get3A_2375 : vector<1x16xf32> to vector<16xf32>
      %add3A_2377 = arith.addf %add3A_2329, %get3A_2376 : vector<16xf32>
      %get3A_2378 = arith.constant 77 : i32
      %get3A_2379 = arith.index_cast %get3A_2378 : i32 to index
      %get3A_2380 = arith.constant 0 : index
      %get3A_2381 = tpu.vector_load %arg9[%get3A_2379, %get3A_2380] {strides = array<i32>} : memref<100x16xf32, #tpu.memory_space<vmem>>, vector<1x16xf32>,
      %get3A_2382 = vector.shape_cast %get3A_2381 : vector<1x16xf32> to vector<16xf32>
      %add3A_2383 = arith.addf %add3A_2335, %get3A_2382 : vector<16xf32>
      %get3A_2384 = arith.constant 78 : i32
      %get3A_2385 = arith.index_cast %get3A_2384 : i32 to index
      %get3A_2386 = arith.constant 0 : index
      %get3A_2387 = tpu.vector_load %arg9[%get3A_2385, %get3A_2386] {strides = array<i32>} : memref<100x16xf32, #tpu.memory_space<vmem>>, vector<1x16xf32>,
      %get3A_2388 = vector.shape_cast %get3A_2387 : vector<1x16xf32> to vector<16xf32>
      %add3A_2389 = arith.addf %add3A_2341, %get3A_2388 : vector<16xf32>
      %get3A_2390 = arith.constant 79 : i32
      %get3A_2391 = arith.index_cast %get3A_2390 : i32 to index
      %get3A_2392 = arith.constant 0 : index
      %get3A_2393 = tpu.vector_load %arg9[%get3A_2391, %get3A_2392] {strides = array<i32>} : memref<100x16xf32, #tpu.memory_space<vmem>>, vector<1x16xf32>,
      %get3A_2394 = vector.shape_cast %get3A_2393 : vector<1x16xf32> to vector<16xf32>
      %add3A_2395 = arith.addf %add3A_2347, %get3A_2394 : vector<16xf32>
      %get3A_2396 = arith.constant 80 : i32
      %get3A_2397 = arith.index_cast %get3A_2396 : i32 to index
      %get3A_2398 = arith.constant 0 : index
      %get3A_2399 = tpu.vector_load %arg9[%get3A_2397, %get3A_2398] {strides = array<i32>} : memref<100x16xf32, #tpu.memory_space<vmem>>, vector<1x16xf32>,
      %get3A_2400 = vector.shape_cast %get3A_2399 : vector<1x16xf32> to vector<16xf32>
      %add3A_2401 = arith.addf %add3A_2353, %get3A_2400 : vector<16xf32>
      %get3A_2402 = arith.constant 81 : i32
      %get3A_2403 = arith.index_cast %get3A_2402 : i32 to index
      %get3A_2404 = arith.constant 0 : index
      %get3A_2405 = tpu.vector_load %arg9[%get3A_2403, %get3A_2404] {strides = array<i32>} : memref<100x16xf32, #tpu.memory_space<vmem>>, vector<1x16xf32>,
      %get3A_2406 = vector.shape_cast %get3A_2405 : vector<1x16xf32> to vector<16xf32>
      %add3A_2407 = arith.addf %add3A_2359, %get3A_2406 : vector<16xf32>
      %get3A_2408 = arith.constant 82 : i32
      %get3A_2409 = arith.index_cast %get3A_2408 : i32 to index
      %get3A_2410 = arith.constant 0 : index
      %get3A_2411 = tpu.vector_load %arg9[%get3A_2409, %get3A_2410] {strides = array<i32>} : memref<100x16xf32, #tpu.memory_space<vmem>>, vector<1x16xf32>,
      %get3A_2412 = vector.shape_cast %get3A_2411 : vector<1x16xf32> to vector<16xf32>
      %add3A_2413 = arith.addf %add3A_2365, %get3A_2412 : vector<16xf32>
      %get3A_2414 = arith.constant 83 : i32
      %get3A_2415 = arith.index_cast %get3A_2414 : i32 to index
      %get3A_2416 = arith.constant 0 : index
      %get3A_2417 = tpu.vector_load %arg9[%get3A_2415, %get3A_2416] {strides = array<i32>} : memref<100x16xf32, #tpu.memory_space<vmem>>, vector<1x16xf32>,
      %get3A_2418 = vector.shape_cast %get3A_2417 : vector<1x16xf32> to vector<16xf32>
      %add3A_2419 = arith.addf %add3A_2371, %get3A_2418 : vector<16xf32>
      %get3A_2420 = arith.constant 84 : i32
      %get3A_2421 = arith.index_cast %get3A_2420 : i32 to index
      %get3A_2422 = arith.constant 0 : index
      %get3A_2423 = tpu.vector_load %arg9[%get3A_2421, %get3A_2422] {strides = array<i32>} : memref<100x16xf32, #tpu.memory_space<vmem>>, vector<1x16xf32>,
      %get3A_2424 = vector.shape_cast %get3A_2423 : vector<1x16xf32> to vector<16xf32>
      %add3A_2425 = arith.addf %add3A_2377, %get3A_2424 : vector<16xf32>
      %get3A_2426 = arith.constant 85 : i32
      %get3A_2427 = arith.index_cast %get3A_2426 : i32 to index
      %get3A_2428 = arith.constant 0 : index
      %get3A_2429 = tpu.vector_load %arg9[%get3A_2427, %get3A_2428] {strides = array<i32>} : memref<100x16xf32, #tpu.memory_space<vmem>>, vector<1x16xf32>,
      %get3A_2430 = vector.shape_cast %get3A_2429 : vector<1x16xf32> to vector<16xf32>
      %add3A_2431 = arith.addf %add3A_2383, %get3A_2430 : vector<16xf32>
      %get3A_2432 = arith.constant 86 : i32
      %get3A_2433 = arith.index_cast %get3A_2432 : i32 to index
      %get3A_2434 = arith.constant 0 : index
      %get3A_2435 = tpu.vector_load %arg9[%get3A_2433, %get3A_2434] {strides = array<i32>} : memref<100x16xf32, #tpu.memory_space<vmem>>, vector<1x16xf32>,
      %get3A_2436 = vector.shape_cast %get3A_2435 : vector<1x16xf32> to vector<16xf32>
      %add3A_2437 = arith.addf %add3A_2389, %get3A_2436 : vector<16xf32>
      %get3A_2438 = arith.constant 87 : i32
      %get3A_2439 = arith.index_cast %get3A_2438 : i32 to index
      %get3A_2440 = arith.constant 0 : index
      %get3A_2441 = tpu.vector_load %arg9[%get3A_2439, %get3A_2440] {strides = array<i32>} : memref<100x16xf32, #tpu.memory_space<vmem>>, vector<1x16xf32>,
      %get3A_2442 = vector.shape_cast %get3A_2441 : vector<1x16xf32> to vector<16xf32>
      %add3A_2443 = arith.addf %add3A_2395, %get3A_2442 : vector<16xf32>
      %get3A_2444 = arith.constant 88 : i32
      %get3A_2445 = arith.index_cast %get3A_2444 : i32 to index
      %get3A_2446 = arith.constant 0 : index
      %get3A_2447 = tpu.vector_load %arg9[%get3A_2445, %get3A_2446] {strides = array<i32>} : memref<100x16xf32, #tpu.memory_space<vmem>>, vector<1x16xf32>,
      %get3A_2448 = vector.shape_cast %get3A_2447 : vector<1x16xf32> to vector<16xf32>
      %add3A_2449 = arith.addf %add3A_2401, %get3A_2448 : vector<16xf32>
      %get3A_2450 = arith.constant 89 : i32
      %get3A_2451 = arith.index_cast %get3A_2450 : i32 to index
      %get3A_2452 = arith.constant 0 : index
      %get3A_2453 = tpu.vector_load %arg9[%get3A_2451, %get3A_2452] {strides = array<i32>} : memref<100x16xf32, #tpu.memory_space<vmem>>, vector<1x16xf32>,
      %get3A_2454 = vector.shape_cast %get3A_2453 : vector<1x16xf32> to vector<16xf32>
      %add3A_2455 = arith.addf %add3A_2407, %get3A_2454 : vector<16xf32>
      %get3A_2456 = arith.constant 90 : i32
      %get3A_2457 = arith.index_cast %get3A_2456 : i32 to index
      %get3A_2458 = arith.constant 0 : index
      %get3A_2459 = tpu.vector_load %arg9[%get3A_2457, %get3A_2458] {strides = array<i32>} : memref<100x16xf32, #tpu.memory_space<vmem>>, vector<1x16xf32>,
      %get3A_2460 = vector.shape_cast %get3A_2459 : vector<1x16xf32> to vector<16xf32>
      %add3A_2461 = arith.addf %add3A_2413, %get3A_2460 : vector<16xf32>
      %get3A_2462 = arith.constant 91 : i32
      %get3A_2463 = arith.index_cast %get3A_2462 : i32 to index
      %get3A_2464 = arith.constant 0 : index
      %get3A_2465 = tpu.vector_load %arg9[%get3A_2463, %get3A_2464] {strides = array<i32>} : memref<100x16xf32, #tpu.memory_space<vmem>>, vector<1x16xf32>,
      %get3A_2466 = vector.shape_cast %get3A_2465 : vector<1x16xf32> to vector<16xf32>
      %add3A_2467 = arith.addf %add3A_2419, %get3A_2466 : vector<16xf32>
      %get3A_2468 = arith.constant 92 : i32
      %get3A_2469 = arith.index_cast %get3A_2468 : i32 to index
      %get3A_2470 = arith.constant 0 : index
      %get3A_2471 = tpu.vector_load %arg9[%get3A_2469, %get3A_2470] {strides = array<i32>} : memref<100x16xf32, #tpu.memory_space<vmem>>, vector<1x16xf32>,
      %get3A_2472 = vector.shape_cast %get3A_2471 : vector<1x16xf32> to vector<16xf32>
      %add3A_2473 = arith.addf %add3A_2425, %get3A_2472 : vector<16xf32>
      %get3A_2474 = arith.constant 93 : i32
      %get3A_2475 = arith.index_cast %get3A_2474 : i32 to index
      %get3A_2476 = arith.constant 0 : index
      %get3A_2477 = tpu.vector_load %arg9[%get3A_2475, %get3A_2476] {strides = array<i32>} : memref<100x16xf32, #tpu.memory_space<vmem>>, vector<1x16xf32>,
      %get3A_2478 = vector.shape_cast %get3A_2477 : vector<1x16xf32> to vector<16xf32>
      %add3A_2479 = arith.addf %add3A_2431, %get3A_2478 : vector<16xf32>
      %get3A_2480 = arith.constant 94 : i32
      %get3A_2481 = arith.index_cast %get3A_2480 : i32 to index
      %get3A_2482 = arith.constant 0 : index
      %get3A_2483 = tpu.vector_load %arg9[%get3A_2481, %get3A_2482] {strides = array<i32>} : memref<100x16xf32, #tpu.memory_space<vmem>>, vector<1x16xf32>,
      %get3A_2484 = vector.shape_cast %get3A_2483 : vector<1x16xf32> to vector<16xf32>
      %add3A_2485 = arith.addf %add3A_2437, %get3A_2484 : vector<16xf32>
      %get3A_2486 = arith.constant 95 : i32
      %get3A_2487 = arith.index_cast %get3A_2486 : i32 to index
      %get3A_2488 = arith.constant 0 : index
      %get3A_2489 = tpu.vector_load %arg9[%get3A_2487, %get3A_2488] {strides = array<i32>} : memref<100x16xf32, #tpu.memory_space<vmem>>, vector<1x16xf32>,
      %get3A_2490 = vector.shape_cast %get3A_2489 : vector<1x16xf32> to vector<16xf32>
      %add3A_2491 = arith.addf %add3A_2443, %get3A_2490 : vector<16xf32>
      %get3A_2492 = arith.constant 96 : i32
      %get3A_2493 = arith.index_cast %get3A_2492 : i32 to index
      %get3A_2494 = arith.constant 0 : index
      %get3A_2495 = tpu.vector_load %arg9[%get3A_2493, %get3A_2494] {strides = array<i32>} : memref<100x16xf32, #tpu.memory_space<vmem>>, vector<1x16xf32>,
      %get3A_2496 = vector.shape_cast %get3A_2495 : vector<1x16xf32> to vector<16xf32>
      %add3A_2497 = arith.addf %add3A_2449, %get3A_2496 : vector<16xf32>
      %get3A_2498 = arith.constant 97 : i32
      %get3A_2499 = arith.index_cast %get3A_2498 : i32 to index
      %get3A_2500 = arith.constant 0 : index
      %get3A_2501 = tpu.vector_load %arg9[%get3A_2499, %get3A_2500] {strides = array<i32>} : memref<100x16xf32, #tpu.memory_space<vmem>>, vector<1x16xf32>,
      %get3A_2502 = vector.shape_cast %get3A_2501 : vector<1x16xf32> to vector<16xf32>
      %add3A_2503 = arith.addf %add3A_2455, %get3A_2502 : vector<16xf32>
      %get3A_2504 = arith.constant 98 : i32
      %get3A_2505 = arith.index_cast %get3A_2504 : i32 to index
      %get3A_2506 = arith.constant 0 : index
      %get3A_2507 = tpu.vector_load %arg9[%get3A_2505, %get3A_2506] {strides = array<i32>} : memref<100x16xf32, #tpu.memory_space<vmem>>, vector<1x16xf32>,
      %get3A_2508 = vector.shape_cast %get3A_2507 : vector<1x16xf32> to vector<16xf32>
      %add3A_2509 = arith.addf %add3A_2461, %get3A_2508 : vector<16xf32>
      %get3A_2510 = arith.constant 99 : i32
      %get3A_2511 = arith.index_cast %get3A_2510 : i32 to index
      %get3A_2512 = arith.constant 0 : index
      %get3A_2513 = tpu.vector_load %arg9[%get3A_2511, %get3A_2512] {strides = array<i32>} : memref<100x16xf32, #tpu.memory_space<vmem>>, vector<1x16xf32>,
      %get3A_2514 = vector.shape_cast %get3A_2513 : vector<1x16xf32> to vector<16xf32>
      %add3A_2515 = arith.addf %add3A_2467, %get3A_2514 : vector<16xf32>
      %add3A_2516 = arith.addf %add3A_2497, %add3A_2503 : vector<16xf32>
      %add3A_2517 = arith.addf %add3A_2509, %add3A_2515 : vector<16xf32>
      %add3A_2518 = arith.addf %add3A_2516, %add3A_2517 : vector<16xf32>
      %add3A_2519 = arith.addf %add3A_2473, %add3A_2479 : vector<16xf32>
      %add3A_2520 = arith.addf %add3A_2485, %add3A_2491 : vector<16xf32>
      %add3A_2521 = arith.addf %add3A_2519, %add3A_2520 : vector<16xf32>
      %add3A_2522 = arith.addf %add3A_2518, %add3A_2521 : vector<16xf32>
      %add3A_2523 = arith.constant 3 : i32
      %add3A_2524 = arith.addi %mul3A_40, %add3A_2523 : i32
      %add3A_2525 = arith.constant 4 : i32
      %add3A_2526 = arith.addi %add3A_2524, %add3A_2525 : i32
      %lt3A_2527 = arith.constant 256 : i32
      %lt3A_2528 = arith.cmpi slt, %add3A_2526, %lt3A_2527 : i32
      %convert_element_type3A_2529 = arith.extui %lt3A_2528 : i1 to i32
      %cond3A_2530 = arith.constant 0 : i32
      %cond3A_2531 = arith.cmpi ne, %convert_element_type3A_2529, %cond3A_2530 : i32
      scf.if %cond3A_2531 {
        %add3A_2549 = arith.constant 3 : i32
        %add3A_2550 = arith.addi %mul3A_40, %add3A_2549 : i32
        %add3A_2551 = arith.constant 4 : i32
        %add3A_2552 = arith.addi %add3A_2550, %add3A_2551 : i32
        %dma_start3A_2553 = arith.constant 0 : i32
        %dma_start3A_2554 = tpu.memref_slice %arg5[%add3A_2552, %dma_start3A_2553] : memref<256x100xi32, #tpu.memory_space<vmem>> -> memref<1x100xi32, #tpu.memory_space<vmem>>
        %dma_start3A_2555 = tpu.memref_squeeze %dma_start3A_2554 : memref<1x100xi32, #tpu.memory_space<vmem>> -> memref<100xi32, #tpu.memory_space<vmem>>
        %dma_start3A_2556 = arith.constant 0 : i32
        %dma_start3A_2557 = arith.constant 0 : i32
        %dma_start3A_2558 = tpu.memref_slice %arg2[%dma_start3A_2556, %dma_start3A_2557] : memref<1015808x16xf32, #tpu.memory_space<hbm>> -> memref<1015808x16xf32, #tpu.memory_space<hbm>>
        tpu.enqueue_indirect_dma source(%dma_start3A_2558 : memref<1015808x16xf32, #tpu.memory_space<hbm>>) target(%arg9 : memref<100x16xf32, #tpu.memory_space<vmem>>) offsets(%dma_start3A_2555 : memref<100xi32, #tpu.memory_space<vmem>>) semaphore(%arg14 : memref<!tpu.dma_semaphore, #tpu.memory_space<semaphore_mem>>)
      } else {
      }
      %add3A_2532 = arith.addf %add3A_653, %add3A_1274 : vector<16xf32>
      %mul3A_2533 = arith.constant 2 : i32
      %mul3A_2534 = arith.muli %mul3A_2533, %scan3A_38 : i32
      %swap3A = arith.index_cast %mul3A_2534 : i32 to index
      %swap3A_2535 = arith.constant 0 : index
      %swap3A_2536 = tpu.vector_load %arg10[%swap3A, %swap3A_2535] {strides = array<i32>} : memref<128x16xf32, #tpu.memory_space<vmem>>, vector<1x16xf32>,
      %swap3A_2537 = vector.shape_cast %swap3A_2536 : vector<1x16xf32> to vector<16xf32>
      %swap3A_2538 = vector.shape_cast %add3A_2532 : vector<16xf32> to vector<1x16xf32>
      tpu.vector_store %arg10[%swap3A, %swap3A_2535], %swap3A_2538 {strides = array<i32>} : memref<128x16xf32, #tpu.memory_space<vmem>>, vector<1x16xf32>,
      %add3A_2539 = arith.addf %add3A_1898, %add3A_2522 : vector<16xf32>
      %mul3A_2540 = arith.constant 2 : i32
      %mul3A_2541 = arith.muli %mul3A_2540, %scan3A_38 : i32
      %add3A_2542 = arith.constant 1 : i32
      %add3A_2543 = arith.addi %mul3A_2541, %add3A_2542 : i32
      %swap3A_2544 = arith.index_cast %add3A_2543 : i32 to index
      %swap3A_2545 = arith.constant 0 : index
      %swap3A_2546 = tpu.vector_load %arg10[%swap3A_2544, %swap3A_2545] {strides = array<i32>} : memref<128x16xf32, #tpu.memory_space<vmem>>, vector<1x16xf32>,
      %swap3A_2547 = vector.shape_cast %swap3A_2546 : vector<1x16xf32> to vector<16xf32>
      %swap3A_2548 = vector.shape_cast %add3A_2539 : vector<16xf32> to vector<1x16xf32>
      tpu.vector_store %arg10[%swap3A_2544, %swap3A_2545], %swap3A_2548 {strides = array<i32>} : memref<128x16xf32, #tpu.memory_space<vmem>>, vector<1x16xf32>,
    }
    %scan3A_35 = arith.constant 64 : i32
    %mul3A_36 = arith.constant 128 : i32
    %mul3A_37 = arith.muli %add3A, %mul3A_36 : i32
    "tpu.region"() ({
      %run_scoped3A = tpu.sem_alloc : memref<!tpu.dma_semaphore, #tpu.memory_space<semaphore_mem>>
      %dma_start3A_38 = arith.constant 0 : i32
      %dma_start3A_39 = tpu.memref_slice %arg4[%mul3A_37, %dma_start3A_38] : memref<4096x16xf32, #tpu.memory_space<hbm>> -> memref<128x16xf32, #tpu.memory_space<hbm>>
      %dma_start3A_40 = arith.constant 0 : i32
      %dma_start3A_41 = tpu.memref_slice %arg4[%mul3A_37, %dma_start3A_40] : memref<4096x16xf32, #tpu.memory_space<hbm>> -> memref<128x16xf32, #tpu.memory_space<hbm>>
      tpu.enqueue_dma source(%arg10 : memref<128x16xf32, #tpu.memory_space<vmem>>) target(%dma_start3A_41 : memref<128x16xf32, #tpu.memory_space<hbm>>) target_semaphore(%run_scoped3A : memref<!tpu.dma_semaphore, #tpu.memory_space<semaphore_mem>>)
      %dma_wait3A = arith.constant 0 : i32
      %dma_wait3A_42 = tpu.memref_slice %arg4[%mul3A_37, %dma_wait3A] : memref<4096x16xf32, #tpu.memory_space<hbm>> -> memref<128x16xf32, #tpu.memory_space<hbm>>
      %dma_wait3A_43 = arith.constant 0 : i32
      %dma_wait3A_44 = tpu.memref_slice %arg4[%mul3A_37, %dma_wait3A_43] : memref<4096x16xf32, #tpu.memory_space<hbm>> -> memref<128x16xf32, #tpu.memory_space<hbm>>
      tpu.wait_dma2 semaphore(%run_scoped3A : memref<!tpu.dma_semaphore, #tpu.memory_space<semaphore_mem>>) src(%arg10 : memref<128x16xf32, #tpu.memory_space<vmem>>) dst(%dma_wait3A_44 : memref<128x16xf32, #tpu.memory_space<hbm>>)
      tpu.yield
    }) : () -> ()
    return
  }
}

module attributes {stable_mosaic.version = 14 : i64} {
  func.func @_mlp_body(%arg0: i32, %arg1: memref<64x16384xf32, #tpu.memory_space<vmem>>, %arg2: memref<100x64xbf16, #tpu.memory_space<vmem>>, %arg3: memref<100x1xf32, #tpu.memory_space<vmem>>, %arg4: memref<100x100xbf16, #tpu.memory_space<vmem>>, %arg5: memref<100x1xf32, #tpu.memory_space<vmem>>, %arg6: memref<100x16xbf16, #tpu.memory_space<vmem>>, %arg7: memref<1x16xf32, #tpu.memory_space<vmem>>, %arg8: memref<2048x128xf32, #tpu.memory_space<vmem>>) attributes {dimension_semantics = [#tpu.dimension_semantics<arbitrary>], iteration_bounds = array<i64: 62>, scalar_prefetch = 0 : i64, scratch_operands = 0 : i64, tpu.core_type = #tpu.core_type<tc>, window_params = [{transform_indices = @transform_0, window_bounds = array<i64: 64, 16384>}, {pipeline_mode = #tpu.pipeline_mode<synchronous>, transform_indices = @transform_1, window_bounds = array<i64: 100, 64>}, {pipeline_mode = #tpu.pipeline_mode<synchronous>, transform_indices = @transform_2, window_bounds = array<i64: 100, 1>}, {pipeline_mode = #tpu.pipeline_mode<synchronous>, transform_indices = @transform_3, window_bounds = array<i64: 100, 100>}, {pipeline_mode = #tpu.pipeline_mode<synchronous>, transform_indices = @transform_4, window_bounds = array<i64: 100, 1>}, {pipeline_mode = #tpu.pipeline_mode<synchronous>, transform_indices = @transform_5, window_bounds = array<i64: 100, 16>}, {pipeline_mode = #tpu.pipeline_mode<synchronous>, transform_indices = @transform_6, window_bounds = array<i64: 1, 16>}, {transform_indices = @transform_7, window_bounds = array<i64: 2048, 128>}]} {
    %get3A = arith.constant 0 : index
    %get3A_0 = arith.constant 0 : index
    %get3A_1 = vector.load %arg1[%get3A, %get3A_0] : memref<64x16384xf32, #tpu.memory_space<vmem>>, vector<64x16384xf32>
    %convert_element_type3A = arith.truncf %get3A_1 : vector<64x16384xf32> to vector<64x16384xbf16>
    %get3A_2 = arith.constant 0 : index
    %get3A_3 = arith.constant 0 : index
    %get3A_4 = vector.load %arg2[%get3A_2, %get3A_3] : memref<100x64xbf16, #tpu.memory_space<vmem>>, vector<100x64xbf16>
    %dot_general3A = arith.constant dense<0.000000e+00> : vector<100x16384xf32>
    %dot_general3A_5 = tpu.matmul %get3A_4, %convert_element_type3A, %dot_general3A {dimension_numbers = #tpu.dot_dimension_numbers<[1], [0], [0], [1], [0, 0, 1, 1], [], []>, transpose_lhs_hint = false} : vector<100x64xbf16>, vector<64x16384xbf16>, vector<100x16384xf32> -> vector<100x16384xf32>
    %get3A_6 = arith.constant 0 : index
    %get3A_7 = arith.constant 0 : index
    %get3A_8 = vector.load %arg3[%get3A_6, %get3A_7] : memref<100x1xf32, #tpu.memory_space<vmem>>, vector<100x1xf32>
    %add3A = vector.broadcast %get3A_8 : vector<100x1xf32> to vector<100x16384xf32>
    %add3A_9 = arith.addf %dot_general3A_5, %add3A : vector<100x16384xf32>
    %tanh3A = math.tanh %add3A_9 : vector<100x16384xf32>
    %get3A_10 = arith.constant 0 : index
    %get3A_11 = arith.constant 0 : index
    %get3A_12 = vector.load %arg4[%get3A_10, %get3A_11] : memref<100x100xbf16, #tpu.memory_space<vmem>>, vector<100x100xbf16>
    %convert_element_type3A_13 = arith.truncf %tanh3A : vector<100x16384xf32> to vector<100x16384xbf16>
    %dot_general3A_14 = arith.constant dense<0.000000e+00> : vector<100x16384xf32>
    %dot_general3A_15 = tpu.matmul %get3A_12, %convert_element_type3A_13, %dot_general3A_14 {dimension_numbers = #tpu.dot_dimension_numbers<[1], [0], [0], [1], [0, 0, 1, 1], [], []>, transpose_lhs_hint = false} : vector<100x100xbf16>, vector<100x16384xbf16>, vector<100x16384xf32> -> vector<100x16384xf32>
    %get3A_16 = arith.constant 0 : index
    %get3A_17 = arith.constant 0 : index
    %get3A_18 = vector.load %arg5[%get3A_16, %get3A_17] : memref<100x1xf32, #tpu.memory_space<vmem>>, vector<100x1xf32>
    %add3A_19 = vector.broadcast %get3A_18 : vector<100x1xf32> to vector<100x16384xf32>
    %add3A_20 = arith.addf %dot_general3A_15, %add3A_19 : vector<100x16384xf32>
    %tanh3A_21 = math.tanh %add3A_20 : vector<100x16384xf32>
    %convert_element_type3A_22 = arith.truncf %tanh3A_21 : vector<100x16384xf32> to vector<100x16384xbf16>
    %slice3A = vector.extract_strided_slice %convert_element_type3A_22 {offsets = [0, 0], sizes = [100, 2048], strides = [1, 1]} : vector<100x16384xbf16> to vector<100x2048xbf16>
    %get3A_23 = arith.constant 0 : index
    %get3A_24 = arith.constant 0 : index
    %get3A_25 = vector.load %arg6[%get3A_23, %get3A_24] : memref<100x16xbf16, #tpu.memory_space<vmem>>, vector<100x16xbf16>
    %dot_general3A_26 = arith.constant dense<0.000000e+00> : vector<2048x16xf32>
    %dot_general3A_27 = tpu.matmul %slice3A, %get3A_25, %dot_general3A_26 {dimension_numbers = #tpu.dot_dimension_numbers<[0], [0], [1], [1], [0, 1, 1, 1], [], []>, transpose_lhs_hint = true} : vector<100x2048xbf16>, vector<100x16xbf16>, vector<2048x16xf32> -> vector<2048x16xf32>
    %get3A_28 = arith.constant 0 : index
    %get3A_29 = arith.constant 0 : index
    %get3A_30 = vector.load %arg7[%get3A_28, %get3A_29] : memref<1x16xf32, #tpu.memory_space<vmem>>, vector<1x16xf32>
    %add3A_31 = vector.broadcast %get3A_30 : vector<1x16xf32> to vector<2048x16xf32>
    %add3A_32 = arith.addf %dot_general3A_27, %add3A_31 : vector<2048x16xf32>
    %swap3A = arith.constant 0 : index
    %swap3A_33 = arith.constant 0 : index
    %swap3A_34 = vector.load %arg8[%swap3A, %swap3A_33] : memref<2048x128xf32, #tpu.memory_space<vmem>>, vector<2048x16xf32>
    tpu.vector_store %arg8[%swap3A, %swap3A_33], %add3A_32 {strides = array<i32>} : memref<2048x128xf32, #tpu.memory_space<vmem>>, vector<2048x16xf32>,
    %slice3A_35 = vector.extract_strided_slice %convert_element_type3A_22 {offsets = [0, 2048], sizes = [100, 2048], strides = [1, 1]} : vector<100x16384xbf16> to vector<100x2048xbf16>
    %get3A_36 = arith.constant 0 : index
    %get3A_37 = arith.constant 0 : index
    %get3A_38 = vector.load %arg6[%get3A_36, %get3A_37] : memref<100x16xbf16, #tpu.memory_space<vmem>>, vector<100x16xbf16>
    %dot_general3A_39 = arith.constant dense<0.000000e+00> : vector<2048x16xf32>
    %dot_general3A_40 = tpu.matmul %slice3A_35, %get3A_38, %dot_general3A_39 {dimension_numbers = #tpu.dot_dimension_numbers<[0], [0], [1], [1], [0, 1, 1, 1], [], []>, transpose_lhs_hint = true} : vector<100x2048xbf16>, vector<100x16xbf16>, vector<2048x16xf32> -> vector<2048x16xf32>
    %get3A_41 = arith.constant 0 : index
    %get3A_42 = arith.constant 0 : index
    %get3A_43 = vector.load %arg7[%get3A_41, %get3A_42] : memref<1x16xf32, #tpu.memory_space<vmem>>, vector<1x16xf32>
    %add3A_44 = vector.broadcast %get3A_43 : vector<1x16xf32> to vector<2048x16xf32>
    %add3A_45 = arith.addf %dot_general3A_40, %add3A_44 : vector<2048x16xf32>
    %swap3A_46 = arith.constant 0 : index
    %swap3A_47 = arith.constant 16 : index
    %swap3A_48 = vector.load %arg8[%swap3A_46, %swap3A_47] : memref<2048x128xf32, #tpu.memory_space<vmem>>, vector<2048x16xf32>
    tpu.vector_store %arg8[%swap3A_46, %swap3A_47], %add3A_45 {strides = array<i32>} : memref<2048x128xf32, #tpu.memory_space<vmem>>, vector<2048x16xf32>,
    %slice3A_49 = vector.extract_strided_slice %convert_element_type3A_22 {offsets = [0, 4096], sizes = [100, 2048], strides = [1, 1]} : vector<100x16384xbf16> to vector<100x2048xbf16>
    %get3A_50 = arith.constant 0 : index
    %get3A_51 = arith.constant 0 : index
    %get3A_52 = vector.load %arg6[%get3A_50, %get3A_51] : memref<100x16xbf16, #tpu.memory_space<vmem>>, vector<100x16xbf16>
    %dot_general3A_53 = arith.constant dense<0.000000e+00> : vector<2048x16xf32>
    %dot_general3A_54 = tpu.matmul %slice3A_49, %get3A_52, %dot_general3A_53 {dimension_numbers = #tpu.dot_dimension_numbers<[0], [0], [1], [1], [0, 1, 1, 1], [], []>, transpose_lhs_hint = true} : vector<100x2048xbf16>, vector<100x16xbf16>, vector<2048x16xf32> -> vector<2048x16xf32>
    %get3A_55 = arith.constant 0 : index
    %get3A_56 = arith.constant 0 : index
    %get3A_57 = vector.load %arg7[%get3A_55, %get3A_56] : memref<1x16xf32, #tpu.memory_space<vmem>>, vector<1x16xf32>
    %add3A_58 = vector.broadcast %get3A_57 : vector<1x16xf32> to vector<2048x16xf32>
    %add3A_59 = arith.addf %dot_general3A_54, %add3A_58 : vector<2048x16xf32>
    %swap3A_60 = arith.constant 0 : index
    %swap3A_61 = arith.constant 32 : index
    %swap3A_62 = vector.load %arg8[%swap3A_60, %swap3A_61] : memref<2048x128xf32, #tpu.memory_space<vmem>>, vector<2048x16xf32>
    tpu.vector_store %arg8[%swap3A_60, %swap3A_61], %add3A_59 {strides = array<i32>} : memref<2048x128xf32, #tpu.memory_space<vmem>>, vector<2048x16xf32>,
    %slice3A_63 = vector.extract_strided_slice %convert_element_type3A_22 {offsets = [0, 6144], sizes = [100, 2048], strides = [1, 1]} : vector<100x16384xbf16> to vector<100x2048xbf16>
    %get3A_64 = arith.constant 0 : index
    %get3A_65 = arith.constant 0 : index
    %get3A_66 = vector.load %arg6[%get3A_64, %get3A_65] : memref<100x16xbf16, #tpu.memory_space<vmem>>, vector<100x16xbf16>
    %dot_general3A_67 = arith.constant dense<0.000000e+00> : vector<2048x16xf32>
    %dot_general3A_68 = tpu.matmul %slice3A_63, %get3A_66, %dot_general3A_67 {dimension_numbers = #tpu.dot_dimension_numbers<[0], [0], [1], [1], [0, 1, 1, 1], [], []>, transpose_lhs_hint = true} : vector<100x2048xbf16>, vector<100x16xbf16>, vector<2048x16xf32> -> vector<2048x16xf32>
    %get3A_69 = arith.constant 0 : index
    %get3A_70 = arith.constant 0 : index
    %get3A_71 = vector.load %arg7[%get3A_69, %get3A_70] : memref<1x16xf32, #tpu.memory_space<vmem>>, vector<1x16xf32>
    %add3A_72 = vector.broadcast %get3A_71 : vector<1x16xf32> to vector<2048x16xf32>
    %add3A_73 = arith.addf %dot_general3A_68, %add3A_72 : vector<2048x16xf32>
    %swap3A_74 = arith.constant 0 : index
    %swap3A_75 = arith.constant 48 : index
    %swap3A_76 = vector.load %arg8[%swap3A_74, %swap3A_75] : memref<2048x128xf32, #tpu.memory_space<vmem>>, vector<2048x16xf32>
    tpu.vector_store %arg8[%swap3A_74, %swap3A_75], %add3A_73 {strides = array<i32>} : memref<2048x128xf32, #tpu.memory_space<vmem>>, vector<2048x16xf32>,
    %slice3A_77 = vector.extract_strided_slice %convert_element_type3A_22 {offsets = [0, 8192], sizes = [100, 2048], strides = [1, 1]} : vector<100x16384xbf16> to vector<100x2048xbf16>
    %get3A_78 = arith.constant 0 : index
    %get3A_79 = arith.constant 0 : index
    %get3A_80 = vector.load %arg6[%get3A_78, %get3A_79] : memref<100x16xbf16, #tpu.memory_space<vmem>>, vector<100x16xbf16>
    %dot_general3A_81 = arith.constant dense<0.000000e+00> : vector<2048x16xf32>
    %dot_general3A_82 = tpu.matmul %slice3A_77, %get3A_80, %dot_general3A_81 {dimension_numbers = #tpu.dot_dimension_numbers<[0], [0], [1], [1], [0, 1, 1, 1], [], []>, transpose_lhs_hint = true} : vector<100x2048xbf16>, vector<100x16xbf16>, vector<2048x16xf32> -> vector<2048x16xf32>
    %get3A_83 = arith.constant 0 : index
    %get3A_84 = arith.constant 0 : index
    %get3A_85 = vector.load %arg7[%get3A_83, %get3A_84] : memref<1x16xf32, #tpu.memory_space<vmem>>, vector<1x16xf32>
    %add3A_86 = vector.broadcast %get3A_85 : vector<1x16xf32> to vector<2048x16xf32>
    %add3A_87 = arith.addf %dot_general3A_82, %add3A_86 : vector<2048x16xf32>
    %swap3A_88 = arith.constant 0 : index
    %swap3A_89 = arith.constant 64 : index
    %swap3A_90 = vector.load %arg8[%swap3A_88, %swap3A_89] : memref<2048x128xf32, #tpu.memory_space<vmem>>, vector<2048x16xf32>
    tpu.vector_store %arg8[%swap3A_88, %swap3A_89], %add3A_87 {strides = array<i32>} : memref<2048x128xf32, #tpu.memory_space<vmem>>, vector<2048x16xf32>,
    %slice3A_91 = vector.extract_strided_slice %convert_element_type3A_22 {offsets = [0, 10240], sizes = [100, 2048], strides = [1, 1]} : vector<100x16384xbf16> to vector<100x2048xbf16>
    %get3A_92 = arith.constant 0 : index
    %get3A_93 = arith.constant 0 : index
    %get3A_94 = vector.load %arg6[%get3A_92, %get3A_93] : memref<100x16xbf16, #tpu.memory_space<vmem>>, vector<100x16xbf16>
    %dot_general3A_95 = arith.constant dense<0.000000e+00> : vector<2048x16xf32>
    %dot_general3A_96 = tpu.matmul %slice3A_91, %get3A_94, %dot_general3A_95 {dimension_numbers = #tpu.dot_dimension_numbers<[0], [0], [1], [1], [0, 1, 1, 1], [], []>, transpose_lhs_hint = true} : vector<100x2048xbf16>, vector<100x16xbf16>, vector<2048x16xf32> -> vector<2048x16xf32>
    %get3A_97 = arith.constant 0 : index
    %get3A_98 = arith.constant 0 : index
    %get3A_99 = vector.load %arg7[%get3A_97, %get3A_98] : memref<1x16xf32, #tpu.memory_space<vmem>>, vector<1x16xf32>
    %add3A_100 = vector.broadcast %get3A_99 : vector<1x16xf32> to vector<2048x16xf32>
    %add3A_101 = arith.addf %dot_general3A_96, %add3A_100 : vector<2048x16xf32>
    %swap3A_102 = arith.constant 0 : index
    %swap3A_103 = arith.constant 80 : index
    %swap3A_104 = vector.load %arg8[%swap3A_102, %swap3A_103] : memref<2048x128xf32, #tpu.memory_space<vmem>>, vector<2048x16xf32>
    tpu.vector_store %arg8[%swap3A_102, %swap3A_103], %add3A_101 {strides = array<i32>} : memref<2048x128xf32, #tpu.memory_space<vmem>>, vector<2048x16xf32>,
    %slice3A_105 = vector.extract_strided_slice %convert_element_type3A_22 {offsets = [0, 12288], sizes = [100, 2048], strides = [1, 1]} : vector<100x16384xbf16> to vector<100x2048xbf16>
    %get3A_106 = arith.constant 0 : index
    %get3A_107 = arith.constant 0 : index
    %get3A_108 = vector.load %arg6[%get3A_106, %get3A_107] : memref<100x16xbf16, #tpu.memory_space<vmem>>, vector<100x16xbf16>
    %dot_general3A_109 = arith.constant dense<0.000000e+00> : vector<2048x16xf32>
    %dot_general3A_110 = tpu.matmul %slice3A_105, %get3A_108, %dot_general3A_109 {dimension_numbers = #tpu.dot_dimension_numbers<[0], [0], [1], [1], [0, 1, 1, 1], [], []>, transpose_lhs_hint = true} : vector<100x2048xbf16>, vector<100x16xbf16>, vector<2048x16xf32> -> vector<2048x16xf32>
    %get3A_111 = arith.constant 0 : index
    %get3A_112 = arith.constant 0 : index
    %get3A_113 = vector.load %arg7[%get3A_111, %get3A_112] : memref<1x16xf32, #tpu.memory_space<vmem>>, vector<1x16xf32>
    %add3A_114 = vector.broadcast %get3A_113 : vector<1x16xf32> to vector<2048x16xf32>
    %add3A_115 = arith.addf %dot_general3A_110, %add3A_114 : vector<2048x16xf32>
    %swap3A_116 = arith.constant 0 : index
    %swap3A_117 = arith.constant 96 : index
    %swap3A_118 = vector.load %arg8[%swap3A_116, %swap3A_117] : memref<2048x128xf32, #tpu.memory_space<vmem>>, vector<2048x16xf32>
    tpu.vector_store %arg8[%swap3A_116, %swap3A_117], %add3A_115 {strides = array<i32>} : memref<2048x128xf32, #tpu.memory_space<vmem>>, vector<2048x16xf32>,
    %slice3A_119 = vector.extract_strided_slice %convert_element_type3A_22 {offsets = [0, 14336], sizes = [100, 2048], strides = [1, 1]} : vector<100x16384xbf16> to vector<100x2048xbf16>
    %get3A_120 = arith.constant 0 : index
    %get3A_121 = arith.constant 0 : index
    %get3A_122 = vector.load %arg6[%get3A_120, %get3A_121] : memref<100x16xbf16, #tpu.memory_space<vmem>>, vector<100x16xbf16>
    %dot_general3A_123 = arith.constant dense<0.000000e+00> : vector<2048x16xf32>
    %dot_general3A_124 = tpu.matmul %slice3A_119, %get3A_122, %dot_general3A_123 {dimension_numbers = #tpu.dot_dimension_numbers<[0], [0], [1], [1], [0, 1, 1, 1], [], []>, transpose_lhs_hint = true} : vector<100x2048xbf16>, vector<100x16xbf16>, vector<2048x16xf32> -> vector<2048x16xf32>
    %get3A_125 = arith.constant 0 : index
    %get3A_126 = arith.constant 0 : index
    %get3A_127 = vector.load %arg7[%get3A_125, %get3A_126] : memref<1x16xf32, #tpu.memory_space<vmem>>, vector<1x16xf32>
    %add3A_128 = vector.broadcast %get3A_127 : vector<1x16xf32> to vector<2048x16xf32>
    %add3A_129 = arith.addf %dot_general3A_124, %add3A_128 : vector<2048x16xf32>
    %swap3A_130 = arith.constant 0 : index
    %swap3A_131 = arith.constant 112 : index
    %swap3A_132 = vector.load %arg8[%swap3A_130, %swap3A_131] : memref<2048x128xf32, #tpu.memory_space<vmem>>, vector<2048x16xf32>
    tpu.vector_store %arg8[%swap3A_130, %swap3A_131], %add3A_129 {strides = array<i32>} : memref<2048x128xf32, #tpu.memory_space<vmem>>, vector<2048x16xf32>,
    return
  }
  func.func @transform_0(%arg0: i32) -> (i32, i32) {
    %c0_i32 = arith.constant 0 : i32
    %c0_i32_0 = arith.constant 0 : i32
    return %c0_i32, %arg0 : i32, i32
  }
  func.func @transform_1(%arg0: i32) -> (i32, i32) {
    %c0_i32 = arith.constant 0 : i32
    %c0_i32_0 = arith.constant 0 : i32
    %c0_i32_1 = arith.constant 0 : i32
    return %c0_i32, %c0_i32_0 : i32, i32
  }
  func.func @transform_2(%arg0: i32) -> (i32, i32) {
    %c0_i32 = arith.constant 0 : i32
    %c0_i32_0 = arith.constant 0 : i32
    %c0_i32_1 = arith.constant 0 : i32
    return %c0_i32, %c0_i32_0 : i32, i32
  }
  func.func @transform_3(%arg0: i32) -> (i32, i32) {
    %c0_i32 = arith.constant 0 : i32
    %c0_i32_0 = arith.constant 0 : i32
    %c0_i32_1 = arith.constant 0 : i32
    return %c0_i32, %c0_i32_0 : i32, i32
  }
  func.func @transform_4(%arg0: i32) -> (i32, i32) {
    %c0_i32 = arith.constant 0 : i32
    %c0_i32_0 = arith.constant 0 : i32
    %c0_i32_1 = arith.constant 0 : i32
    return %c0_i32, %c0_i32_0 : i32, i32
  }
  func.func @transform_5(%arg0: i32) -> (i32, i32) {
    %c0_i32 = arith.constant 0 : i32
    %c0_i32_0 = arith.constant 0 : i32
    %c0_i32_1 = arith.constant 0 : i32
    return %c0_i32, %c0_i32_0 : i32, i32
  }
  func.func @transform_6(%arg0: i32) -> (i32, i32) {
    %c0_i32 = arith.constant 0 : i32
    %c0_i32_0 = arith.constant 0 : i32
    %c0_i32_1 = arith.constant 0 : i32
    return %c0_i32, %c0_i32_0 : i32, i32
  }
  func.func @transform_7(%arg0: i32) -> (i32, i32) {
    %c0_i32 = arith.constant 0 : i32
    %c0_i32_0 = arith.constant 0 : i32
    return %arg0, %c0_i32 : i32, i32
  }
}

</mosaic_0001>

<sc_bundles>
// kernel: kernel.4.cloned.1.call-start
scs
__scs_entry_jumppad:
0x0: {  	(pc) =	sbr.rel $0x88, $3  }
0x1: {  	(tag) =	ssettag $0x0;
	lr =	simm.s32 $0x1  }
0x2: {  	[smem:$0x3F99] =	sst lr;
	_ =	strace $0xD0000000  }
0x3: {  	_ = 	snop  }
0x4: {  	_ = 	snop  }
0x5: {  	_ = 	snop  }
0x6: {  	_ = 	snop  }
0x7: {  	_ = 	snop  }
__scs_overlays_trampoline_lowered:
0x8: {  	[smem:$0x3FA8] =	sst s0  }
0x9: {  	[smem:$0x3FA9] =	sst s1  }
0xa: {  	[smem:$0x3FAA] =	sst s2  }
0xb: {  	[smem:$0x3FAB] =	sst s3  }
0xc: {  	[smem:$0x3FAC] =	sst s4  }
0xd: {  	[smem:$0x3FAD] =	sst s5  }
0xe: {  	[smem:$0x3FAE] =	sst s6  }
0xf: {  	[smem:$0x3FAF] =	sst s7  }
0x10: {  	[smem:$0x3FB0] =	sst s8  }
0x11: {  	[smem:$0x3FB1] =	sst s9;
	s0 =	simm.s32 @!p0 $0x0  }
0x12: {  	s1 =	sld [smem:$0x3F97];
	s0 =	simm.s32 @p0 $0x1  }
0x13: {  	[smem:$0x3FB2] =	sst s0;
	s0 =	simm.s32 @!p1 $0x0  }
0x14: {  	s2 =	sld [smem:$0x3F96];
	s0 =	simm.s32 @p1 $0x1  }
0x15: {  	[smem:$0x3FB3] =	sst s0;
	s0 =	simm.s32 @!p2 $0x0  }
0x16: {  	s3 =	sld [smem:$0x3FDB];
	s0 =	simm.s32 @p2 $0x1  }
0x17: {  	s4 =	simm.s32 $0x1BF5;
	[smem:$0x3FB5] =	sst s0  }
0x18: {  	s0 =	sld [smem:$0x3F98];
	_ =	swait.ge [sflag:s4], $0x0  }
0x19: {  	s7 =	sld [smem:$0x3F99]  }
0x1a: {  	s8 =	sadd.s32 $0xFFFFE003, lr  }
0x1b: {  	s9 =	sadd.s32 $0xFFFFFEF7, lr;
	s5 =	simm.s32 $0xFFFFFFFF;
	p2 =	slt.u32 s8, $0xFFFFF086  }
0x1c: {  	p1 =	slt.u32 s9, $0xF7A;
	s5 =	simm.s32 @!p2 $0x0  }
0x1d: {  	s5 =	simm.s32 @p1 $0x1;
	p0 =	seq.s32 s7, s2  }
0x1e: {  	s7 =	smul.u32 @!p0 $0xF7A, s2;
	p2 =	seq.s32 @!p0 s5, $0x0  }
0x1f: {  	s9 =	smul.u32 $0xF7A, s1;
	s8 =	simm.s32 @!p0 $0x1BF5;
	p2 =	por !p2, p0  }
0x20: {  	[sflag:s8] =	ssyncset.s32 @!p0 $0xFFFFF086;
	s6 =	sadd.s32 @!p0 s3, s7;
	s7 =	simm.s32 @!p0 $0x108  }
0x21: {  	s3 =	sadd.s32 s3, s9;
	s6 =	sadd.s32 @!p0 $0x88, s6;
	s7 =	simm.s32 @p2 $0x1082  }
0x22: {  	[simem:s7], [sflag:s8] =	dma.local @!p0 [hbm:s6], $0xF7A  }
0x23: {  	s9 =	sor.u32 $0xD0000000, s2;
	s6 =	simm.s32 $0x108;
	_ =	swait.ge @!p0 [sflag:s8], $0x0  }
0x24: {  	s3 =	sadd.s32 $0x88, s3;
	s6 =	simm.s32 @!p1 $0x1082;
	[sflag:s4] =	ssyncset.s32 $0xFFFFF086  }
0x25: {  	[simem:s6], [sflag:s4] =	dma.local [hbm:s3], $0xF7A  }
0x26: {  	[smem:$0x3F99] =	sst s1;
	(tag) =	ssettag s2;
	_ =	strace s9  }
0x27: {  	s1 =	sld [smem:$0x3FA9]  }
0x28: {  	s2 =	sld [smem:$0x3FAA]  }
0x29: {  	s4 =	sld [smem:$0x3FAC]  }
0x2a: {  	p0 =	seq.s32 s5, $0x0;
	s5 =	sld [smem:$0x3FAD]  }
0x2b: {  	s6 =	sld [smem:$0x3FAE]  }
0x2c: {  	s7 =	sld [smem:$0x3FAF]  }
0x2d: {  	s3 =	simm.s32 $0x108;
	s8 =	sld [smem:$0x3FB0]  }
0x2e: {  	s3 =	simm.s32 @!p0 $0x1082;
	s9 =	sld [smem:$0x3FB1]  }
0x2f: {  	lr =	sadd.s32 s0, s3;
	s0 =	sld [smem:$0x3FA8]  }
0x30: {  	s3 =	sld [smem:$0x3FAB]  }
0x31: {  	[smem:$0x3FB4] =	sst s10  }
0x32: {  	s10 =	sld [smem:$0x3FB2];
	_ =	sdelay $0x3  }
0x33: {  	p0 =	seq.s32 s10, $0x1;
	s10 =	sld [smem:$0x3FB4];
	_ =	sdelay $0x3  }
0x34: {  	[smem:$0x3FB4] =	sst s10  }
0x35: {  	s10 =	sld [smem:$0x3FB3];
	_ =	sdelay $0x3  }
0x36: {  	p1 =	seq.s32 s10, $0x1;
	s10 =	sld [smem:$0x3FB4];
	_ =	sdelay $0x3  }
0x37: {  	[smem:$0x3FB4] =	sst s10  }
0x38: {  	s10 =	sld [smem:$0x3FB5]  }
0x39: {  	_ = 	snop;
	(pc) =	sbr.ind lr, $3  }
0x3a: {  	_ = 	snop  }
0x3b: {  	_ = 	snop  }
0x3c: {  	p2 =	seq.s32 s10, $0x1;
	s10 =	sld [smem:$0x3FB4]  }
0x3d: {  	_ =	shalt  }
0x3e: {  	_ =	shalt  }
0x3f: {  	_ =	shalt  }
0x40: {  	_ =	shalt  }
0x41: {  	_ =	shalt  }
0x42: {  	_ =	shalt  }
0x43: {  	_ =	shalt  }
0x44: {  	_ =	shalt  }
0x45: {  	_ =	shalt  }
0x46: {  	_ =	shalt  }
0x47: {  	_ =	shalt  }
0x48: {  	_ =	shalt  }
0x49: {  	_ =	shalt  }
0x4a: {  	_ =	shalt  }
0x4b: {  	_ =	shalt  }
0x4c: {  	_ =	shalt  }
0x4d: {  	_ =	shalt  }
0x4e: {  	_ =	shalt  }
0x4f: {  	_ =	shalt  }
0x50: {  	_ =	shalt  }
0x51: {  	_ =	shalt  }
0x52: {  	_ =	shalt  }
0x53: {  	_ =	shalt  }
0x54: {  	_ =	shalt  }
0x55: {  	_ =	shalt  }
0x56: {  	_ =	shalt  }
0x57: {  	_ =	shalt  }
0x58: {  	_ =	shalt  }
0x59: {  	_ =	shalt  }
0x5a: {  	_ =	shalt  }
0x5b: {  	_ =	shalt  }
0x5c: {  	_ =	shalt  }
0x5d: {  	_ =	shalt  }
0x5e: {  	_ =	shalt  }
0x5f: {  	_ =	shalt  }
0x60: {  	_ =	shalt  }
0x61: {  	_ =	shalt  }
0x62: {  	_ =	shalt  }
0x63: {  	_ =	shalt  }
0x64: {  	_ =	shalt  }
0x65: {  	_ =	shalt  }
0x66: {  	_ =	shalt  }
0x67: {  	_ =	shalt  }
0x68: {  	_ =	shalt  }
0x69: {  	_ =	shalt  }
0x6a: {  	_ =	shalt  }
0x6b: {  	_ =	shalt  }
0x6c: {  	_ =	shalt  }
0x6d: {  	_ =	shalt  }
0x6e: {  	_ =	shalt  }
0x6f: {  	_ =	shalt  }
0x70: {  	_ =	shalt  }
0x71: {  	_ =	shalt  }
0x72: {  	_ =	shalt  }
0x73: {  	_ =	shalt  }
0x74: {  	_ =	shalt  }
0x75: {  	_ =	shalt  }
0x76: {  	_ =	shalt  }
0x77: {  	_ =	shalt  }
0x78: {  	_ =	shalt  }
0x79: {  	_ =	shalt  }
0x7a: {  	_ =	shalt  }
0x7b: {  	_ =	shalt  }
0x7c: {  	_ =	shalt  }
0x7d: {  	_ =	shalt  }
0x7e: {  	_ =	shalt  }
0x7f: {  	_ =	shalt  }
0x80: {  	_ =	shalt  }
0x81: {  	_ =	shalt  }
0x82: {  	_ =	shalt  }
0x83: {  	_ =	shalt  }
0x84: {  	_ =	shalt  }
0x85: {  	_ =	shalt  }
0x86: {  	_ =	shalt  }
0x87: {  	_ =	shalt  }
.Lfunc_end0:
.L_simem_size_0:
called_computation_lowered:
.L_overlay_start_0:
0x88: {  	s2 =	sld [smem:$0x3FD9]  }
0x89: {  	s3 =	sld [smem:$0x3FFE];
	_ =	sdelay $0x1  }
0x8a: {  	s1 =	srdreg.scid  }
0x8b: {  	s0 =	sand.u32 $0x1, s1  }
0x8c: {  	s16 =	sshll.u32 s0, $0xA;
	s2 =	sadd.s32 s3, s2  }
0x8d: {  	s2 =	sadd.s32 s2, s16  }
0x8e: {  	[smem:$0x3FC0] =	sst s2  }
0x8f: {  	_ = 	snop  }
0x90: {  	(tm) =	ssettm $0x1  }
0x91: {  	s17 =	sld [smem:$0x3FFB];
	_ =	sdelay $0x3  }
0x92: {  	_ =	strace s17  }
0x93: {  	s2 =	sld [smem:$0x3FFC];
	_ =	sdelay $0x3  }
0x94: {  	_ =	strace s2  }
0x95: {  	s2 =	sld [smem:$0x3FFD];
	_ =	sdelay $0x3  }
0x96: {  	_ =	strace s2  }
0x97: {  	_ =	strace $0x8FFFFFFF  }
0x98: {  	s18 =	sld [smem:$0x3FDB];
	_ =	sdelay $0x1  }
0x99: {  	s19 =	simm.s32 $_scs_section_size  }
0x9a: {  	s4 =	simm.s32 $_size__tile_overlayer_lowered;
	s5 =	simm.s32 $_tile_overlayer_lowered  }
0x9b: {  	s22 =	simm.s32 $0x1BFF;
	s21 =	sshll.u32 s5, $0x1;
	s2 =	sadd.s32 s19, s18  }
0x9c: {  	s6 =	simm.s32 $0x0;
	s20 =	sshll.u32 s4, $0x1;
	s4 =	sadd.s32 s21, s2  }
0x9d: {  	[timem:s6], [sflag:s22] =	dma.local [hbm:s4], s20  }
0x9e: {  	_ =	swait.ge [sflag:s22], s20  }
0x9f: {  	s3 =	ssub.s32 $0x0, s20;
	[sflag:s22] =	ssyncset.done $0x0  }
0xa0: {  	[sflag:s22] =	ssyncadd.s32 s3;
	_ =	sdelay $0x1  }
0xa1: {  	s23 =	simm.s32 $0x1B8B  }
0xa2: {  	_ =	swait.ge [sflag:s23], $0x1  }
0xa3: {  	[sflag:s23] =	ssyncset.done $0x0  }
0xa4: {  	s25 =	simm.s32 $0x1B8E;
	s24 =	sld [smem:$0x3FFE];
	[sflag:s23] =	ssyncadd.s32 $0xFFFFFFFF  }
0xa5: {  	s26 =	simm.s32 $execute0_lowered;
	[smem:$0x3FD2] =	sst s25  }
0xa6: {  	s4 =	sshll.u32 s26, $0x1;
	_ =	strace $0x80000046;
	[dreg:$0x1] =	wrdreg $0xFFFFFFFF  }
0xa7: {  	s28 =	simm.s32 $_size_execute0_lowered;
	s2 =	sadd.s32 s2, s4;
	[dreg:$0x0] =	wrdreg $0x0  }
0xa8: {  	s4 =	sshll.u32 s28, $0x1;
	[dreg:$0x2] =	wrdreg s2  }
0xa9: {  	[dreg:$0x3] =	wrdreg s4  }
0xaa: {  	[dreg:$0x4] =	wrdreg $0xC0  }
0xab: {  	_ =	task [dreg:s6], $0x5FFFF  }
0xac: {  	[dreg:$0x1] =	wrdreg $0xFFFFFFFF  }
0xad: {  	[dreg:$0x0] =	wrdreg $0x60  }
0xae: {  	[dreg:$0x2] =	wrdreg s24  }
0xaf: {  	[dreg:$0x3] =	wrdreg $0x9  }
0xb0: {  	_ =	task.clear_ibuf [dreg:s6], $0x4FFFF;
	_ =	strace $0x90000046  }
0xb1: {  	s29 =	simm.s32 $0x9;
	_ =	strace $0x80000048  }
0xb2: {  	_ =	swait.ge [sflag:s29], $0x1  }
0xb3: {  	[sflag:s29] =	ssyncadd.s32 $0xFFFFFFFF  }
0xb4: {  	_ =	strace $0x90000048  }
0xb5: {  	_ =	sfence  }
0xb6: {  	s30 =	sld [smem:$0x0];
	_ =	sdelay $0x2  }
0xb7: {  	s31 =	sshll.u32 s1, $0xD;
	s1 =	sshrl.u32 s1, $0x2  }
0xb8: {  	s3 =	sand.u32 $0x4000, s31;
	s1 =	sadd.s32 s1, s30  }
0xb9: {  	s0 =	sor.u32 s3, s0;
	s1 =	sshll.u32 s1, $0x11  }
0xba: {  	s0 =	sor.u32 s1, s0  }
0xbb: {  	s0 =	sadd.s32 $0x8F2B, s0  }
0xbc: {  	[sflag:s0] =	ssyncadd.remote.s32 $0x1  }
0xbd: {  	_ =	sfence.sel $0xFFFF  }
0xbe: {  	[dreg:$0x0] =	wrdreg $0xFFFFFFFF;
	(pc) =	sbr.abs _section_cstart, $3  }
0xbf: {  	[dreg:$0x1] =	wrdreg $0xFFFFFFFF  }
0xc0: {  	_ =	task.clear_ibuf [dreg:s6], $0x2FFFF;
	_ =	strace $0x9FFFFFFF  }
0xc1: {  	(tm) =	ssettm $0x7FFFFFFF  }
tec
execute0_lowered:
.L_overlay_start_1:
0x0: {  	(tag) =	ssettag $0x1  }
0x1: {  	s4 =	rddreg [dreg:$0x0]  }
0x2: {  	s0 =	rddreg [dreg:$0x1];
	s3 =	srdreg.scid  }
0x3: {  	s1 =	stileid.u32;
	s2 =	simm.s32 $0x0;
	s9 =	simm.s32 $0x6800  }
0x4: {  	s10 =	simm.s32 $0x68;
	s11 =	simm.s32 $0x6E40;
	s12 =	simm.s32 $0xD0  }
0x5: {  	s13 =	simm.s32 $0x7480;
	s14 =	simm.s32 $0x138;
	s15 =	simm.s32 $0x7AC0  }
0x6: {  	s16 =	simm.s32 $0x1;
	s17 =	simm.s32 $0x2;
	s18 =	simm.s32 $0x3  }
0x7: {  	s19 =	simm.s32 $0x4;
	s20 =	simm.s32 $0x8100;
	s21 =	simm.s32 $0x0  }
0x8: {  	s3 =	sand.u32 $0x1, s3;
	s5 =	sshll.u32 s1, $0x1;
	[smem:$0x7FF] =	sst s2  }
0x9: {  	s5 =	sor.u32 s3, s5;
	_ =	strace $0x80000047;
	s7 =	ssub.s32 $0x2, s3  }
0xa: {  	s6 =	smul.u32 $0xD00, s5;
	s5 =	sshll.u32 s5, $0x8;
	s8 =	sshrl.u32 s7, $0x1  }
0xb: {  	s3 =	sadd.s32 $0x1A200, s4;
	s5 =	sadd.s32 s5, s4;
	s7 =	ssub.s32 s7, s8  }
0xc: {  	s8 =	simm.s32 $0x64;
	s6 =	sadd.s32 s6, s4;
	s5 =	sadd.s32 $0x20A200, s5  }
0xd: {  	s4 =	sadd.s32 $0x200, s6;
	s6 =	smax.u32 s7, $0x1;
	s7 =	simm.s32 $0x5  }
.LBB2_1:
0xe: {  	[tilespmem:s2], [sflag:$0x5] =	stream.linear.gather [hbm4b:s4+s2], $0x6800, $0x38;
	[tilespmem:$0x8900] =	vst v63  }
0xf: {  	_ =	swait.ge [sflag:s7], $0x6800  }
0x10: {  	[sflag:s7] =	ssyncset.done $0x0  }
0x11: {  	[sflag:s7] =	ssyncadd.s32 $0xFFFF9800  }
0x12: {  	[tilespmem:s9], [sflag:$0x1] =	stream.indirect.gather [hbm4b:s3+s8], $0x10, s2, s8, $0xb8;
	[tilespmem:$0x8900] =	vst v63  }
0x13: {  	_ = 	snop  }
0x14: {  	[tilespmem:s11], [sflag:$0x2] =	stream.indirect.gather [hbm4b:s3+s8], $0x10, s10, s8, $0xb8;
	[tilespmem:$0x8900] =	vst v63  }
0x15: {  	_ = 	snop  }
0x16: {  	[tilespmem:s13], [sflag:$0x3] =	stream.indirect.gather [hbm4b:s3+s8], $0x10, s12, s8, $0xb8;
	[tilespmem:$0x8900] =	vst v63  }
0x17: {  	s22 =	simm.s32 $0x8110;
	s23 =	simm.s32 $0x0  }
0x18: {  	[tilespmem:s15], [sflag:$0x4] =	stream.indirect.gather [hbm4b:s3+s8], $0x10, s14, s8, $0xb8;
	[tilespmem:$0x8900] =	vst v63  }
.LBB2_2:
0x19: {  	_ =	swait.ge [sflag:s16], $0x640  }
0x1a: {  	[sflag:s16] =	ssyncset.done $0x0  }
0x1b: {  	[sflag:s16] =	ssyncadd.s32 $0xFFFFF9C0  }
0x1c: {  	v61 =	vld [tilespmem:$0x6BF0];
	_ =	sdelay $0x4  }
0x1d: {  	[tilespmem:$0x1F2F0] =	vst v61;
	v61 =	vld [tilespmem:$0x6C00];
	_ =	sdelay $0x4  }
0x1e: {  	[tilespmem:$0x1F300] =	vst v61;
	v61 =	vld [tilespmem:$0x6C10];
	_ =	sdelay $0x4  }
0x1f: {  	[tilespmem:$0x1F310] =	vst v61;
	v61 =	vld [tilespmem:$0x6C20];
	_ =	sdelay $0x4  }
0x20: {  	[tilespmem:$0x1F320] =	vst v61;
	v61 =	vld [tilespmem:$0x6C30];
	_ =	sdelay $0x4  }
0x21: {  	[tilespmem:$0x1F330] =	vst v61;
	v61 =	vld [tilespmem:$0x6C40];
	_ =	sdelay $0x4  }
0x22: {  	[tilespmem:$0x1F340] =	vst v61;
	v61 =	vld [tilespmem:$0x6C50];
	_ =	sdelay $0x4  }
0x23: {  	[tilespmem:$0x1F350] =	vst v61;
	v61 =	vld [tilespmem:$0x6C60];
	_ =	sdelay $0x4  }
0x24: {  	[tilespmem:$0x1F360] =	vst v61;
	v61 =	vld [tilespmem:$0x6C70];
	_ =	sdelay $0x4  }
0x25: {  	[tilespmem:$0x1F370] =	vst v61;
	v61 =	vld [tilespmem:$0x6C80];
	_ =	sdelay $0x4  }
0x26: {  	[tilespmem:$0x1F380] =	vst v61;
	v61 =	vld [tilespmem:$0x6C90];
	_ =	sdelay $0x4  }
0x27: {  	[tilespmem:$0x1F390] =	vst v61;
	v61 =	vld [tilespmem:$0x6CA0];
	_ =	sdelay $0x4  }
0x28: {  	[tilespmem:$0x1F3A0] =	vst v61;
	v61 =	vld [tilespmem:$0x6CB0];
	_ =	sdelay $0x4  }
0x29: {  	[tilespmem:$0x1F3B0] =	vst v61;
	v61 =	vld [tilespmem:$0x6CC0];
	_ =	sdelay $0x4  }
0x2a: {  	[tilespmem:$0x1F3C0] =	vst v61;
	v61 =	vld [tilespmem:$0x6CD0];
	_ =	sdelay $0x4  }
0x2b: {  	[tilespmem:$0x1F3D0] =	vst v61;
	v61 =	vld [tilespmem:$0x6CE0];
	_ =	sdelay $0x4  }
0x2c: {  	[tilespmem:$0x1F3E0] =	vst v61;
	v61 =	vld [tilespmem:$0x6CF0];
	_ =	sdelay $0x4  }
0x2d: {  	[tilespmem:$0x1F3F0] =	vst v61;
	v61 =	vld [tilespmem:$0x6D00];
	_ =	sdelay $0x4  }
0x2e: {  	[tilespmem:$0x1F400] =	vst v61;
	v61 =	vld [tilespmem:$0x6D10];
	_ =	sdelay $0x4  }
0x2f: {  	[tilespmem:$0x1F410] =	vst v61;
	v61 =	vld [tilespmem:$0x6D20];
	_ =	sdelay $0x4  }
0x30: {  	[tilespmem:$0x1F420] =	vst v61;
	v61 =	vld [tilespmem:$0x6D30];
	_ =	sdelay $0x4  }
0x31: {  	[tilespmem:$0x1F430] =	vst v61;
	v61 =	vld [tilespmem:$0x6D40];
	_ =	sdelay $0x1  }
0x32: {  	v4 =	vld [tilespmem:$0x6800]  }
0x33: {  	v5 =	vld [tilespmem:$0x6810]  }
0x34: {  	v6 =	vld [tilespmem:$0x6820]  }
0x35: {  	[tilespmem:$0x1F440] =	vst v61;
	v61 =	vld [tilespmem:$0x6D50]  }
0x36: {  	v7 =	vld [tilespmem:$0x6830]  }
0x37: {  	v12 =	vld [tilespmem:$0x6840]  }
0x38: {  	v13 =	vld [tilespmem:$0x6850]  }
0x39: {  	v16 =	vld [tilespmem:$0x6860]  }
0x3a: {  	[tilespmem:$0x1F450] =	vst v61;
	v61 =	vld [tilespmem:$0x6D60]  }
0x3b: {  	v17 =	vld [tilespmem:$0x6870]  }
0x3c: {  	v0 =	vld [tilespmem:$0x6880]  }
0x3d: {  	v1 =	vld [tilespmem:$0x6890]  }
0x3e: {  	v2 =	vld [tilespmem:$0x68A0]  }
0x3f: {  	[tilespmem:$0x1F460] =	vst v61;
	v61 =	vld [tilespmem:$0x6D70]  }
0x40: {  	v3 =	vld [tilespmem:$0x68B0]  }
0x41: {  	v8 =	vld [tilespmem:$0x68C0]  }
0x42: {  	v9 =	vld [tilespmem:$0x68D0]  }
0x43: {  	v10 =	vld [tilespmem:$0x68E0]  }
0x44: {  	[tilespmem:$0x1F470] =	vst v61;
	v61 =	vld [tilespmem:$0x6D80]  }
0x45: {  	v11 =	vld [tilespmem:$0x68F0]  }
0x46: {  	v14 =	vld [tilespmem:$0x6900]  }
0x47: {  	v15 =	vld [tilespmem:$0x6910]  }
0x48: {  	v18 =	vld [tilespmem:$0x6920]  }
0x49: {  	[tilespmem:$0x1F480] =	vst v61;
	v61 =	vld [tilespmem:$0x6D90]  }
0x4a: {  	v19 =	vld [tilespmem:$0x6930]  }
0x4b: {  	v20 =	vld [tilespmem:$0x6940]  }
0x4c: {  	v21 =	vld [tilespmem:$0x6950]  }
0x4d: {  	v22 =	vld [tilespmem:$0x6960]  }
0x4e: {  	[tilespmem:$0x1F490] =	vst v61;
	v61 =	vld [tilespmem:$0x6DA0]  }
0x4f: {  	v23 =	vld [tilespmem:$0x6970]  }
0x50: {  	v24 =	vld [tilespmem:$0x6980]  }
0x51: {  	v25 =	vld [tilespmem:$0x6990]  }
0x52: {  	v26 =	vld [tilespmem:$0x69A0]  }
0x53: {  	[tilespmem:$0x1F4A0] =	vst v61;
	v61 =	vld [tilespmem:$0x6DB0]  }
0x54: {  	v27 =	vld [tilespmem:$0x69B0]  }
0x55: {  	v28 =	vld [tilespmem:$0x69C0]  }
0x56: {  	v29 =	vld [tilespmem:$0x69D0]  }
0x57: {  	v30 =	vld [tilespmem:$0x69E0]  }
0x58: {  	[tilespmem:$0x1F4B0] =	vst v61;
	v61 =	vld [tilespmem:$0x6DC0]  }
0x59: {  	v31 =	vld [tilespmem:$0x69F0]  }
0x5a: {  	v32 =	vld [tilespmem:$0x6A00]  }
0x5b: {  	v33 =	vld [tilespmem:$0x6A10]  }
0x5c: {  	v34 =	vld [tilespmem:$0x6A20]  }
0x5d: {  	[tilespmem:$0x1F4C0] =	vst v61;
	v61 =	vld [tilespmem:$0x6DD0]  }
0x5e: {  	v35 =	vld [tilespmem:$0x6A30]  }
0x5f: {  	v36 =	vld [tilespmem:$0x6A40]  }
0x60: {  	v37 =	vld [tilespmem:$0x6A50]  }
0x61: {  	v38 =	vld [tilespmem:$0x6A60]  }
0x62: {  	[tilespmem:$0x1F4D0] =	vst v61;
	v61 =	vld [tilespmem:$0x6DE0]  }
0x63: {  	v39 =	vld [tilespmem:$0x6A70]  }
0x64: {  	v40 =	vld [tilespmem:$0x6A80]  }
0x65: {  	v41 =	vld [tilespmem:$0x6A90]  }
0x66: {  	v42 =	vld [tilespmem:$0x6AA0]  }
0x67: {  	[tilespmem:$0x1F520] =	vst v61;
	v61 =	vld [tilespmem:$0x6DF0]  }
0x68: {  	v43 =	vld [tilespmem:$0x6AB0]  }
0x69: {  	v44 =	vld [tilespmem:$0x6AC0]  }
0x6a: {  	v45 =	vld [tilespmem:$0x6AD0]  }
0x6b: {  	v46 =	vld [tilespmem:$0x6AE0]  }
0x6c: {  	[tilespmem:$0x1F530] =	vst v61;
	v61 =	vld [tilespmem:$0x6E00]  }
0x6d: {  	v47 =	vld [tilespmem:$0x6AF0]  }
0x6e: {  	v48 =	vld [tilespmem:$0x6B00]  }
0x6f: {  	v49 =	vld [tilespmem:$0x6B10]  }
0x70: {  	v50 =	vld [tilespmem:$0x6B20]  }
0x71: {  	[tilespmem:$0x1F4E0] =	vst v61;
	v61 =	vld [tilespmem:$0x6E10]  }
0x72: {  	v51 =	vld [tilespmem:$0x6B30]  }
0x73: {  	v52 =	vld [tilespmem:$0x6B40]  }
0x74: {  	v53 =	vld [tilespmem:$0x6B50]  }
0x75: {  	v54 =	vld [tilespmem:$0x6B60]  }
0x76: {  	[tilespmem:$0x1F4F0] =	vst v61;
	v61 =	vld [tilespmem:$0x6E20]  }
0x77: {  	v55 =	vld [tilespmem:$0x6B70]  }
0x78: {  	v56 =	vld [tilespmem:$0x6B80]  }
0x79: {  	v57 =	vld [tilespmem:$0x6B90]  }
0x7a: {  	v58 =	vld [tilespmem:$0x6BA0]  }
0x7b: {  	[tilespmem:$0x1F500] =	vst v61;
	v61 =	vld [tilespmem:$0x6E30]  }
0x7c: {  	p0 =	seq.s32 s23, $0x19980;
	v59 =	vld [tilespmem:$0x6BB0]  }
0x7d: {  	s24 =	sshra.s32 @!p0 s23, $0x2;
	v62 =	vld [tilespmem:$0x6BC0]  }
0x7e: {  	s25 =	simm.s32 @!p0 $0x64;
	s28 =	simm.s32 @!p0 $0x6800;
	s26 =	sadd.s32 @!p0 $0x1A0, s24;
	v60 =	vld [tilespmem:$0x6BD0]  }
0x7f: {  	v63 =	vld [tilespmem:$0x6BE0];
	[tilespmem:s28], [sflag:$0x1] =	stream.indirect.gather @!p0 [hbm4b:s3+s25], $0x10, s26, s25, $0xb8  }
0x80: {  	[tilespmem:$0x1F510] =	vst v61  }
0x81: {  	_ =	swait.ge [sflag:s17], $0x640  }
0x82: {  	[sflag:s17] =	ssyncset.done $0x0  }
0x83: {  	[sflag:s17] =	ssyncadd.s32 $0xFFFFF9C0  }
0x84: {  	v61 =	vld [tilespmem:$0x6E40];
	_ =	sdelay $0x4  }
0x85: {  	[tilespmem:$0x1F540] =	vst v61;
	v61 =	vld [tilespmem:$0x6E50];
	_ =	sdelay $0x4  }
0x86: {  	[tilespmem:$0x1F550] =	vst v61;
	v61 =	vld [tilespmem:$0x6E60];
	_ =	sdelay $0x4  }
0x87: {  	[tilespmem:$0x1F560] =	vst v61;
	v61 =	vld [tilespmem:$0x6E70];
	_ =	sdelay $0x4  }
0x88: {  	[tilespmem:$0x1F570] =	vst v61;
	v61 =	vld [tilespmem:$0x6E80];
	_ =	sdelay $0x4  }
0x89: {  	[tilespmem:$0x1F5C0] =	vst v61;
	v61 =	vld [tilespmem:$0x6E90];
	_ =	sdelay $0x4  }
0x8a: {  	[tilespmem:$0x1F5D0] =	vst v61;
	v61 =	vld [tilespmem:$0x6EA0];
	_ =	sdelay $0x4  }
0x8b: {  	[tilespmem:$0x1F5E0] =	vst v61;
	v61 =	vld [tilespmem:$0x6EB0];
	_ =	sdelay $0x4  }
0x8c: {  	[tilespmem:$0x1F5F0] =	vst v61;
	v61 =	vld [tilespmem:$0x6EC0];
	_ =	sdelay $0x4  }
0x8d: {  	[tilespmem:$0x1F580] =	vst v61;
	v61 =	vld [tilespmem:$0x6ED0];
	_ =	sdelay $0x4  }
0x8e: {  	[tilespmem:$0x1F590] =	vst v61;
	v61 =	vld [tilespmem:$0x6EE0];
	_ =	sdelay $0x4  }
0x8f: {  	[tilespmem:$0x1F5A0] =	vst v61;
	v61 =	vld [tilespmem:$0x6EF0];
	_ =	sdelay $0x4  }
0x90: {  	[tilespmem:$0x1F5B0] =	vst v61;
	v61 =	vld [tilespmem:$0x6F00];
	_ =	sdelay $0x4  }
0x91: {  	[tilespmem:$0x1F600] =	vst v61;
	v61 =	vld [tilespmem:$0x6F10];
	_ =	sdelay $0x4  }
0x92: {  	[tilespmem:$0x1F610] =	vst v61;
	v61 =	vld [tilespmem:$0x6F20];
	_ =	sdelay $0x4  }
0x93: {  	[tilespmem:$0x1F620] =	vst v61;
	v61 =	vld [tilespmem:$0x6F30];
	_ =	sdelay $0x4  }
0x94: {  	[tilespmem:$0x1F630] =	vst v61;
	v61 =	vld [tilespmem:$0x6F40];
	_ =	sdelay $0x4  }
0x95: {  	[tilespmem:$0x1F640] =	vst v61;
	v61 =	vld [tilespmem:$0x6F50];
	_ =	sdelay $0x4  }
0x96: {  	[tilespmem:$0x1F650] =	vst v61;
	v61 =	vld [tilespmem:$0x6F60];
	_ =	sdelay $0x4  }
0x97: {  	[tilespmem:$0x1F660] =	vst v61;
	v61 =	vld [tilespmem:$0x6F70];
	_ =	sdelay $0x4  }
0x98: {  	[tilespmem:$0x1F670] =	vst v61;
	v61 =	vld [tilespmem:$0x6F80];
	_ =	sdelay $0x4  }
0x99: {  	[tilespmem:$0x1F680] =	vst v61;
	v61 =	vld [tilespmem:$0x6F90];
	_ =	sdelay $0x4  }
0x9a: {  	[tilespmem:$0x1F690] =	vst v61;
	v61 =	vld [tilespmem:$0x6FA0];
	_ =	sdelay $0x4  }
0x9b: {  	[tilespmem:$0x1F6A0] =	vst v61;
	v61 =	vld [tilespmem:$0x6FB0];
	_ =	sdelay $0x4  }
0x9c: {  	[tilespmem:$0x1F6B0] =	vst v61;
	v61 =	vld [tilespmem:$0x6FC0];
	_ =	sdelay $0x4  }
0x9d: {  	[tilespmem:$0x1F6C0] =	vst v61;
	v61 =	vld [tilespmem:$0x6FD0];
	_ =	sdelay $0x4  }
0x9e: {  	[tilespmem:$0x1F6D0] =	vst v61;
	v61 =	vld [tilespmem:$0x6FE0];
	_ =	sdelay $0x4  }
0x9f: {  	[tilespmem:$0x1F6E0] =	vst v61;
	v61 =	vld [tilespmem:$0x6FF0];
	_ =	sdelay $0x4  }
0xa0: {  	[tilespmem:$0x1F6F0] =	vst v61;
	v61 =	vld [tilespmem:$0x7000];
	_ =	sdelay $0x4  }
0xa1: {  	[tilespmem:$0x1F700] =	vst v61;
	v61 =	vld [tilespmem:$0x7010];
	_ =	sdelay $0x4  }
0xa2: {  	[tilespmem:$0x1F710] =	vst v61;
	v61 =	vld [tilespmem:$0x7020];
	_ =	sdelay $0x4  }
0xa3: {  	[tilespmem:$0x1F720] =	vst v61;
	v61 =	vld [tilespmem:$0x7030];
	_ =	sdelay $0x4  }
0xa4: {  	[tilespmem:$0x1F730] =	vst v61;
	v61 =	vld [tilespmem:$0x7040];
	_ =	sdelay $0x4  }
0xa5: {  	[tilespmem:$0x1F740] =	vst v61;
	v61 =	vld [tilespmem:$0x7050];
	_ =	sdelay $0x4  }
0xa6: {  	[tilespmem:$0x1F750] =	vst v61;
	v61 =	vld [tilespmem:$0x7060];
	_ =	sdelay $0x4  }
0xa7: {  	[tilespmem:$0x1F760] =	vst v61;
	v61 =	vld [tilespmem:$0x7070];
	_ =	sdelay $0x4  }
0xa8: {  	[tilespmem:$0x1F770] =	vst v61;
	v61 =	vld [tilespmem:$0x7080];
	_ =	sdelay $0x4  }
0xa9: {  	[tilespmem:$0x1F780] =	vst v61;
	v61 =	vld [tilespmem:$0x7090];
	_ =	sdelay $0x4  }
0xaa: {  	[tilespmem:$0x1F790] =	vst v61;
	v61 =	vld [tilespmem:$0x70A0];
	_ =	sdelay $0x4  }
0xab: {  	[tilespmem:$0x1F7A0] =	vst v61;
	v61 =	vld [tilespmem:$0x70B0];
	_ =	sdelay $0x4  }
0xac: {  	[tilespmem:$0x1F7B0] =	vst v61;
	v61 =	vld [tilespmem:$0x70C0];
	_ =	sdelay $0x4  }
0xad: {  	[tilespmem:$0x1F7C0] =	vst v61;
	v61 =	vld [tilespmem:$0x70D0];
	_ =	sdelay $0x4  }
0xae: {  	[tilespmem:$0x1F7D0] =	vst v61;
	v61 =	vld [tilespmem:$0x70E0];
	_ =	sdelay $0x4  }
0xaf: {  	[tilespmem:$0x1F7E0] =	vst v61;
	v61 =	vld [tilespmem:$0x70F0];
	_ =	sdelay $0x4  }
0xb0: {  	[tilespmem:$0x1F7F0] =	vst v61;
	v61 =	vld [tilespmem:$0x7100];
	_ =	sdelay $0x4  }
0xb1: {  	[tilespmem:$0x1F800] =	vst v61;
	v61 =	vld [tilespmem:$0x7110];
	_ =	sdelay $0x4  }
0xb2: {  	[tilespmem:$0x1F810] =	vst v61;
	v61 =	vld [tilespmem:$0x7120];
	_ =	sdelay $0x4  }
0xb3: {  	[tilespmem:$0x1F820] =	vst v61;
	v61 =	vld [tilespmem:$0x7130];
	_ =	sdelay $0x4  }
0xb4: {  	[tilespmem:$0x1F830] =	vst v61;
	v61 =	vld [tilespmem:$0x7140];
	_ =	sdelay $0x4  }
0xb5: {  	[tilespmem:$0x1F840] =	vst v61;
	v61 =	vld [tilespmem:$0x7150];
	_ =	sdelay $0x4  }
0xb6: {  	[tilespmem:$0x1F850] =	vst v61;
	v61 =	vld [tilespmem:$0x7160];
	_ =	sdelay $0x4  }
0xb7: {  	[tilespmem:$0x1F860] =	vst v61;
	v61 =	vld [tilespmem:$0x7170];
	_ =	sdelay $0x4  }
0xb8: {  	[tilespmem:$0x1F870] =	vst v61;
	v61 =	vld [tilespmem:$0x7180];
	_ =	sdelay $0x4  }
0xb9: {  	[tilespmem:$0x1F880] =	vst v61;
	v61 =	vld [tilespmem:$0x7190];
	_ =	sdelay $0x4  }
0xba: {  	[tilespmem:$0x1F890] =	vst v61;
	v61 =	vld [tilespmem:$0x71A0];
	_ =	sdelay $0x4  }
0xbb: {  	[tilespmem:$0x1F8A0] =	vst v61;
	v61 =	vld [tilespmem:$0x71B0];
	_ =	sdelay $0x4  }
0xbc: {  	[tilespmem:$0x1F8B0] =	vst v61;
	v61 =	vld [tilespmem:$0x71C0];
	_ =	sdelay $0x4  }
0xbd: {  	[tilespmem:$0x1F8C0] =	vst v61;
	v61 =	vld [tilespmem:$0x71D0];
	_ =	sdelay $0x4  }
0xbe: {  	[tilespmem:$0x1F8D0] =	vst v61;
	v61 =	vld [tilespmem:$0x71E0];
	_ =	sdelay $0x4  }
0xbf: {  	[tilespmem:$0x1F8E0] =	vst v61;
	v61 =	vld [tilespmem:$0x71F0];
	_ =	sdelay $0x4  }
0xc0: {  	[tilespmem:$0x1F8F0] =	vst v61;
	v61 =	vld [tilespmem:$0x7200];
	_ =	sdelay $0x4  }
0xc1: {  	[tilespmem:$0x1F900] =	vst v61;
	v61 =	vld [tilespmem:$0x7210];
	_ =	sdelay $0x4  }
0xc2: {  	[tilespmem:$0x1F910] =	vst v61;
	v61 =	vld [tilespmem:$0x7220];
	_ =	sdelay $0x4  }
0xc3: {  	[tilespmem:$0x1F920] =	vst v61;
	v61 =	vld [tilespmem:$0x7230];
	_ =	sdelay $0x4  }
0xc4: {  	[tilespmem:$0x1F930] =	vst v61;
	v61 =	vld [tilespmem:$0x7240];
	_ =	sdelay $0x4  }
0xc5: {  	[tilespmem:$0x1F940] =	vst v61;
	v61 =	vld [tilespmem:$0x7250];
	_ =	sdelay $0x4  }
0xc6: {  	[tilespmem:$0x1F950] =	vst v61;
	v61 =	vld [tilespmem:$0x7260];
	_ =	sdelay $0x4  }
0xc7: {  	[tilespmem:$0x1F960] =	vst v61;
	v61 =	vld [tilespmem:$0x7270];
	_ =	sdelay $0x4  }
0xc8: {  	[tilespmem:$0x1F970] =	vst v61;
	v61 =	vld [tilespmem:$0x7280];
	_ =	sdelay $0x4  }
0xc9: {  	[tilespmem:$0x1F980] =	vst v61;
	v61 =	vld [tilespmem:$0x7290];
	_ =	sdelay $0x4  }
0xca: {  	[tilespmem:$0x1F990] =	vst v61;
	v61 =	vld [tilespmem:$0x72A0];
	_ =	sdelay $0x4  }
0xcb: {  	[tilespmem:$0x1F9A0] =	vst v61;
	v61 =	vld [tilespmem:$0x72B0];
	_ =	sdelay $0x4  }
0xcc: {  	[tilespmem:$0x1F9B0] =	vst v61;
	v61 =	vld [tilespmem:$0x72C0];
	_ =	sdelay $0x4  }
0xcd: {  	[tilespmem:$0x1F9C0] =	vst v61;
	v61 =	vld [tilespmem:$0x72D0];
	_ =	sdelay $0x4  }
0xce: {  	[tilespmem:$0x1F9D0] =	vst v61;
	v61 =	vld [tilespmem:$0x72E0];
	_ =	sdelay $0x4  }
0xcf: {  	[tilespmem:$0x1F9E0] =	vst v61;
	v61 =	vld [tilespmem:$0x72F0];
	_ =	sdelay $0x4  }
0xd0: {  	[tilespmem:$0x1F9F0] =	vst v61;
	v61 =	vld [tilespmem:$0x7300];
	_ =	sdelay $0x4  }
0xd1: {  	[tilespmem:$0x1FA00] =	vst v61;
	v61 =	vld [tilespmem:$0x7310];
	_ =	sdelay $0x4  }
0xd2: {  	[tilespmem:$0x1FA10] =	vst v61;
	v61 =	vld [tilespmem:$0x7320];
	_ =	sdelay $0x4  }
0xd3: {  	[tilespmem:$0x1FA20] =	vst v61;
	v61 =	vld [tilespmem:$0x7330];
	_ =	sdelay $0x4  }
0xd4: {  	[tilespmem:$0x1FA30] =	vst v61;
	v61 =	vld [tilespmem:$0x7340];
	_ =	sdelay $0x4  }
0xd5: {  	[tilespmem:$0x1FA40] =	vst v61;
	v61 =	vld [tilespmem:$0x7350];
	_ =	sdelay $0x4  }
0xd6: {  	[tilespmem:$0x1FA50] =	vst v61;
	v61 =	vld [tilespmem:$0x7360];
	_ =	sdelay $0x4  }
0xd7: {  	[tilespmem:$0x1FA60] =	vst v61;
	v61 =	vld [tilespmem:$0x7370];
	_ =	sdelay $0x4  }
0xd8: {  	[tilespmem:$0x1FA70] =	vst v61;
	v61 =	vld [tilespmem:$0x7380];
	_ =	sdelay $0x4  }
0xd9: {  	[tilespmem:$0x1FA80] =	vst v61;
	v61 =	vld [tilespmem:$0x7390];
	_ =	sdelay $0x4  }
0xda: {  	[tilespmem:$0x1FA90] =	vst v61;
	v61 =	vld [tilespmem:$0x73A0];
	_ =	sdelay $0x4  }
0xdb: {  	[tilespmem:$0x1FAA0] =	vst v61;
	v61 =	vld [tilespmem:$0x73B0];
	_ =	sdelay $0x4  }
0xdc: {  	[tilespmem:$0x1FAB0] =	vst v61;
	v61 =	vld [tilespmem:$0x73C0];
	_ =	sdelay $0x4  }
0xdd: {  	[tilespmem:$0x1FAC0] =	vst v61;
	v61 =	vld [tilespmem:$0x73D0];
	_ =	sdelay $0x4  }
0xde: {  	[tilespmem:$0x1FAD0] =	vst v61;
	v61 =	vld [tilespmem:$0x73E0];
	_ =	sdelay $0x4  }
0xdf: {  	[tilespmem:$0x1FAE0] =	vst v61;
	v61 =	vld [tilespmem:$0x73F0];
	_ =	sdelay $0x4  }
0xe0: {  	[tilespmem:$0x1FAF0] =	vst v61;
	v61 =	vld [tilespmem:$0x7400];
	_ =	sdelay $0x4  }
0xe1: {  	[tilespmem:$0x1FB00] =	vst v61;
	v61 =	vld [tilespmem:$0x7410];
	_ =	sdelay $0x4  }
0xe2: {  	[tilespmem:$0x1FB10] =	vst v61;
	v61 =	vld [tilespmem:$0x7420];
	_ =	sdelay $0x4  }
0xe3: {  	[tilespmem:$0x1FB60] =	vst v61  }
0xe4: {  	v61 =	vld [tilespmem:$0x7430];
	_ =	sdelay $0x4  }
0xe5: {  	[tilespmem:$0x1FB70] =	vst v61;
	v61 =	vld [tilespmem:$0x7440];
	_ =	sdelay $0x4  }
0xe6: {  	[tilespmem:$0x1FB20] =	vst v61;
	v61 =	vld [tilespmem:$0x7450];
	_ =	sdelay $0x1  }
0xe7: {  	v4 =	vadd.f32 $0.0e+00, v4;
	v5 =	vadd.f32 $0.0e+00, v5  }
0xe8: {  	v6 =	vadd.f32 $0.0e+00, v6;
	v7 =	vadd.f32 $0.0e+00, v7  }
0xe9: {  	v0 =	vadd.f32 v0, v4;
	v1 =	vadd.f32 v1, v5  }
0xea: {  	v2 =	vadd.f32 v2, v6;
	v4 =	vadd.f32 $0.0e+00, v12;
	[tilespmem:$0x1FB30] =	vst v61;
	v61 =	vld [tilespmem:$0x7460]  }
0xeb: {  	v5 =	vadd.f32 $0.0e+00, v13;
	v13 =	vadd.f32 $0.0e+00, v17  }
0xec: {  	v3 =	vadd.f32 v3, v7;
	v4 =	vadd.f32 v8, v4  }
0xed: {  	v5 =	vadd.f32 v9, v5;
	v7 =	vadd.f32 v11, v13  }
0xee: {  	v0 =	vadd.f32 v14, v0;
	v1 =	vadd.f32 v15, v1  }
0xef: {  	v2 =	vadd.f32 v18, v2;
	v3 =	vadd.f32 v19, v3;
	[tilespmem:$0x1FB40] =	vst v61;
	v61 =	vld [tilespmem:$0x7470]  }
0xf0: {  	v4 =	vadd.f32 v20, v4;
	v5 =	vadd.f32 v21, v5  }
0xf1: {  	v7 =	vadd.f32 v23, v7;
	v0 =	vadd.f32 v24, v0  }
0xf2: {  	v1 =	vadd.f32 v25, v1;
	v2 =	vadd.f32 v26, v2;
	s26 =	sadd.s32 @!p0 $0x208, s24;
	s28 =	simm.s32 @!p0 $0x6E40  }
0xf3: {  	v3 =	vadd.f32 v27, v3;
	v4 =	vadd.f32 v28, v4;
	[tilespmem:s28], [sflag:$0x2] =	stream.indirect.gather @!p0 [hbm4b:s3+s25], $0x10, s26, s25, $0xb8;
	[tilespmem:$0x8900] =	vst v63  }
0xf4: {  	v5 =	vadd.f32 v29, v5;
	v7 =	vadd.f32 v31, v7;
	[tilespmem:$0x1FB50] =	vst v61  }
0xf5: {  	v0 =	vadd.f32 v32, v0;
	v1 =	vadd.f32 v33, v1;
	_ =	swait.ge [sflag:s18], $0x640  }
0xf6: {  	v2 =	vadd.f32 v34, v2;
	v7 =	vadd.f32 v39, v7;
	v39 =	vld [tilespmem:$0x1F310]  }
0xf7: {  	v4 =	vadd.f32 v36, v4;
	v1 =	vadd.f32 v41, v1;
	v41 =	vld [tilespmem:$0x1F320]  }
0xf8: {  	v5 =	vadd.f32 v37, v5;
	v2 =	vadd.f32 v42, v2;
	v42 =	vld [tilespmem:$0x1F330]  }
0xf9: {  	v3 =	vadd.f32 v35, v3;
	v4 =	vadd.f32 v44, v4;
	v44 =	vld [tilespmem:$0x1F340]  }
0xfa: {  	v0 =	vadd.f32 v40, v0;
	v5 =	vadd.f32 v45, v5;
	v45 =	vld [tilespmem:$0x1F350]  }
0xfb: {  	v7 =	vadd.f32 v47, v7;
	v47 =	vld [tilespmem:$0x1F360]  }
0xfc: {  	v3 =	vadd.f32 v43, v3;
	v0 =	vadd.f32 v48, v0;
	v48 =	vld [tilespmem:$0x1F370]  }
0xfd: {  	v2 =	vadd.f32 v50, v2;
	v50 =	vld [tilespmem:$0x1F380]  }
0xfe: {  	v3 =	vadd.f32 v51, v3;
	v51 =	vld [tilespmem:$0x1F390]  }
0xff: {  	v1 =	vadd.f32 v49, v1;
	v5 =	vadd.f32 v53, v5;
	v53 =	vld [tilespmem:$0x1F3A0]  }
0x100: {  	v0 =	vadd.f32 v56, v0;
	v56 =	vld [tilespmem:$0x1F3C0]  }
0x101: {  	v1 =	vadd.f32 v57, v1;
	v57 =	vld [tilespmem:$0x1F3D0]  }
0x102: {  	v3 =	vadd.f32 v59, v3;
	[sflag:s18] =	ssyncset.done $0x0;
	v59 =	vld [tilespmem:$0x1F3E0]  }
0x103: {  	v5 =	vadd.f32 v60, v5;
	v60 =	vld [tilespmem:$0x1F3F0];
	[sflag:s18] =	ssyncadd.s32 $0xFFFFF9C0  }
0x104: {  	v61 =	vld [tilespmem:$0x7480]  }
0x105: {  	v12 =	vld [tilespmem:$0x74D0]  }
0x106: {  	v17 =	vld [tilespmem:$0x74F0]  }
0x107: {  	v15 =	vld [tilespmem:$0x7510]  }
0x108: {  	v19 =	vld [tilespmem:$0x7520]  }
0x109: {  	v21 =	vld [tilespmem:$0x7530]  }
0x10a: {  	v14 =	vld [tilespmem:$0x7540]  }
0x10b: {  	v18 =	vld [tilespmem:$0x7550]  }
0x10c: {  	v20 =	vld [tilespmem:$0x7560]  }
0x10d: {  	v23 =	vld [tilespmem:$0x7580]  }
0x10e: {  	v24 =	vld [tilespmem:$0x7590]  }
0x10f: {  	v25 =	vld [tilespmem:$0x75A0]  }
0x110: {  	v26 =	vld [tilespmem:$0x75B0]  }
0x111: {  	v27 =	vld [tilespmem:$0x75C0]  }
0x112: {  	v28 =	vld [tilespmem:$0x75D0]  }
0x113: {  	v29 =	vld [tilespmem:$0x75E0]  }
0x114: {  	v31 =	vld [tilespmem:$0x7600]  }
0x115: {  	v32 =	vld [tilespmem:$0x7610]  }
0x116: {  	v33 =	vld [tilespmem:$0x7620]  }
0x117: {  	v34 =	vld [tilespmem:$0x7630]  }
0x118: {  	v35 =	vld [tilespmem:$0x7640]  }
0x119: {  	v4 =	vadd.f32 v52, v4;
	v36 =	vld [tilespmem:$0x7650]  }
0x11a: {  	v37 =	vld [tilespmem:$0x7660]  }
0x11b: {  	v4 =	vadd.f32 v62, v4;
	v62 =	vld [tilespmem:$0x7670]  }
0x11c: {  	v13 =	vld [tilespmem:$0x7680]  }
0x11d: {  	v40 =	vld [tilespmem:$0x7690]  }
0x11e: {  	v43 =	vld [tilespmem:$0x76A0]  }
0x11f: {  	v49 =	vld [tilespmem:$0x76C0]  }
0x120: {  	v52 =	vld [tilespmem:$0x76D0]  }
0x121: {  	v7 =	vadd.f32 v55, v7;
	v55 =	vld [tilespmem:$0x76E0]  }
0x122: {  	v2 =	vadd.f32 v58, v2;
	v58 =	vld [tilespmem:$0x76F0]  }
0x123: {  	v9 =	vld [tilespmem:$0x77A0]  }
0x124: {  	v11 =	vld [tilespmem:$0x77C0]  }
0x125: {  	v1 =	vadd.f32 v39, v1;
	v39 =	vld [tilespmem:$0x1F430]  }
0x126: {  	v2 =	vadd.f32 v41, v2;
	v41 =	vld [tilespmem:$0x1F440]  }
0x127: {  	v3 =	vadd.f32 v42, v3;
	v42 =	vld [tilespmem:$0x1F450]  }
0x128: {  	v4 =	vadd.f32 v44, v4;
	v44 =	vld [tilespmem:$0x1F460]  }
0x129: {  	v5 =	vadd.f32 v45, v5;
	v45 =	vld [tilespmem:$0x1F470]  }
0x12a: {  	[tilespmem:$0x1FB80] =	vst v61;
	v61 =	vld [tilespmem:$0x7490]  }
0x12b: {  	[tilespmem:$0x1FBE0] =	vst v62;
	v62 =	vld [tilespmem:$0x1F400]  }
0x12c: {  	[tilespmem:$0x1FBF0] =	vst v13;
	v13 =	vld [tilespmem:$0x7710]  }
0x12d: {  	[tilespmem:$0x1FC00] =	vst v40;
	v40 =	vld [tilespmem:$0x7720]  }
0x12e: {  	[tilespmem:$0x1FC10] =	vst v43;
	v43 =	vld [tilespmem:$0x7730]  }
0x12f: {  	[tilespmem:$0x1FC30] =	vst v49;
	v49 =	vld [tilespmem:$0x7750]  }
0x130: {  	v1 =	vadd.f32 v51, v1;
	v51 =	vld [tilespmem:$0x1F4B0]  }
0x131: {  	[tilespmem:$0x1FC40] =	vst v52;
	v52 =	vld [tilespmem:$0x7760]  }
0x132: {  	v2 =	vadd.f32 v53, v2;
	v53 =	vld [tilespmem:$0x1F4C0]  }
0x133: {  	[tilespmem:$0x1FC50] =	vst v55;
	v55 =	vld [tilespmem:$0x7770]  }
0x134: {  	v4 =	vadd.f32 v56, v4;
	v56 =	vld [tilespmem:$0x1F4E0]  }
0x135: {  	[tilespmem:$0x1FB90] =	vst v61;
	v61 =	vld [tilespmem:$0x74A0]  }
0x136: {  	v5 =	vadd.f32 v57, v5;
	v57 =	vld [tilespmem:$0x1F4F0]  }
0x137: {  	[tilespmem:$0x1FC60] =	vst v58;
	v58 =	vld [tilespmem:$0x7780]  }
0x138: {  	v4 =	vadd.f32 v41, v4;
	v41 =	vld [tilespmem:$0x1F570]  }
0x139: {  	v5 =	vadd.f32 v42, v5;
	v42 =	vld [tilespmem:$0x77E0]  }
0x13a: {  	[tilespmem:$0x1FBA0] =	vst v61;
	v61 =	vld [tilespmem:$0x74B0]  }
0x13b: {  	[tilespmem:$0x1FC80] =	vst v13;
	v13 =	vld [tilespmem:$0x1F540]  }
0x13c: {  	[tilespmem:$0x1FC90] =	vst v40;
	v40 =	vld [tilespmem:$0x1F560]  }
0x13d: {  	[tilespmem:$0x1FCA0] =	vst v43;
	v43 =	vld [tilespmem:$0x1F580]  }
0x13e: {  	[tilespmem:$0x1FCC0] =	vst v49;
	v49 =	vld [tilespmem:$0x1F5C0]  }
0x13f: {  	[tilespmem:$0x1FBB0] =	vst v61;
	v61 =	vld [tilespmem:$0x74C0]  }
0x140: {  	[tilespmem:$0x1FCD0] =	vst v52;
	v8 =	vadd.f32 v53, v4;
	v53 =	vld [tilespmem:$0x1F5F0]  }
0x141: {  	[tilespmem:$0x1FCE0] =	vst v55;
	v52 =	vld [tilespmem:$0x1F5E0]  }
0x142: {  	[tilespmem:$0x1FCF0] =	vst v58;
	v55 =	vld [tilespmem:$0x1F600]  }
0x143: {  	v58 =	vld [tilespmem:$0x1F620];
	[tilespmem:$0x1FD50] =	vst v42  }
0x144: {  	v42 =	vld [tilespmem:$0x1F690];
	[tilespmem:$0x1FBD0] =	vst v61;
	v61 =	vadd.f32 $0.0e+00, v16  }
0x145: {  	[tilespmem:$0x1FD30] =	vst v11;
	v11 =	vadd.f32 $0.0e+00, v53;
	v53 =	vld [tilespmem:$0x1F700]  }
0x146: {  	v6 =	vadd.f32 v10, v61;
	v61 =	vld [tilespmem:$0x7500]  }
0x147: {  	v10 =	vld [tilespmem:$0x77B0]  }
0x148: {  	v16 =	vld [tilespmem:$0x74E0];
	v6 =	vadd.f32 v22, v6  }
0x149: {  	v22 =	vld [tilespmem:$0x7570]  }
0x14a: {  	v6 =	vadd.f32 v30, v6;
	v30 =	vld [tilespmem:$0x75F0]  }
0x14b: {  	[tilespmem:$0x1FBC0] =	vst v61;
	v61 =	vld [tilespmem:$0x7700]  }
0x14c: {  	[tilespmem:$0x1FD20] =	vst v10;
	v10 =	vadd.f32 $0.0e+00, v52;
	v52 =	vld [tilespmem:$0x78A0];
	v6 =	vadd.f32 v38, v6  }
0x14d: {  	v38 =	vld [tilespmem:$0x1F300]  }
0x14e: {  	v10 =	vadd.f32 v58, v10;
	v58 =	vld [tilespmem:$0x78C0];
	v6 =	vadd.f32 v46, v6  }
0x14f: {  	v46 =	vld [tilespmem:$0x76B0]  }
0x150: {  	v6 =	vadd.f32 v54, v6;
	v54 =	vld [tilespmem:$0x1F3B0]  }
0x151: {  	[tilespmem:$0x1FC70] =	vst v61;
	v61 =	vld [tilespmem:$0x7790]  }
0x152: {  	[tilespmem:$0x1FE10] =	vst v52;
	v52 =	vld [tilespmem:$0x1F810]  }
0x153: {  	v0 =	vadd.f32 v38, v0;
	v38 =	vld [tilespmem:$0x1F420]  }
0x154: {  	v6 =	vadd.f32 v63, v6;
	v63 =	vld [tilespmem:$0x1F2F0]  }
0x155: {  	[tilespmem:$0x1FE30] =	vst v58;
	v58 =	vld [tilespmem:$0x1F850]  }
0x156: {  	[tilespmem:$0x1FC20] =	vst v46;
	v46 =	vld [tilespmem:$0x7740]  }
0x157: {  	v0 =	vadd.f32 v50, v0;
	v50 =	vld [tilespmem:$0x1F4A0]  }
0x158: {  	v6 =	vadd.f32 v47, v6;
	v47 =	vld [tilespmem:$0x1F480]  }
0x159: {  	v3 =	vadd.f32 v54, v3;
	v54 =	vld [tilespmem:$0x1F4D0]  }
0x15a: {  	v0 =	vadd.f32 v62, v0;
	v62 =	vld [tilespmem:$0x1F520]  }
0x15b: {  	[tilespmem:$0x1FD00] =	vst v61;
	v61 =	vld [tilespmem:$0x1F640]  }
0x15c: {  	v6 =	vadd.f32 v59, v6;
	v59 =	vld [tilespmem:$0x1F500]  }
0x15d: {  	v2 =	vadd.f32 v38, v2;
	v38 =	vld [tilespmem:$0x1F550]  }
0x15e: {  	v7 =	vadd.f32 v63, v7;
	v63 =	vld [tilespmem:$0x1F410]  }
0x15f: {  	v3 =	vadd.f32 v39, v3;
	v39 =	vld [tilespmem:$0x77D0]  }
0x160: {  	v6 =	vadd.f32 v44, v6;
	v44 =	vld [tilespmem:$0x1F590]  }
0x161: {  	[tilespmem:$0x1FCB0] =	vst v46;
	v46 =	vld [tilespmem:$0x1F5A0]  }
0x162: {  	v2 =	vadd.f32 v50, v2;
	v50 =	vld [tilespmem:$0x1F5D0]  }
0x163: {  	v7 =	vadd.f32 v48, v7;
	v48 =	vld [tilespmem:$0x1F490]  }
0x164: {  	v0 =	vadd.f32 v47, v0;
	v47 =	vld [tilespmem:$0x1F5B0]  }
0x165: {  	v3 =	vadd.f32 v51, v3;
	v51 =	vld [tilespmem:$0x7810]  }
0x166: {  	v5 =	vadd.f32 v54, v5;
	v54 =	vld [tilespmem:$0x7820]  }
0x167: {  	v6 =	vadd.f32 v62, v6;
	v62 =	vld [tilespmem:$0x1F650]  }
0x168: {  	v7 =	vadd.f32 v60, v7;
	v60 =	vld [tilespmem:$0x1F510]  }
0x169: {  	v0 =	vadd.f32 v56, v0;
	v56 =	vld [tilespmem:$0x1F610]  }
0x16a: {  	v2 =	vadd.f32 v59, v2;
	v59 =	vld [tilespmem:$0x1F630]  }
0x16b: {  	v1 =	vadd.f32 v63, v1;
	v63 =	vld [tilespmem:$0x1F530]  }
0x16c: {  	[tilespmem:$0x1FD40] =	vst v39;
	v39 =	vld [tilespmem:$0x1F670]  }
0x16d: {  	v7 =	vadd.f32 v45, v7;
	v45 =	vld [tilespmem:$0x77F0]  }
0x16e: {  	[tilespmem:$0x1FD10] =	vst v9;
	v9 =	vadd.f32 $0.0e+00, v50;
	v50 =	vld [tilespmem:$0x1F6E0]  }
0x16f: {  	v1 =	vadd.f32 v48, v1;
	v48 =	vld [tilespmem:$0x7800]  }
0x170: {  	[tilespmem:$0x1FD80] =	vst v51;
	v51 =	vld [tilespmem:$0x1F6F0]  }
0x171: {  	[tilespmem:$0x1FD90] =	vst v54;
	v54 =	vld [tilespmem:$0x1F710]  }
0x172: {  	v1 =	vadd.f32 v57, v1;
	v57 =	vld [tilespmem:$0x7830]  }
0x173: {  	v3 =	vadd.f32 v60, v3;
	v60 =	vld [tilespmem:$0x7840]  }
0x174: {  	v9 =	vadd.f32 v56, v9;
	v56 =	vld [tilespmem:$0x1F720]  }
0x175: {  	v11 =	vadd.f32 v59, v11;
	v59 =	vld [tilespmem:$0x1F740]  }
0x176: {  	v7 =	vadd.f32 v63, v7;
	v63 =	vld [tilespmem:$0x7850];
	v3 =	vadd.f32 v3, v2  }
0x177: {  	v2 =	vadd.f32 v5, v8;
	v5 =	vadd.f32 $0.0e+00, v38;
	v38 =	vld [tilespmem:$0x1F660]  }
0x178: {  	[tilespmem:$0x1FD60] =	vst v45;
	v45 =	vld [tilespmem:$0x1F6B0]  }
0x179: {  	v8 =	vadd.f32 $0.0e+00, v49;
	v49 =	vld [tilespmem:$0x7890]  }
0x17a: {  	v4 =	vadd.f32 v1, v0;
	v9 =	vadd.f32 v42, v9;
	v42 =	vld [tilespmem:$0x1F7A0]  }
0x17b: {  	v0 =	vadd.f32 v7, v6;
	v6 =	vadd.f32 $0.0e+00, v40;
	v40 =	vld [tilespmem:$0x7860]  }
0x17c: {  	v1 =	vadd.f32 $0.0e+00, v13;
	v7 =	vadd.f32 $0.0e+00, v41;
	v41 =	vld [tilespmem:$0x1F680]  }
0x17d: {  	[tilespmem:$0x1FD70] =	vst v48;
	v48 =	vld [tilespmem:$0x1F6D0]  }
0x17e: {  	v1 =	vadd.f32 v43, v1;
	v43 =	vld [tilespmem:$0x7870]  }
0x17f: {  	v5 =	vadd.f32 v44, v5;
	v44 =	vld [tilespmem:$0x1F6A0]  }
0x180: {  	v8 =	vadd.f32 v55, v8;
	v55 =	vld [tilespmem:$0x78B0]  }
0x181: {  	v9 =	vadd.f32 v54, v9;
	v54 =	vld [tilespmem:$0x1F820]  }
0x182: {  	v6 =	vadd.f32 v46, v6;
	v46 =	vld [tilespmem:$0x7880]  }
0x183: {  	v7 =	vadd.f32 v47, v7;
	v47 =	vld [tilespmem:$0x1F6C0]  }
0x184: {  	[tilespmem:$0x1FDA0] =	vst v57;
	v57 =	vld [tilespmem:$0x1F730]  }
0x185: {  	[tilespmem:$0x1FDB0] =	vst v60;
	v60 =	vld [tilespmem:$0x1F750]  }
0x186: {  	v1 =	vadd.f32 v61, v1;
	v61 =	vld [tilespmem:$0x78D0]  }
0x187: {  	v5 =	vadd.f32 v62, v5;
	v62 =	vld [tilespmem:$0x1F760]  }
0x188: {  	[tilespmem:$0x1FDC0] =	vst v63;
	v63 =	vld [tilespmem:$0x1F770]  }
0x189: {  	v6 =	vadd.f32 v38, v6;
	v38 =	vld [tilespmem:$0x78E0]  }
0x18a: {  	v7 =	vadd.f32 v39, v7;
	v39 =	vld [tilespmem:$0x1F780]  }
0x18b: {  	v11 =	vadd.f32 v45, v11;
	v45 =	vld [tilespmem:$0x1F7C0]  }
0x18c: {  	[tilespmem:$0x1FE00] =	vst v49;
	v49 =	vld [tilespmem:$0x1F7F0]  }
0x18d: {  	[tilespmem:$0x1FDD0] =	vst v40;
	v40 =	vld [tilespmem:$0x1F790]  }
0x18e: {  	v8 =	vadd.f32 v41, v8;
	v41 =	vld [tilespmem:$0x78F0]  }
0x18f: {  	v5 =	vadd.f32 v48, v5;
	v48 =	vld [tilespmem:$0x1F7E0]  }
0x190: {  	[tilespmem:$0x1FDE0] =	vst v43;
	v43 =	vld [tilespmem:$0x1F7B0]  }
0x191: {  	v10 =	vadd.f32 v44, v10;
	v44 =	vld [tilespmem:$0x7900]  }
0x192: {  	v6 =	vadd.f32 v50, v6;
	v50 =	vld [tilespmem:$0x7920]  }
0x193: {  	v7 =	vadd.f32 v51, v7;
	v51 =	vld [tilespmem:$0x1F800]  }
0x194: {  	[tilespmem:$0x1FE20] =	vst v55;
	v55 =	vld [tilespmem:$0x1F830]  }
0x195: {  	[tilespmem:$0x1FDF0] =	vst v46;
	v46 =	vld [tilespmem:$0x1F7D0]  }
0x196: {  	v1 =	vadd.f32 v47, v1;
	v47 =	vld [tilespmem:$0x7910]  }
0x197: {  	v8 =	vadd.f32 v53, v8;
	v53 =	vld [tilespmem:$0x7930]  }
0x198: {  	v11 =	vadd.f32 v57, v11;
	v57 =	vld [tilespmem:$0x1F840]  }
0x199: {  	v5 =	vadd.f32 v60, v5;
	v60 =	vld [tilespmem:$0x1F860]  }
0x19a: {  	v10 =	vadd.f32 v56, v10;
	v56 =	vld [tilespmem:$0x7940]  }
0x19b: {  	[tilespmem:$0x1FE40] =	vst v61;
	v61 =	vld [tilespmem:$0x1F870]  }
0x19c: {  	v6 =	vadd.f32 v62, v6;
	v62 =	vld [tilespmem:$0x7960]  }
0x19d: {  	v7 =	vadd.f32 v63, v7;
	v63 =	vld [tilespmem:$0x1F880]  }
0x19e: {  	v1 =	vadd.f32 v59, v1;
	v59 =	vld [tilespmem:$0x7950]  }
0x19f: {  	[tilespmem:$0x1FE50] =	vst v38;
	v38 =	vld [tilespmem:$0x1F890]  }
0x1a0: {  	v8 =	vadd.f32 v39, v8;
	v39 =	vld [tilespmem:$0x7970]  }
0x1a1: {  	v9 =	vadd.f32 v40, v9;
	v40 =	vld [tilespmem:$0x1F8A0]  }
0x1a2: {  	[tilespmem:$0x1FE60] =	vst v41;
	v41 =	vld [tilespmem:$0x1F8B0]  }
0x1a3: {  	v10 =	vadd.f32 v42, v10;
	v42 =	vld [tilespmem:$0x7980]  }
0x1a4: {  	v6 =	vadd.f32 v48, v6;
	v48 =	vld [tilespmem:$0x79A0]  }
0x1a5: {  	v7 =	vadd.f32 v49, v7;
	v49 =	vld [tilespmem:$0x1F900]  }
0x1a6: {  	v11 =	vadd.f32 v43, v11;
	v43 =	vld [tilespmem:$0x1F8C0]  }
0x1a7: {  	[tilespmem:$0x1FE70] =	vst v44;
	v44 =	vld [tilespmem:$0x1F8D0]  }
0x1a8: {  	v1 =	vadd.f32 v45, v1;
	v45 =	vld [tilespmem:$0x7990]  }
0x1a9: {  	[tilespmem:$0x1FE90] =	vst v50;
	v50 =	vld [tilespmem:$0x1F910]  }
0x1aa: {  	v8 =	vadd.f32 v51, v8;
	v51 =	vld [tilespmem:$0x79B0]  }
0x1ab: {  	v5 =	vadd.f32 v46, v5;
	v46 =	vld [tilespmem:$0x1F8E0]  }
0x1ac: {  	[tilespmem:$0x1FE80] =	vst v47;
	v47 =	vld [tilespmem:$0x1F8F0]  }
0x1ad: {  	v9 =	vadd.f32 v52, v9;
	v52 =	vld [tilespmem:$0x1F920]  }
0x1ae: {  	[tilespmem:$0x1FEA0] =	vst v53;
	v53 =	vld [tilespmem:$0x1F930]  }
0x1af: {  	v10 =	vadd.f32 v54, v10;
	v54 =	vld [tilespmem:$0x79C0]  }
0x1b0: {  	v6 =	vadd.f32 v60, v6;
	v60 =	vld [tilespmem:$0x79E0]  }
0x1b1: {  	v11 =	vadd.f32 v55, v11;
	v55 =	vld [tilespmem:$0x1F940]  }
0x1b2: {  	[tilespmem:$0x1FEB0] =	vst v56;
	v56 =	vld [tilespmem:$0x1F950]  }
0x1b3: {  	v1 =	vadd.f32 v57, v1;
	v57 =	vld [tilespmem:$0x79D0]  }
0x1b4: {  	v7 =	vadd.f32 v61, v7;
	v61 =	vld [tilespmem:$0x1F980]  }
0x1b5: {  	[tilespmem:$0x1FED0] =	vst v62;
	v62 =	vld [tilespmem:$0x1F990]  }
0x1b6: {  	v8 =	vadd.f32 v63, v8;
	v63 =	vld [tilespmem:$0x79F0]  }
0x1b7: {  	v5 =	vadd.f32 v58, v5;
	v58 =	vld [tilespmem:$0x1F960]  }
0x1b8: {  	[tilespmem:$0x1FEC0] =	vst v59;
	v59 =	vld [tilespmem:$0x1F970]  }
0x1b9: {  	v9 =	vadd.f32 v38, v9;
	v38 =	vld [tilespmem:$0x1F9A0]  }
0x1ba: {  	[tilespmem:$0x1FEE0] =	vst v39;
	v39 =	vld [tilespmem:$0x1F9B0]  }
0x1bb: {  	v10 =	vadd.f32 v40, v10;
	v40 =	vld [tilespmem:$0x7A00]  }
0x1bc: {  	v11 =	vadd.f32 v41, v11;
	v41 =	vld [tilespmem:$0x1F9C0]  }
0x1bd: {  	[tilespmem:$0x1FEF0] =	vst v42;
	v42 =	vld [tilespmem:$0x1F9D0]  }
0x1be: {  	[tilespmem:$0x1FF10] =	vst v48;
	v48 =	vld [tilespmem:$0x1FA10]  }
0x1bf: {  	v8 =	vadd.f32 v49, v8;
	v49 =	vld [tilespmem:$0x7A30]  }
0x1c0: {  	v1 =	vadd.f32 v43, v1;
	v43 =	vld [tilespmem:$0x7A10]  }
0x1c1: {  	v5 =	vadd.f32 v44, v5;
	v44 =	vld [tilespmem:$0x1F9E0]  }
0x1c2: {  	[tilespmem:$0x1FF00] =	vst v45;
	v45 =	vld [tilespmem:$0x1F9F0]  }
0x1c3: {  	v9 =	vadd.f32 v50, v9;
	v50 =	vld [tilespmem:$0x1FA20]  }
0x1c4: {  	[tilespmem:$0x1FF20] =	vst v51;
	v51 =	vld [tilespmem:$0x1FA30]  }
0x1c5: {  	v6 =	vadd.f32 v46, v6;
	v46 =	vld [tilespmem:$0x7A20]  }
0x1c6: {  	v7 =	vadd.f32 v47, v7;
	v47 =	vld [tilespmem:$0x1FA00]  }
0x1c7: {  	v10 =	vadd.f32 v52, v10;
	v52 =	vld [tilespmem:$0x1FA40]  }
0x1c8: {  	v11 =	vadd.f32 v53, v11;
	v53 =	vld [tilespmem:$0x1FA50]  }
0x1c9: {  	[tilespmem:$0x1FF50] =	vst v60;
	v60 =	vld [tilespmem:$0x7A50]  }
0x1ca: {  	[tilespmem:$0x1FF30] =	vst v54;
	v54 =	vld [tilespmem:$0x1FA60]  }
0x1cb: {  	v8 =	vadd.f32 v61, v8;
	v61 =	vld [tilespmem:$0x7A40]  }
0x1cc: {  	v1 =	vadd.f32 v55, v1;
	v55 =	vld [tilespmem:$0x1FA70]  }
0x1cd: {  	v5 =	vadd.f32 v56, v5;
	v56 =	vld [tilespmem:$0x7A60]  }
0x1ce: {  	[tilespmem:$0x1FF40] =	vst v57;
	v57 =	vld [tilespmem:$0x1FA80]  }
0x1cf: {  	[tilespmem:$0x1FF60] =	vst v63;
	v63 =	vld [tilespmem:$0x7A70]  }
0x1d0: {  	v9 =	vadd.f32 v62, v9;
	v62 =	vld [tilespmem:$0x1FAB0]  }
0x1d1: {  	v6 =	vadd.f32 v58, v6;
	v58 =	vld [tilespmem:$0x1FA90]  }
0x1d2: {  	v7 =	vadd.f32 v59, v7;
	v59 =	vld [tilespmem:$0x1FAA0]  }
0x1d3: {  	v10 =	vadd.f32 v38, v10;
	v38 =	vld [tilespmem:$0x1FAC0]  }
0x1d4: {  	v11 =	vadd.f32 v39, v11;
	v39 =	vld [tilespmem:$0x1FAD0]  }
0x1d5: {  	[tilespmem:$0x1FF70] =	vst v40;
	v40 =	vld [tilespmem:$0x1FAE0]  }
0x1d6: {  	v1 =	vadd.f32 v41, v1;
	v41 =	vld [tilespmem:$0x1FAF0]  }
0x1d7: {  	v5 =	vadd.f32 v42, v5;
	v42 =	vld [tilespmem:$0x1FB00]  }
0x1d8: {  	[tilespmem:$0x1FF80] =	vst v43;
	v43 =	vld [tilespmem:$0x1FB10]  }
0x1d9: {  	v6 =	vadd.f32 v44, v6;
	v44 =	vld [tilespmem:$0x1FB20]  }
0x1da: {  	v7 =	vadd.f32 v45, v7;
	v45 =	vld [tilespmem:$0x1FB30]  }
0x1db: {  	v10 =	vadd.f32 v50, v10;
	[tilespmem:$0x1FF90] =	vst v46;
	v46 =	vld [tilespmem:$0x1FB40]  }
0x1dc: {  	v9 =	vadd.f32 v48, v9;
	[tilespmem:$0x1FFB0] =	vst v56;
	v56 =	vld [tilespmem:$0x7AB0]  }
0x1dd: {  	v8 =	vadd.f32 v47, v8;
	v10 =	vadd.f32 v59, v10;
	v59 =	vld [tilespmem:$0x7A80]  }
0x1de: {  	s26 =	sadd.s32 @!p0 $0x270, s24;
	s28 =	simm.s32 @!p0 $0x7480;
	v9 =	vadd.f32 v58, v9;
	v58 =	vld [tilespmem:$0x7A90]  }
0x1df: {  	[tilespmem:$0x1FFA0] =	vst v49;
	v8 =	vadd.f32 v57, v8;
	v57 =	vld [tilespmem:$0x7AA0];
	[tilespmem:s28], [sflag:$0x3] =	stream.indirect.gather @!p0 [hbm4b:s3+s25], $0x10, s26, s25, $0xb8  }
0x1e0: {  	v47 =	vld [tilespmem:$0x1FB50];
	_ =	swait.ge [sflag:s19], $0x640  }
0x1e1: {  	v48 =	vld [tilespmem:$0x1FB60]  }
0x1e2: {  	v49 =	vld [tilespmem:$0x1FB70];
	[sflag:s19] =	ssyncset.done $0x0  }
0x1e3: {  	v6 =	vadd.f32 v54, v6;
	v13 =	vld [tilespmem:$0x1FBD0];
	[sflag:s19] =	ssyncadd.s32 $0xFFFFF9C0  }
0x1e4: {  	v8 =	vadd.f32 v42, v8;
	v9 =	vadd.f32 v43, v9;
	v54 =	vld [tilespmem:$0x7AC0]  }
0x1e5: {  	v11 =	vadd.f32 v51, v11;
	v7 =	vadd.f32 v55, v7;
	v55 =	vld [tilespmem:$0x7AD0]  }
0x1e6: {  	v5 =	vadd.f32 v53, v5;
	v51 =	vadd.f32 v9, v8;
	v8 =	vld [tilespmem:$0x1FB90]  }
0x1e7: {  	v9 =	vld [tilespmem:$0x1FBA0]  }
0x1e8: {  	v1 =	vadd.f32 v52, v1;
	v5 =	vadd.f32 v39, v5;
	v52 =	vld [tilespmem:$0x7B00]  }
0x1e9: {  	v6 =	vadd.f32 v40, v6;
	v53 =	vld [tilespmem:$0x7B10]  }
0x1ea: {  	v5 =	vadd.f32 v45, v5;
	v45 =	vld [tilespmem:$0x7B40]  }
0x1eb: {  	v6 =	vadd.f32 v46, v6;
	v46 =	vld [tilespmem:$0x7B50]  }
0x1ec: {  	v7 =	vadd.f32 v41, v7;
	v42 =	vld [tilespmem:$0x7B60]  }
0x1ed: {  	v1 =	vadd.f32 v38, v1;
	v43 =	vld [tilespmem:$0x7B70]  }
0x1ee: {  	v7 =	vadd.f32 v47, v7;
	v47 =	vld [tilespmem:$0x7B80]  }
0x1ef: {  	v1 =	vadd.f32 v44, v1;
	v44 =	vld [tilespmem:$0x7B90]  }
0x1f0: {  	v41 =	vld [tilespmem:$0x7BA0]  }
0x1f1: {  	v40 =	vld [tilespmem:$0x7BB0]  }
0x1f2: {  	v39 =	vld [tilespmem:$0x7BC0]  }
0x1f3: {  	v1 =	vadd.f32 v5, v1;
	v38 =	vld [tilespmem:$0x7BD0];
	v50 =	vadd.f32 v7, v6  }
0x1f4: {  	v11 =	vadd.f32 v62, v11;
	v7 =	vld [tilespmem:$0x1FB80]  }
0x1f5: {  	v5 =	vadd.f32 v50, v1;
	v50 =	vld [tilespmem:$0x7AE0]  }
0x1f6: {  	v11 =	vadd.f32 v49, v11;
	v49 =	vld [tilespmem:$0x7B20]  }
0x1f7: {  	v10 =	vadd.f32 v48, v10;
	v48 =	vld [tilespmem:$0x7B30]  }
0x1f8: {  	v3 =	vadd.f32 v3, v4;
	v4 =	vadd.f32 $0.0e+00, v13;
	v13 =	vld [tilespmem:$0x1FCD0]  }
0x1f9: {  	v62 =	vadd.f32 v11, v10;
	v10 =	vld [tilespmem:$0x1FBB0]  }
0x1fa: {  	v11 =	vld [tilespmem:$0x1FBC0]  }
0x1fb: {  	v17 =	vadd.f32 $0.0e+00, v17;
	v4 =	vadd.f32 v14, v4;
	v14 =	vld [tilespmem:$0x1FCE0]  }
0x1fc: {  	v0 =	vadd.f32 v0, v2;
	v2 =	vadd.f32 $0.0e+00, v9;
	v9 =	vld [tilespmem:$0x7DA0]  }
0x1fd: {  	v1 =	vadd.f32 $0.0e+00, v8;
	v8 =	vld [tilespmem:$0x7DB0]  }
0x1fe: {  	[tilespmem:$0x1FFD0] =	vst v0;
	v0 =	vadd.f32 $0.0e+00, v7;
	v7 =	vadd.f32 v22, v17;
	v22 =	vld [tilespmem:$0x1FC10]  }
0x1ff: {  	v17 =	vld [tilespmem:$0x1FD10]  }
0x200: {  	v6 =	vadd.f32 v62, v51;
	v51 =	vld [tilespmem:$0x7AF0]  }
0x201: {  	v2 =	vadd.f32 v19, v2;
	v19 =	vld [tilespmem:$0x1FBE0]  }
0x202: {  	v4 =	vadd.f32 v27, v4;
	v27 =	vld [tilespmem:$0x1FC60]  }
0x203: {  	v52 =	vadd.f32 $0.0e+00, v52;
	v53 =	vadd.f32 $0.0e+00, v53;
	v62 =	vld [tilespmem:$0x1FCB0]  }
0x204: {  	v1 =	vadd.f32 v15, v1;
	v15 =	vadd.f32 $0.0e+00, v12;
	v12 =	vld [tilespmem:$0x1FCC0]  }
0x205: {  	v47 =	vadd.f32 v47, v52;
	v52 =	vld [tilespmem:$0x7E90]  }
0x206: {  	v16 =	vadd.f32 $0.0e+00, v16;
	v44 =	vadd.f32 v44, v53;
	v53 =	vld [tilespmem:$0x7F90]  }
0x207: {  	v7 =	vadd.f32 v30, v7;
	v30 =	vld [tilespmem:$0x1FC90]  }
0x208: {  	[tilespmem:$0x1FFF0] =	vst v6;
	v6 =	vadd.f32 v20, v16;
	v20 =	vld [tilespmem:$0x1FBF0]  }
0x209: {  	v4 =	vadd.f32 v35, v4;
	v35 =	vld [tilespmem:$0x7C00]  }
0x20a: {  	v1 =	vadd.f32 v24, v1;
	v24 =	vld [tilespmem:$0x1FC30]  }
0x20b: {  	v2 =	vadd.f32 v25, v2;
	v25 =	vld [tilespmem:$0x1FC40]  }
0x20c: {  	[tilespmem:$0x1FFE0] =	vst v5;
	v5 =	vadd.f32 v18, v15;
	v15 =	vld [tilespmem:$0x1FCF0]  }
0x20d: {  	v16 =	vld [tilespmem:$0x1FD00]  }
0x20e: {  	v18 =	vld [tilespmem:$0x1FD20]  }
0x20f: {  	v50 =	vadd.f32 $0.0e+00, v50;
	v0 =	vadd.f32 v11, v0;
	v11 =	vld [tilespmem:$0x7D80]  }
0x210: {  	[tilespmem:$0x1FFC0] =	vst v3;
	v48 =	vadd.f32 $0.0e+00, v48;
	v3 =	vadd.f32 $0.0e+00, v10;
	v10 =	vld [tilespmem:$0x7D90]  }
0x211: {  	v49 =	vadd.f32 $0.0e+00, v49;
	v42 =	vadd.f32 v42, v50;
	v50 =	vld [tilespmem:$0x7E60]  }
0x212: {  	v40 =	vadd.f32 v40, v48;
	v48 =	vld [tilespmem:$0x7EA0]  }
0x213: {  	v41 =	vadd.f32 v41, v49;
	v49 =	vld [tilespmem:$0x7F80]  }
0x214: {  	v2 =	vadd.f32 v33, v2;
	v33 =	vld [tilespmem:$0x7C20]  }
0x215: {  	v5 =	vadd.f32 v28, v5;
	v28 =	vld [tilespmem:$0x1FC70]  }
0x216: {  	v6 =	vadd.f32 v29, v6;
	v29 =	vld [tilespmem:$0x1FC80]  }
0x217: {  	v1 =	vadd.f32 v32, v1;
	v32 =	vld [tilespmem:$0x7C30]  }
0x218: {  	v3 =	vadd.f32 v21, v3;
	v21 =	vld [tilespmem:$0x1FC00]  }
0x219: {  	v0 =	vadd.f32 v23, v0;
	v23 =	vld [tilespmem:$0x1FC20]  }
0x21a: {  	v7 =	vadd.f32 v19, v7;
	v19 =	vld [tilespmem:$0x1FD30]  }
0x21b: {  	v6 =	vadd.f32 v37, v6;
	v37 =	vld [tilespmem:$0x7BE0]  }
0x21c: {  	v5 =	vadd.f32 v36, v5;
	v36 =	vld [tilespmem:$0x7BF0]  }
0x21d: {  	v2 =	vadd.f32 v22, v2;
	v22 =	vld [tilespmem:$0x1FD60]  }
0x21e: {  	v3 =	vadd.f32 v26, v3;
	v26 =	vld [tilespmem:$0x1FC50]  }
0x21f: {  	v0 =	vadd.f32 v31, v0;
	v31 =	vld [tilespmem:$0x1FCA0]  }
0x220: {  	v51 =	vadd.f32 $0.0e+00, v51;
	v7 =	vadd.f32 v27, v7;
	v27 =	vld [tilespmem:$0x7C80]  }
0x221: {  	v4 =	vadd.f32 v24, v4;
	v24 =	vld [tilespmem:$0x1FD80]  }
0x222: {  	v43 =	vadd.f32 v43, v51;
	v51 =	vld [tilespmem:$0x7E70]  }
0x223: {  	v35 =	vadd.f32 v35, v47;
	v47 =	vld [tilespmem:$0x7F70]  }
0x224: {  	v2 =	vadd.f32 v30, v2;
	v30 =	vld [tilespmem:$0x7C50]  }
0x225: {  	v5 =	vadd.f32 v25, v5;
	v25 =	vld [tilespmem:$0x7CA0]  }
0x226: {  	v3 =	vadd.f32 v34, v3;
	v34 =	vld [tilespmem:$0x7C10]  }
0x227: {  	v0 =	vadd.f32 v20, v0;
	v20 =	vld [tilespmem:$0x1FD40]  }
0x228: {  	v4 =	vadd.f32 v62, v4;
	v62 =	vld [tilespmem:$0x1FD90]  }
0x229: {  	v7 =	vadd.f32 v14, v7;
	v14 =	vld [tilespmem:$0x1FDC0];
	v33 =	vadd.f32 v33, v41  }
0x22a: {  	v32 =	vadd.f32 v32, v40;
	v40 =	vld [tilespmem:$0x7EE0];
	v3 =	vadd.f32 v23, v3  }
0x22b: {  	v5 =	vadd.f32 v12, v5;
	v2 =	vadd.f32 v17, v2;
	v12 =	vld [tilespmem:$0x1FDA0]  }
0x22c: {  	v41 =	vld [tilespmem:$0x8030];
	v1 =	vadd.f32 v21, v1;
	v3 =	vadd.f32 v31, v3  }
0x22d: {  	v6 =	vadd.f32 v26, v6;
	v2 =	vadd.f32 v62, v2;
	v62 =	vld [tilespmem:$0x1FE20]  }
0x22e: {  	v21 =	vld [tilespmem:$0x1FD50];
	v3 =	vadd.f32 v18, v3  }
0x22f: {  	v1 =	vadd.f32 v29, v1;
	v6 =	vadd.f32 v13, v6;
	v13 =	vld [tilespmem:$0x1FDB0]  }
0x230: {  	v18 =	vld [tilespmem:$0x1FE00];
	v3 =	vadd.f32 v12, v3  }
0x231: {  	v17 =	vld [tilespmem:$0x1FDF0];
	v1 =	vadd.f32 v16, v1  }
0x232: {  	v0 =	vadd.f32 v28, v0;
	v3 =	vadd.f32 v62, v3;
	v62 =	vld [tilespmem:$0x1FE80]  }
0x233: {  	v28 =	vld [tilespmem:$0x7C70];
	v4 =	vadd.f32 v19, v4;
	v1 =	vadd.f32 v24, v1  }
0x234: {  	v16 =	vld [tilespmem:$0x1FDE0]  }
0x235: {  	v4 =	vadd.f32 v13, v4;
	v13 =	vld [tilespmem:$0x1FE40];
	v1 =	vadd.f32 v18, v1  }
0x236: {  	v23 =	vld [tilespmem:$0x1FD70];
	v5 =	vadd.f32 v20, v5  }
0x237: {  	v1 =	vadd.f32 v62, v1;
	v62 =	vld [tilespmem:$0x1FEC0]  }
0x238: {  	v7 =	vadd.f32 v22, v7;
	v22 =	vld [tilespmem:$0x7CD0];
	v5 =	vadd.f32 v14, v5  }
0x239: {  	v0 =	vadd.f32 v15, v0;
	v12 =	vld [tilespmem:$0x1FE30]  }
0x23a: {  	v7 =	vadd.f32 v16, v7;
	v16 =	vld [tilespmem:$0x1FE70];
	v5 =	vadd.f32 v13, v5  }
0x23b: {  	v19 =	vld [tilespmem:$0x1FE10];
	v0 =	vadd.f32 v23, v0  }
0x23c: {  	v5 =	vadd.f32 v62, v5;
	v62 =	vld [tilespmem:$0x1FEF0]  }
0x23d: {  	v37 =	vadd.f32 v37, v42;
	v42 =	vld [tilespmem:$0x7ED0];
	v0 =	vadd.f32 v17, v0  }
0x23e: {  	v36 =	vadd.f32 v36, v43;
	v43 =	vld [tilespmem:$0x7F10]  }
0x23f: {  	v4 =	vadd.f32 v12, v4;
	v12 =	vld [tilespmem:$0x1FE90];
	v0 =	vadd.f32 v16, v0  }
0x240: {  	v29 =	vld [tilespmem:$0x7C60]  }
0x241: {  	v0 =	vadd.f32 v62, v0;
	v62 =	vld [tilespmem:$0x1FF10]  }
0x242: {  	v15 =	vld [tilespmem:$0x1FDD0];
	v2 =	vadd.f32 v19, v2  }
0x243: {  	v14 =	vld [tilespmem:$0x1FE50]  }
0x244: {  	v13 =	vld [tilespmem:$0x1FEA0];
	v2 =	vadd.f32 v12, v2  }
0x245: {  	v26 =	vld [tilespmem:$0x7C90];
	v6 =	vadd.f32 v21, v6  }
0x246: {  	v2 =	vadd.f32 v62, v2;
	v62 =	vld [tilespmem:$0x1FF20]  }
0x247: {  	v27 =	vadd.f32 v27, v35;
	v35 =	vld [tilespmem:$0x7FF0];
	v6 =	vadd.f32 v15, v6  }
0x248: {  	v31 =	vld [tilespmem:$0x7C40]  }
0x249: {  	v6 =	vadd.f32 v14, v6;
	v14 =	vld [tilespmem:$0x1FEB0];
	v3 =	vadd.f32 v13, v3  }
0x24a: {  	v25 =	vadd.f32 v25, v33;
	v33 =	vld [tilespmem:$0x7FE0]  }
0x24b: {  	v3 =	vadd.f32 v62, v3;
	v62 =	vld [tilespmem:$0x1FF30]  }
0x24c: {  	v20 =	vld [tilespmem:$0x7CF0]  }
0x24d: {  	v34 =	vadd.f32 v34, v44;
	v44 =	vld [tilespmem:$0x7F30]  }
0x24e: {  	v24 =	vld [tilespmem:$0x7CB0];
	v4 =	vadd.f32 v14, v4  }
0x24f: {  	v23 =	vld [tilespmem:$0x7CC0]  }
0x250: {  	v4 =	vadd.f32 v62, v4;
	v62 =	vld [tilespmem:$0x1FF40]  }
0x251: {  	v21 =	vld [tilespmem:$0x7CE0]  }
0x252: {  	v19 =	vld [tilespmem:$0x7D00]  }
0x253: {  	v12 =	vld [tilespmem:$0x1FED0]  }
0x254: {  	v28 =	vadd.f32 v28, v36;
	v36 =	vld [tilespmem:$0x8000]  }
0x255: {  	v5 =	vadd.f32 v62, v5;
	v62 =	vld [tilespmem:$0x1FF50]  }
0x256: {  	v15 =	vld [tilespmem:$0x1FE60]  }
0x257: {  	v29 =	vadd.f32 v29, v37;
	v37 =	vld [tilespmem:$0x8010]  }
0x258: {  	v13 =	vld [tilespmem:$0x1FEE0];
	v6 =	vadd.f32 v12, v6  }
0x259: {  	v17 =	vld [tilespmem:$0x7D20]  }
0x25a: {  	v6 =	vadd.f32 v62, v6;
	v62 =	vld [tilespmem:$0x1FF60]  }
0x25b: {  	v18 =	vld [tilespmem:$0x7D10];
	v7 =	vadd.f32 v15, v7  }
0x25c: {  	v24 =	vadd.f32 v24, v32;
	v32 =	vld [tilespmem:$0x7F20]  }
0x25d: {  	v15 =	vld [tilespmem:$0x7D40];
	v7 =	vadd.f32 v13, v7  }
0x25e: {  	v26 =	vadd.f32 v26, v34;
	v16 =	vld [tilespmem:$0x7D30]  }
0x25f: {  	v7 =	vadd.f32 v62, v7;
	v62 =	vld [tilespmem:$0x1FF70]  }
0x260: {  	v18 =	vadd.f32 v18, v26;
	v26 =	vld [tilespmem:$0x7F50]  }
0x261: {  	v14 =	vld [tilespmem:$0x7D50]  }
0x262: {  	v20 =	vadd.f32 v20, v28;
	v19 =	vadd.f32 v19, v27;
	v12 =	vld [tilespmem:$0x1FF00]  }
0x263: {  	v21 =	vadd.f32 v21, v29;
	v17 =	vadd.f32 v17, v25;
	v13 =	vld [tilespmem:$0x7D60]  }
0x264: {  	v11 =	vadd.f32 v11, v19;
	v0 =	vadd.f32 v62, v0;
	v62 =	vld [tilespmem:$0x1FF80]  }
0x265: {  	v9 =	vadd.f32 v9, v17;
	v4 =	vadd.f32 v61, v4;
	v61 =	vld [tilespmem:$0x1FFB0]  }
0x266: {  	v10 =	vadd.f32 v10, v18;
	v16 =	vadd.f32 v16, v24;
	v24 =	vld [tilespmem:$0x7F60]  }
0x267: {  	v1 =	vadd.f32 v12, v1;
	v0 =	vadd.f32 v59, v0;
	v59 =	vld [tilespmem:$0x7E10]  }
0x268: {  	v8 =	vadd.f32 v8, v16;
	v12 =	vld [tilespmem:$0x7D70];
	v13 =	vadd.f32 v13, v21  }
0x269: {  	v5 =	vadd.f32 v60, v5;
	v60 =	vld [tilespmem:$0x7DD0];
	v1 =	vadd.f32 v62, v1  }
0x26a: {  	v6 =	vadd.f32 v61, v6;
	v61 =	vadd.f32 $0.0e+00, v54;
	v62 =	vld [tilespmem:$0x1FF90]  }
0x26b: {  	v54 =	vld [tilespmem:$0x7E80];
	v7 =	vadd.f32 v63, v7;
	v1 =	vadd.f32 v58, v1  }
0x26c: {  	v63 =	vadd.f32 $0.0e+00, v55;
	v58 =	vld [tilespmem:$0x7DE0];
	v10 =	vadd.f32 v59, v10  }
0x26d: {  	v55 =	vld [tilespmem:$0x7FA0];
	v0 =	vadd.f32 v1, v0;
	v1 =	vadd.f32 v7, v6  }
0x26e: {  	v7 =	vld [tilespmem:$0x7E30];
	v6 =	vadd.f32 v46, v63;
	v10 =	vadd.f32 v52, v10  }
0x26f: {  	v12 =	vadd.f32 v12, v20;
	v2 =	vadd.f32 v62, v2;
	v62 =	vld [tilespmem:$0x1FFA0]  }
0x270: {  	v6 =	vadd.f32 v38, v6;
	v38 =	vld [tilespmem:$0x7EB0];
	v10 =	vadd.f32 v43, v10  }
0x271: {  	v46 =	vld [tilespmem:$0x7E50];
	v2 =	vadd.f32 v57, v2;
	v13 =	vadd.f32 v58, v13  }
0x272: {  	v57 =	vld [tilespmem:$0x7E00];
	v6 =	vadd.f32 v30, v6;
	v10 =	vadd.f32 v53, v10  }
0x273: {  	v63 =	vld [tilespmem:$0x7FD0];
	v7 =	vadd.f32 v7, v8;
	v13 =	vadd.f32 v50, v13  }
0x274: {  	v52 =	vld [tilespmem:$0x80F0];
	v3 =	vadd.f32 v62, v3;
	v6 =	vadd.f32 v22, v6  }
0x275: {  	v43 =	vld [tilespmem:$0x8050];
	v10 =	vadd.f32 v37, v10;
	v7 =	vadd.f32 v38, v7  }
0x276: {  	v30 =	vld [tilespmem:$0x7EF0];
	v13 =	vadd.f32 v40, v13;
	v3 =	vadd.f32 v56, v3  }
0x277: {  	v53 =	vld [tilespmem:$0x80B0];
	v6 =	vadd.f32 v14, v6;
	v11 =	vadd.f32 v57, v11  }
0x278: {  	v56 =	vld [tilespmem:$0x7DF0];
	v7 =	vadd.f32 v44, v7;
	v2 =	vadd.f32 v3, v2  }
0x279: {  	v44 =	vld [tilespmem:$0x8060];
	v3 =	vadd.f32 v5, v4;
	v4 =	vadd.f32 v45, v61  }
0x27a: {  	v13 =	vadd.f32 v24, v13;
	v5 =	vld [tilespmem:$0x7E20];
	v6 =	vadd.f32 v60, v6  }
0x27b: {  	v61 =	vld [tilespmem:$0x7FB0];
	v11 =	vadd.f32 v54, v11;
	v4 =	vadd.f32 v39, v4  }
0x27c: {  	v50 =	vld [tilespmem:$0x80D0];
	v8 =	vadd.f32 v33, v13;
	v6 =	vadd.f32 v46, v6  }
0x27d: {  	v62 =	vld [tilespmem:$0x7DC0];
	v12 =	vadd.f32 v56, v12;
	v4 =	vadd.f32 v31, v4  }
0x27e: {  	v38 =	vld [tilespmem:$0x8020];
	v6 =	vadd.f32 v42, v6;
	v8 =	vadd.f32 v44, v8  }
0x27f: {  	v31 =	vld [tilespmem:$0x7F00];
	v5 =	vadd.f32 v5, v9;
	v4 =	vadd.f32 v23, v4  }
0x280: {  	v45 =	vld [tilespmem:$0x7E40];
	v12 =	vadd.f32 v51, v12;
	v7 =	vadd.f32 v61, v7  }
0x281: {  	v39 =	vld [tilespmem:$0x7EC0];
	v6 =	vadd.f32 v26, v6;
	v4 =	vadd.f32 v15, v4  }
0x282: {  	v46 =	vld [tilespmem:$0x8080];
	v5 =	vadd.f32 v48, v5;
	v12 =	vadd.f32 v30, v12  }
0x283: {  	v51 =	vld [tilespmem:$0x80E0];
	v7 =	vadd.f32 v41, v7;
	v4 =	vadd.f32 v62, v4  }
0x284: {  	v23 =	vld [tilespmem:$0x7F40];
	v6 =	vadd.f32 v63, v6;
	v11 =	vadd.f32 v31, v11  }
0x285: {  	v42 =	vld [tilespmem:$0x8040];
	v5 =	vadd.f32 v32, v5;
	v4 =	vadd.f32 v45, v4  }
0x286: {  	v12 =	vadd.f32 v47, v12;
	v7 =	vadd.f32 v53, v7;
	v62 =	vld [tilespmem:$0x7FC0]  }
0x287: {  	v47 =	vld [tilespmem:$0x8090];
	v6 =	vadd.f32 v43, v6;
	v4 =	vadd.f32 v39, v4  }
0x288: {  	v8 =	vadd.f32 v51, v8;
	v11 =	vadd.f32 v49, v11;
	v45 =	vld [tilespmem:$0x8070]  }
0x289: {  	v48 =	vld [tilespmem:$0x80A0];
	v5 =	vadd.f32 v55, v5;
	v4 =	vadd.f32 v23, v4  }
0x28a: {  	v49 =	vld [tilespmem:$0x80C0];
	v9 =	vadd.f32 v35, v12;
	v6 =	vadd.f32 v50, v6  }
0x28b: {  	v11 =	vadd.f32 v36, v11;
	v4 =	vadd.f32 v62, v4  }
0x28c: {  	v59 =	vld [tilespmem:$0x1FFD0];
	v5 =	vadd.f32 v38, v5;
	v10 =	vadd.f32 v47, v10  }
0x28d: {  	v58 =	vld [tilespmem:$0x1FFC0];
	v9 =	vadd.f32 v45, v9;
	v4 =	vadd.f32 v42, v4  }
0x28e: {  	v60 =	vld [tilespmem:$0x1FFE0];
	v11 =	vadd.f32 v46, v11;
	v5 =	vadd.f32 v48, v5  }
0x28f: {  	v61 =	vld [tilespmem:$0x1FFF0];
	v9 =	vadd.f32 v52, v9;
	v4 =	vadd.f32 v49, v4  }
0x290: {  	v55 =	vadd.f32 v10, v11;
	v5 =	vadd.f32 v7, v5  }
0x291: {  	v54 =	vadd.f32 v9, v8;
	v4 =	vadd.f32 v6, v4  }
0x292: {  	s23 =	sadd.s32 $0x680, s23;
	s24 =	sadd.s32 @!p0 $0x2D8, s24;
	s26 =	simm.s32 @!p0 $0x7AC0;
	v0 =	vadd.f32 v2, v0;
	v1 =	vadd.f32 v1, v3  }
0x293: {  	[tilespmem:s26], [sflag:$0x4] =	stream.indirect.gather @!p0 [hbm4b:s3+s25], $0x10, s24, s25, $0xb8;
	v57 =	vadd.f32 v5, v55;
	v56 =	vadd.f32 v54, v4;
	[tilespmem:$0x8900] =	vst v63  }
0x294: {  	p0 =	sne.s32 s23, $0x1A000;
	v5 =	vadd.f32 v60, v61;
	v4 =	vadd.f32 v58, v59  }
.Ltmp0:
0x295: {  	v0 =	vadd.f32 v0, v1;
	v62 =	vadd.f32 v56, v57;
	(pc) =	sbr.rel @p0 .LBB2_2-.Ltmp0, $4  }
0x296: {  	v63 =	vadd.f32 v5, v4  }
0x297: {  	v0 =	vadd.f32 v62, v0  }
0x298: {  	[tilespmem:s22+$0xFFFFFFF0] =	vst v63  }
0x299: {  	[tilespmem:s22+$0x0] =	vst v0;
	s22 =	sadd.s32 $0x20, s22  }
0x29a: {  	s21 =	sadd.s32 $0x1, s21  }
0x29b: {  	p0 =	sne.s32 s21, s6  }
.Ltmp1:
0x29c: {  	_ = 	snop;
	(pc) =	sbr.rel @p0 .LBB2_1-.Ltmp1, $4  }
0x29d: {  	[hbm4b:s5+s2] =	stream.linear.scatter [tilespmem:s20], [sflag:$0x5], $0x800, $0x38;
	[tilespmem:$0x8900] =	vst v63  }
0x29e: {  	_ =	swait.ge [sflag:s7], $0x800  }
0x29f: {  	[sflag:s7] =	ssyncset.done $0x0  }
0x2a0: {  	[sflag:s7] =	ssyncadd.s32 $0xFFFFF800  }
0x2a1: {  	_ =	sfence.sel $0x180000  }
0x2a2: {  	[bflag:$0x0] =	sbarrier.arrive $0xFFFF  }
0x2a3: {  	p0 =	sne.s32 s1, $0x0;
	_ =	strace $0x90000047  }
0x2a4: {  	s0 =	sadd.s32 @!p0 $0x100000, s0;
	[bflag:$0x2] =	sbarrier.arrive $0xFFFF  }
0x2a5: {  	[sflag:s0] =	ssyncadd.tile.s32 @!p0 $0x1;
	_ =	shalt  }
.Lfunc_end2:
_tile_overlayer_lowered:
.L_overlay_start_2:
0x2a6: {  	(tag) =	ssettag $0x2  }
0x2a7: {  	s0 =	rddreg [dreg:$0x0];
	s2 =	stileid.u32  }
0x2a8: {  	s1 =	rddreg [dreg:$0x1];
	p0 =	sne.s32 s2, $0x0  }
0x2a9: {  	s3 =	rddreg [dreg:$0x2];
	[bflag:$0x3] =	sbarrier.arrive $0xFFFF;
	s2 =	simm.s32 @!p0 $0x1C05  }
0x2aa: {  	[timem:s3], [sflag:s2] =	dma.local @!p0 [hbm:s0], s1  }
0x2ab: {  	s0 =	simm.s32 @!p0 $0x5  }
0x2ac: {  	_ =	swait.ge @!p0 [sflag:s0], s1  }
0x2ad: {  	s1 =	ssub.s32 @!p0 $0x0, s1;
	[sflag:s0] =	ssyncset.done @!p0 $0x0  }
0x2ae: {  	[sflag:s0] =	ssyncadd.s32 @!p0 s1  }
0x2af: {  	[bflag:$0x3] =	sbarrier.arrive $0xFFFF  }
0x2b0: {  	_ =	shalt  }

</sc_bundles>
